<compile_context>
chip_gen: v7x
topology: tpu7x:2x2x1
jax: 0.10.2.dev20260603
libtpu: 0.0.44.dev20260713+nightly
codegen_flags: <defaults>
</compile_context>

<pallas_src>
import jax
import jax.numpy as jnp
from jax import lax
from jax.experimental import pallas as pl
from jax.experimental.pallas import tpu as pltpu
from jax.experimental.pallas import tpu_sc as plsc

W = 128
H = 128
GRID = W * H
K = 64
NSUB = 16
STRIDE = 8.0
ALPHA = 0.25
EPS = 1e-8
BIG_I32 = 2 ** 30


def _it16():
    return lax.iota(jnp.int32, 16)


def _sc_body(obb_hbm, lab_hbm, cls_hbm, repi_hbm, repr_hbm, out_hbm,
             obb_v, lab_v, prm_v, pub_v,
             shr_pub, pba_v, mdf_v, mif_v,
             idx_v, cidx_v, gi_v, gr_v, gz_v, fin_v,
             sem1, sem2, sem3):
    s = lax.axis_index("s")
    it = _it16()

    c_obb = pltpu.async_copy(obb_hbm, obb_v, sem1)
    c_lab = pltpu.async_copy(lab_hbm, lab_v, sem2)
    c_obb.wait()

    for g in range(4):
        row8 = (g * 16 + it) * 8
        cols = [plsc.load_gather(obb_v, [row8 + c]) for c in range(8)]
        bx0 = jnp.minimum(jnp.minimum(cols[0], cols[2]),
                          jnp.minimum(cols[4], cols[6]))
        bx1 = jnp.maximum(jnp.maximum(cols[0], cols[2]),
                          jnp.maximum(cols[4], cols[6]))
        by0 = jnp.minimum(jnp.minimum(cols[1], cols[3]),
                          jnp.minimum(cols[5], cols[7]))
        by1 = jnp.maximum(jnp.maximum(cols[1], cols[3]),
                          jnp.maximum(cols[5], cols[7]))
        gx = (bx0 + bx1) * 0.5
        gy = (by0 + by1) * 0.5
        iw = 1.0 / jnp.maximum(bx1 - bx0, 1e-6)
        ih = 1.0 / jnp.maximum(by1 - by0, 1e-6)
        for r, v in enumerate((gx, gy, iw, ih, bx0, by0, bx1, by1)):
            prm_v[pl.ds(r * 64 + g * 16, 16)] = v
    c_lab.wait()

    def _pbcast(r, gt):
        return plsc.load_gather(
            prm_v, [jnp.full((16,), r * 64, jnp.int32) + gt])

    itf = it.astype(jnp.float32)
    coords = [jnp.full((16,), j * 16 * STRIDE, jnp.float32) + itf * STRIDE
              for j in range(8)]

    def axis_argmin(ctr, inv):
        bestv = bestj = None
        for j in range(8):
            d = (coords[j] - ctr) * inv
            f = d * d
            if j == 0:
                bestv, bestj = f, jnp.zeros((16,), jnp.int32)
            else:
                lt = f < bestv
                bestv = jnp.where(lt, f, bestv)
                bestj = jnp.where(lt, jnp.full((16,), j, jnp.int32), bestj)
        vmin = jnp.min(bestv)
        sel = jnp.where(bestv == vmin, bestj * 16 + it,
                        jnp.full((16,), BIG_I32, jnp.int32))
        return vmin, jnp.min(sel)

    mdl = jnp.zeros((16,), jnp.float32)
    mil = jnp.zeros((16,), jnp.int32)
    for k in range(4):
        gt = s * 4 + k
        fmin, wi = axis_argmin(_pbcast(0, gt), _pbcast(2, gt))
        gmin, hi = axis_argmin(_pbcast(1, gt), _pbcast(3, gt))
        md = fmin + gmin
        mi = wi * 128 + hi
        mdl = jnp.where(it == k, md, mdl)
        mil = jnp.where(it == k, mi, mil)
    pub_v[pl.ds(0, 16)] = mdl
    pub_v[pl.ds(16, 16)] = plsc.bitcast(mil, jnp.float32)
    pltpu.sync_copy(pub_v, shr_pub.at[pl.ds(s * 32, 32)])
    plsc.subcore_barrier()

    @pl.when(s < 4)
    def _group_finalize():
        pltpu.sync_copy(shr_pub, pba_v)
        for g in range(4):
            gvec = g * 16 + it
            pos = ((gvec >> 2) << 5) + (gvec & 3)
            mdf_v[pl.ds(g * 16, 16)] = plsc.load_gather(pba_v, [pos])
            mif_v[pl.ds(g * 16, 16)] = plsc.bitcast(
                plsc.load_gather(pba_v, [pos + 16]), jnp.int32)
        gsl = pl.ds(s * 16, 16)
        mdg = mdf_v[gsl]
        mig = mif_v[gsl]

        for c in range(18):
            idx_v[pl.ds(c * 16, 16)] = mig + c * GRID
        cidx_v[...] = lab_v[gsl] * GRID + mig
        copies = []
        for kk in range(3):
            sl = pl.ds(kk * 96, 96)
            copies.append(pltpu.async_copy(
                repi_hbm.at[idx_v.at[sl]], gi_v.at[sl], sem1))
            copies.append(pltpu.async_copy(
                repr_hbm.at[idx_v.at[sl]], gr_v.at[sl], sem2))
        copies.append(pltpu.async_copy(cls_hbm.at[cidx_v], gz_v, sem3))

        ivec = s * 16 + it

        def lose_it(j, lose):
            for u in range(4):
                jv = jnp.full((16,), j * 4 + u, jnp.int32)
                mdj = plsc.load_gather(mdf_v, [jv])
                mij = plsc.load_gather(mif_v, [jv])
                beat = (mij == mig) & (
                    (mdj < mdg) | ((mdj == mdg) & (jv < ivec)))
                lose = lose | beat
            return lose

        lose = lax.fori_loop(0, K // 4, lose_it, jnp.zeros((16,), jnp.bool_))
        win = ~lose
        winf = jnp.where(win, 1.0, 0.0).astype(jnp.float32)
        npos = jnp.sum(winf)

        for cp in copies:
            cp.wait()

        cxp = (mig >> 7).astype(jnp.float32) * STRIDE
        cyp = (mig & 127).astype(jnp.float32) * STRIDE
        bx0 = prm_v[pl.ds(4 * 64 + s * 16, 16)]
        by0 = prm_v[pl.ds(5 * 64 + s * 16, 16)]
        bx1 = prm_v[pl.ds(6 * 64 + s * 16, 16)]
        by1 = prm_v[pl.ds(7 * 64 + s * 16, 16)]

        def loc_sc(gat):
            pmnx = pmxx = pmny = pmxy = None
            oob = jnp.zeros((16,), jnp.float32)
            for p in range(9):
                px = gat[pl.ds((2 * p) * 16, 16)] * STRIDE + cxp
                py = gat[pl.ds((2 * p + 1) * 16, 16)] * STRIDE + cyp
                if p == 0:
                    pmnx = pmxx = px
                    pmny = pmxy = py
                else:
                    pmnx = jnp.minimum(pmnx, px)
                    pmxx = jnp.maximum(pmxx, px)
                    pmny = jnp.minimum(pmny, py)
                    pmxy = jnp.maximum(pmxy, py)
                oob = (oob + jnp.maximum(bx0 - px, 0.0)
                       + jnp.maximum(px - bx1, 0.0)
                       + jnp.maximum(by0 - py, 0.0)
                       + jnp.maximum(py - by1, 0.0))
            l1 = (jnp.abs(pmnx - bx0) + jnp.abs(pmny - by0)
                  + jnp.abs(pmxx - bx1) + jnp.abs(pmxy - by1))
            locs = jnp.sum(jnp.where(win, l1, 0.0))
            scs = jnp.sum(jnp.where(win, oob / 9.0, 0.0))
            return locs, scs

        loci, sci = loc_sc(gi_v)
        locr, scr = loc_sc(gr_v)

        sv = jnp.where(it == 0, loci, 0.0)
        sv = jnp.where(it == 1, sci, sv)
        sv = jnp.where(it == 2, locr, sv)
        sv = jnp.where(it == 3, scr, sv)
        sv = jnp.where(it == 4, npos, sv)
        fin_v[pl.ds(0, 16)] = gz_v[...]
        fin_v[pl.ds(16, 16)] = winf
        fin_v[pl.ds(32, 16)] = sv
        fin_v[pl.ds(48, 16)] = jnp.zeros((16,), jnp.float32)
        outs = []
        for q in range(4):
            outs.append(pltpu.async_copy(
                fin_v.at[pl.ds(q * 16, 16)],
                out_hbm.at[pl.ds(q * 64 + s * 16, 16)], sem3))
        for cp in outs:
            cp.wait()


def _make_sc_assign():
    return pl.kernel(
        _sc_body,
        out_type=jax.ShapeDtypeStruct((256,), jnp.float32),
        mesh=plsc.VectorSubcoreMesh(
            core_axis_name="c", subcore_axis_name="s", num_cores=1,
            num_subcores=NSUB),
        compiler_params=pltpu.CompilerParams(needs_layout_passes=False),
        scratch_types=[
            pltpu.VMEM((K * 8,), jnp.float32),
            pltpu.VMEM((K,), jnp.int32),
            pltpu.VMEM((8 * K,), jnp.float32),
            pltpu.VMEM((32,), jnp.float32),
            pltpu.VMEM_SHARED((NSUB * 32,), jnp.float32),
            pltpu.VMEM((NSUB * 32,), jnp.float32),
            pltpu.VMEM((K,), jnp.float32),
            pltpu.VMEM((K,), jnp.int32),
            pltpu.VMEM((288,), jnp.int32),
            pltpu.VMEM((16,), jnp.int32),
            pltpu.VMEM((288,), jnp.float32),
            pltpu.VMEM((288,), jnp.float32),
            pltpu.VMEM((16,), jnp.float32),
            pltpu.VMEM((64,), jnp.float32),
            pltpu.SemaphoreType.DMA,
            pltpu.SemaphoreType.DMA,
            pltpu.SemaphoreType.DMA,
        ],
    )


def _tc_body(cls_ref, sum_ref, out_ref):
    x = cls_ref[...]
    p = jax.nn.sigmoid(x)
    bg = -(1.0 - ALPHA) * (p * p) * jnp.log(1.0 - p + EPS)
    total_bg = jnp.sum(bg)
    srow = sum_ref[...]
    z = srow[0:64]
    wn = srow[64:128]
    scal = (srow[128:144] + srow[144:160] + srow[160:176] + srow[176:192])
    pz = jax.nn.sigmoid(z)
    corr = wn * (-ALPHA * (1.0 - pz) * (1.0 - pz) * jnp.log(pz + EPS)
                 + (1.0 - ALPHA) * pz * pz * jnp.log(1.0 - pz + EPS))
    npos = jnp.maximum(scal[4], 1.0)
    cls_loss = (total_bg + jnp.sum(corr)) / npos
    total = (cls_loss + 0.3 * (scal[0] / npos) + 0.05 * (scal[1] / npos)
             + 1.0 * (scal[2] / npos) + 0.1 * (scal[3] / npos))
    out_ref[...] = jnp.reshape(total, (1, 1))


def _make_tc_combine():
    return pl.pallas_call(
        _tc_body,
        out_shape=jax.ShapeDtypeStruct((1, 1), jnp.float32),
    )


def kernel(rep_points_init, rep_points_refine, classification, gt_obboxes,
           gt_labels):
    summary = _make_sc_assign()(
        gt_obboxes.reshape(-1),
        gt_labels.astype(jnp.int32),
        classification.reshape(-1),
        rep_points_init.reshape(-1),
        rep_points_refine.reshape(-1),
    )
    total = _make_tc_combine()(classification, summary)
    return total[0, 0]

# --- scband reference (transcript-rebuilt; emitter-appended) ---
"""Pipeline reference for scband-oriented-rep-points-loss-52871047414161 (READ-ONLY COPY).

The authoritative reference and input builder live on the scoring server;
editing this copy changes nothing except your own understanding.
"""

import jax, jax.numpy as jnp
import numpy as np

STRIDE = 8
NUM_CLASSES = 15
B, W, H = 2, 128, 128
K = 64


def setup_inputs(seed: int = 0) -> dict:
    key = jax.random.key(seed)
    k1, k2, k3, k4, k5 = jax.random.split(key, 5)
    rep_points_init = jax.random.normal(k1, (B, 18, W, H), dtype=jnp.float32)
    rep_points_refine = jax.random.normal(k2, (B, 18, W, H), dtype=jnp.float32)
    classification = jax.random.normal(k3, (B, NUM_CLASSES, W, H), dtype=jnp.float32)
    gt_obboxes = jax.random.uniform(k4, (K, 8), dtype=jnp.float32) * 1024.0
    gt_labels = jax.random.randint(k5, (K,), 0, NUM_CLASSES)
    return {
        'rep_points_init': rep_points_init,
        'rep_points_refine': rep_points_refine,
        'classification': classification,
        'gt_obboxes': gt_obboxes,
        'gt_labels': gt_labels,
    }


def _flatten(t):
    # rearrange 'b c w h -> (b w h) c'
    b, c, w, h = t.shape
    return jnp.transpose(t, (0, 2, 3, 1)).reshape(-1, c)


def _centers(b, w, h, stride):
    xs = jnp.arange(w, dtype=jnp.float32) * stride
    ys = jnp.arange(h, dtype=jnp.float32) * stride
    xx = jnp.repeat(xs[:, None], h, axis=1)
    yy = jnp.repeat(ys[None, :], w, axis=0)
    c = jnp.stack([xx, yy], axis=-1).reshape(-1, 2)
    return jnp.tile(c, (b, 1))


def _forward(rep_points_init, rep_points_refine, classification, gt_obboxes, gt_labels):
    pts_i = _flatten(rep_points_init)
    pts_r = _flatten(rep_points_refine)
    cls = _flatten(classification)
    centers = _centers(B, W, H, STRIDE)
    n = centers.shape[0]
    k = gt_obboxes.shape[0]
    # OBB -> axis-aligned bbox (assigner)
    gxs = gt_obboxes[:, 0::2]
    gys = gt_obboxes[:, 1::2]
    gt_bboxes = jnp.stack([gxs.min(1), gys.min(1), gxs.max(1), gys.max(1)], axis=1)
    gt_xy = (gt_bboxes[:, :2] + gt_bboxes[:, 2:]) / 2.0
    gt_wh = jnp.clip(gt_bboxes[:, 2:] - gt_bboxes[:, :2], 1e-6)
    # single pyramid level -> level filter passes all points
    diff = (centers[None, :, :] - gt_xy[:, None, :]) / gt_wh[:, None, :]
    dist = jax.lax.stop_gradient(jnp.linalg.norm(diff, axis=-1))  # [K, N]
    # sequential OBBPointAssigner loop (pos_num=1)
    def body(i, state):
        inds, dd = state
        d = dist[i]
        mi = jnp.argmin(d)
        md = d[mi]
        better = md < dd[mi]
        inds = inds.at[mi].set(jnp.where(better, i + 1, inds[mi]))
        dd = dd.at[mi].set(jnp.where(better, md, dd[mi]))
        return inds, dd
    inds0 = jnp.zeros((n,), dtype=jnp.int32)
    dd0 = jnp.full((n,), jnp.inf, dtype=jnp.float32)
    assigned_inds, _ = jax.lax.fori_loop(0, k, body, (inds0, dd0))
    pos = assigned_inds > 0
    gi = jnp.clip(assigned_inds - 1, 0)
    labels = jnp.where(pos, gt_labels[gi], -1)
    tgt = jax.nn.one_hot(labels, NUM_CLASSES, dtype=jnp.float32)
    # sigmoid focal classification loss
    p = jax.nn.sigmoid(cls)
    alpha, gamma, eps = 0.25, 2.0, 1e-8
    fl = -(alpha * ((1.0 - p) ** gamma) * tgt * jnp.log(p + eps)
           + (1.0 - alpha) * (p ** gamma) * (1.0 - tgt) * jnp.log(1.0 - p + eps))
    num_pos = jnp.maximum(pos.sum().astype(jnp.float32), 1.0)
    cls_loss = fl.sum() / num_pos
    gt_box_per_pt = gt_bboxes[gi]  # [N, 4]
    def loc_and_sc(pts):
        pp = pts.reshape(n, 9, 2) * STRIDE + centers[:, None, :]
        pmin = pp.min(1)
        pmax = pp.max(1)
        pred_box = jnp.concatenate([pmin, pmax], axis=1)
        l1 = jnp.abs(pred_box - gt_box_per_pt).sum(1)
        loc = jnp.where(pos, l1, 0.0).sum() / num_pos
        oob = (jax.nn.relu(gt_box_per_pt[:, None, 0] - pp[:, :, 0])
               + jax.nn.relu(pp[:, :, 0] - gt_box_per_pt[:, None, 2])
               + jax.nn.relu(gt_box_per_pt[:, None, 1] - pp[:, :, 1])
               + jax.nn.relu(pp[:, :, 1] - gt_box_per_pt[:, None, 3])).mean(1)
        sc = jnp.where(pos, oob, 0.0).sum() / num_pos
        return loc, sc
    loc_i, sc_i = loc_and_sc(pts_i)
    loc_r, sc_r = loc_and_sc(pts_r)
    total = 1.0 * cls_loss + 0.3 * loc_i + 1.0 * loc_r + 0.05 * sc_i + 0.1 * sc_r
    return total


def reference(rep_points_init, rep_points_refine, classification, gt_obboxes, gt_labels):
    return _forward(rep_points_init, rep_points_refine, classification, gt_obboxes, gt_labels)

if __name__ == "__main__":
    import jax
    _d = setup_inputs()
    print(jax.jit(kernel)(*tuple(_d.values())))

</pallas_src>

<mosaic_0001>
#map = affine_map<(d0, d1) -> (0)>
module attributes {stable_mosaic.version = 14 : i64} {
  func.func @_sc_body(%arg0: i32, %arg1: i32, %arg2: memref<512xf32, #tpu.memory_space<hbm>>, %arg3: memref<64xi32, #tpu.memory_space<hbm>>, %arg4: memref<491520xf32, #tpu.memory_space<hbm>>, %arg5: memref<589824xf32, #tpu.memory_space<hbm>>, %arg6: memref<589824xf32, #tpu.memory_space<hbm>>, %arg7: memref<256xf32, #tpu.memory_space<hbm>>, %arg8: memref<512xf32, #tpu.memory_space<vmem>>, %arg9: memref<64xi32, #tpu.memory_space<vmem>>, %arg10: memref<512xf32, #tpu.memory_space<vmem>>, %arg11: memref<32xf32, #tpu.memory_space<vmem>>, %arg12: memref<512xf32, #tpu.memory_space<vmem_shared>>, %arg13: memref<512xf32, #tpu.memory_space<vmem>>, %arg14: memref<64xf32, #tpu.memory_space<vmem>>, %arg15: memref<64xi32, #tpu.memory_space<vmem>>, %arg16: memref<288xi32, #tpu.memory_space<vmem>>, %arg17: memref<16xi32, #tpu.memory_space<vmem>>, %arg18: memref<288xf32, #tpu.memory_space<vmem>>, %arg19: memref<288xf32, #tpu.memory_space<vmem>>, %arg20: memref<16xf32, #tpu.memory_space<vmem>>, %arg21: memref<64xf32, #tpu.memory_space<vmem>>, %arg22: memref<!tpu.dma_semaphore, #tpu.memory_space<semaphore_mem>>, %arg23: memref<!tpu.dma_semaphore, #tpu.memory_space<semaphore_mem>>, %arg24: memref<!tpu.dma_semaphore, #tpu.memory_space<semaphore_mem>>) attributes {dimension_semantics = [#tpu.dimension_semantics<core_parallel>, #tpu.dimension_semantics<subcore_parallel>], iteration_bounds = array<i64: 1, 16>, scalar_prefetch = 0 : i64, scratch_operands = 17 : i64, tpu.core_type = #tpu.core_type<sc_vector_subcore>, window_params = [{transform_indices = #map}, {transform_indices = #map}, {transform_indices = #map}, {transform_indices = #map}, {transform_indices = #map}, {transform_indices = #map}]} {
    %iota3A = tpu.iota {dimensions = array<i32: 0>} : vector<16xi32>
    tpu.enqueue_dma source(%arg2 : memref<512xf32, #tpu.memory_space<hbm>>) target(%arg8 : memref<512xf32, #tpu.memory_space<vmem>>) target_semaphore(%arg22 : memref<!tpu.dma_semaphore, #tpu.memory_space<semaphore_mem>>)
    tpu.enqueue_dma source(%arg3 : memref<64xi32, #tpu.memory_space<hbm>>) target(%arg9 : memref<64xi32, #tpu.memory_space<vmem>>) target_semaphore(%arg23 : memref<!tpu.dma_semaphore, #tpu.memory_space<semaphore_mem>>)
    tpu.wait_dma2 semaphore(%arg22 : memref<!tpu.dma_semaphore, #tpu.memory_space<semaphore_mem>>) src(%arg2 : memref<512xf32, #tpu.memory_space<hbm>>) dst(%arg8 : memref<512xf32, #tpu.memory_space<vmem>>)
    %add3A = arith.constant 0 : i32
    %add3A_0 = vector.broadcast %add3A : i32 to vector<16xi32>
    %add3A_1 = arith.addi %add3A_0, %iota3A : vector<16xi32>
    %mul3A = arith.constant 8 : i32
    %mul3A_2 = vector.broadcast %mul3A : i32 to vector<16xi32>
    %mul3A_3 = arith.muli %add3A_1, %mul3A_2 : vector<16xi32>
    %add3A_4 = arith.constant 0 : i32
    %add3A_5 = vector.broadcast %add3A_4 : i32 to vector<16xi32>
    %add3A_6 = arith.addi %mul3A_3, %add3A_5 : vector<16xi32>
    %gather3A = tpu.vector_load_idx %arg8[%add3A_6] : memref<512xf32, #tpu.memory_space<vmem>>[vector<16xi32>], vector<16xf32>,
    %add3A_7 = arith.constant 1 : i32
    %add3A_8 = vector.broadcast %add3A_7 : i32 to vector<16xi32>
    %add3A_9 = arith.addi %mul3A_3, %add3A_8 : vector<16xi32>
    %gather3A_10 = tpu.vector_load_idx %arg8[%add3A_9] : memref<512xf32, #tpu.memory_space<vmem>>[vector<16xi32>], vector<16xf32>,
    %add3A_11 = arith.constant 2 : i32
    %add3A_12 = vector.broadcast %add3A_11 : i32 to vector<16xi32>
    %add3A_13 = arith.addi %mul3A_3, %add3A_12 : vector<16xi32>
    %gather3A_14 = tpu.vector_load_idx %arg8[%add3A_13] : memref<512xf32, #tpu.memory_space<vmem>>[vector<16xi32>], vector<16xf32>,
    %add3A_15 = arith.constant 3 : i32
    %add3A_16 = vector.broadcast %add3A_15 : i32 to vector<16xi32>
    %add3A_17 = arith.addi %mul3A_3, %add3A_16 : vector<16xi32>
    %gather3A_18 = tpu.vector_load_idx %arg8[%add3A_17] : memref<512xf32, #tpu.memory_space<vmem>>[vector<16xi32>], vector<16xf32>,
    %add3A_19 = arith.constant 4 : i32
    %add3A_20 = vector.broadcast %add3A_19 : i32 to vector<16xi32>
    %add3A_21 = arith.addi %mul3A_3, %add3A_20 : vector<16xi32>
    %gather3A_22 = tpu.vector_load_idx %arg8[%add3A_21] : memref<512xf32, #tpu.memory_space<vmem>>[vector<16xi32>], vector<16xf32>,
    %add3A_23 = arith.constant 5 : i32
    %add3A_24 = vector.broadcast %add3A_23 : i32 to vector<16xi32>
    %add3A_25 = arith.addi %mul3A_3, %add3A_24 : vector<16xi32>
    %gather3A_26 = tpu.vector_load_idx %arg8[%add3A_25] : memref<512xf32, #tpu.memory_space<vmem>>[vector<16xi32>], vector<16xf32>,
    %add3A_27 = arith.constant 6 : i32
    %add3A_28 = vector.broadcast %add3A_27 : i32 to vector<16xi32>
    %add3A_29 = arith.addi %mul3A_3, %add3A_28 : vector<16xi32>
    %gather3A_30 = tpu.vector_load_idx %arg8[%add3A_29] : memref<512xf32, #tpu.memory_space<vmem>>[vector<16xi32>], vector<16xf32>,
    %add3A_31 = arith.constant 7 : i32
    %add3A_32 = vector.broadcast %add3A_31 : i32 to vector<16xi32>
    %add3A_33 = arith.addi %mul3A_3, %add3A_32 : vector<16xi32>
    %gather3A_34 = tpu.vector_load_idx %arg8[%add3A_33] : memref<512xf32, #tpu.memory_space<vmem>>[vector<16xi32>], vector<16xf32>,
    %min3A = arith.minimumf %gather3A, %gather3A_14 : vector<16xf32>
    %min3A_35 = arith.minimumf %gather3A_22, %gather3A_30 : vector<16xf32>
    %min3A_36 = arith.minimumf %min3A, %min3A_35 : vector<16xf32>
    %max3A = arith.maximumf %gather3A, %gather3A_14 : vector<16xf32>
    %max3A_37 = arith.maximumf %gather3A_22, %gather3A_30 : vector<16xf32>
    %max3A_38 = arith.maximumf %max3A, %max3A_37 : vector<16xf32>
    %min3A_39 = arith.minimumf %gather3A_10, %gather3A_18 : vector<16xf32>
    %min3A_40 = arith.minimumf %gather3A_26, %gather3A_34 : vector<16xf32>
    %min3A_41 = arith.minimumf %min3A_39, %min3A_40 : vector<16xf32>
    %max3A_42 = arith.maximumf %gather3A_10, %gather3A_18 : vector<16xf32>
    %max3A_43 = arith.maximumf %gather3A_26, %gather3A_34 : vector<16xf32>
    %max3A_44 = arith.maximumf %max3A_42, %max3A_43 : vector<16xf32>
    %add3A_45 = arith.addf %min3A_36, %max3A_38 : vector<16xf32>
    %mul3A_46 = arith.constant 5.000000e-01 : f32
    %mul3A_47 = vector.broadcast %mul3A_46 : f32 to vector<16xf32>
    %mul3A_48 = arith.mulf %add3A_45, %mul3A_47 : vector<16xf32>
    %add3A_49 = arith.addf %min3A_41, %max3A_44 : vector<16xf32>
    %mul3A_50 = arith.constant 5.000000e-01 : f32
    %mul3A_51 = vector.broadcast %mul3A_50 : f32 to vector<16xf32>
    %mul3A_52 = arith.mulf %add3A_49, %mul3A_51 : vector<16xf32>
    %sub3A = arith.subf %max3A_38, %min3A_36 : vector<16xf32>
    %max3A_53 = arith.constant 9.99999997E-7 : f32
    %max3A_54 = vector.broadcast %max3A_53 : f32 to vector<16xf32>
    %max3A_55 = arith.maximumf %sub3A, %max3A_54 : vector<16xf32>
    %div3A = arith.constant 1.000000e+00 : f32
    %div3A_56 = vector.broadcast %div3A : f32 to vector<16xf32>
    %div3A_57 = arith.divf %div3A_56, %max3A_55 : vector<16xf32>
    %sub3A_58 = arith.subf %max3A_44, %min3A_41 : vector<16xf32>
    %max3A_59 = arith.constant 9.99999997E-7 : f32
    %max3A_60 = vector.broadcast %max3A_59 : f32 to vector<16xf32>
    %max3A_61 = arith.maximumf %sub3A_58, %max3A_60 : vector<16xf32>
    %div3A_62 = arith.constant 1.000000e+00 : f32
    %div3A_63 = vector.broadcast %div3A_62 : f32 to vector<16xf32>
    %div3A_64 = arith.divf %div3A_63, %max3A_61 : vector<16xf32>
    %swap3A = arith.constant 0 : index
    %swap3A_65 = tpu.vector_load %arg10[%swap3A] {strides = array<i32>} : memref<512xf32, #tpu.memory_space<vmem>>, vector<16xf32>,
    tpu.vector_store %arg10[%swap3A], %mul3A_48 {strides = array<i32>} : memref<512xf32, #tpu.memory_space<vmem>>, vector<16xf32>,
    %swap3A_66 = arith.constant 64 : index
    %swap3A_67 = tpu.vector_load %arg10[%swap3A_66] {strides = array<i32>} : memref<512xf32, #tpu.memory_space<vmem>>, vector<16xf32>,
    tpu.vector_store %arg10[%swap3A_66], %mul3A_52 {strides = array<i32>} : memref<512xf32, #tpu.memory_space<vmem>>, vector<16xf32>,
    %swap3A_68 = arith.constant 128 : index
    %swap3A_69 = tpu.vector_load %arg10[%swap3A_68] {strides = array<i32>} : memref<512xf32, #tpu.memory_space<vmem>>, vector<16xf32>,
    tpu.vector_store %arg10[%swap3A_68], %div3A_57 {strides = array<i32>} : memref<512xf32, #tpu.memory_space<vmem>>, vector<16xf32>,
    %swap3A_70 = arith.constant 192 : index
    %swap3A_71 = tpu.vector_load %arg10[%swap3A_70] {strides = array<i32>} : memref<512xf32, #tpu.memory_space<vmem>>, vector<16xf32>,
    tpu.vector_store %arg10[%swap3A_70], %div3A_64 {strides = array<i32>} : memref<512xf32, #tpu.memory_space<vmem>>, vector<16xf32>,
    %swap3A_72 = arith.constant 256 : index
    %swap3A_73 = tpu.vector_load %arg10[%swap3A_72] {strides = array<i32>} : memref<512xf32, #tpu.memory_space<vmem>>, vector<16xf32>,
    tpu.vector_store %arg10[%swap3A_72], %min3A_36 {strides = array<i32>} : memref<512xf32, #tpu.memory_space<vmem>>, vector<16xf32>,
    %swap3A_74 = arith.constant 320 : index
    %swap3A_75 = tpu.vector_load %arg10[%swap3A_74] {strides = array<i32>} : memref<512xf32, #tpu.memory_space<vmem>>, vector<16xf32>,
    tpu.vector_store %arg10[%swap3A_74], %min3A_41 {strides = array<i32>} : memref<512xf32, #tpu.memory_space<vmem>>, vector<16xf32>,
    %swap3A_76 = arith.constant 384 : index
    %swap3A_77 = tpu.vector_load %arg10[%swap3A_76] {strides = array<i32>} : memref<512xf32, #tpu.memory_space<vmem>>, vector<16xf32>,
    tpu.vector_store %arg10[%swap3A_76], %max3A_38 {strides = array<i32>} : memref<512xf32, #tpu.memory_space<vmem>>, vector<16xf32>,
    %swap3A_78 = arith.constant 448 : index
    %swap3A_79 = tpu.vector_load %arg10[%swap3A_78] {strides = array<i32>} : memref<512xf32, #tpu.memory_space<vmem>>, vector<16xf32>,
    tpu.vector_store %arg10[%swap3A_78], %max3A_44 {strides = array<i32>} : memref<512xf32, #tpu.memory_space<vmem>>, vector<16xf32>,
    %add3A_80 = arith.constant 16 : i32
    %add3A_81 = vector.broadcast %add3A_80 : i32 to vector<16xi32>
    %add3A_82 = arith.addi %add3A_81, %iota3A : vector<16xi32>
    %mul3A_83 = arith.constant 8 : i32
    %mul3A_84 = vector.broadcast %mul3A_83 : i32 to vector<16xi32>
    %mul3A_85 = arith.muli %add3A_82, %mul3A_84 : vector<16xi32>
    %add3A_86 = arith.constant 0 : i32
    %add3A_87 = vector.broadcast %add3A_86 : i32 to vector<16xi32>
    %add3A_88 = arith.addi %mul3A_85, %add3A_87 : vector<16xi32>
    %gather3A_89 = tpu.vector_load_idx %arg8[%add3A_88] : memref<512xf32, #tpu.memory_space<vmem>>[vector<16xi32>], vector<16xf32>,
    %add3A_90 = arith.constant 1 : i32
    %add3A_91 = vector.broadcast %add3A_90 : i32 to vector<16xi32>
    %add3A_92 = arith.addi %mul3A_85, %add3A_91 : vector<16xi32>
    %gather3A_93 = tpu.vector_load_idx %arg8[%add3A_92] : memref<512xf32, #tpu.memory_space<vmem>>[vector<16xi32>], vector<16xf32>,
    %add3A_94 = arith.constant 2 : i32
    %add3A_95 = vector.broadcast %add3A_94 : i32 to vector<16xi32>
    %add3A_96 = arith.addi %mul3A_85, %add3A_95 : vector<16xi32>
    %gather3A_97 = tpu.vector_load_idx %arg8[%add3A_96] : memref<512xf32, #tpu.memory_space<vmem>>[vector<16xi32>], vector<16xf32>,
    %add3A_98 = arith.constant 3 : i32
    %add3A_99 = vector.broadcast %add3A_98 : i32 to vector<16xi32>
    %add3A_100 = arith.addi %mul3A_85, %add3A_99 : vector<16xi32>
    %gather3A_101 = tpu.vector_load_idx %arg8[%add3A_100] : memref<512xf32, #tpu.memory_space<vmem>>[vector<16xi32>], vector<16xf32>,
    %add3A_102 = arith.constant 4 : i32
    %add3A_103 = vector.broadcast %add3A_102 : i32 to vector<16xi32>
    %add3A_104 = arith.addi %mul3A_85, %add3A_103 : vector<16xi32>
    %gather3A_105 = tpu.vector_load_idx %arg8[%add3A_104] : memref<512xf32, #tpu.memory_space<vmem>>[vector<16xi32>], vector<16xf32>,
    %add3A_106 = arith.constant 5 : i32
    %add3A_107 = vector.broadcast %add3A_106 : i32 to vector<16xi32>
    %add3A_108 = arith.addi %mul3A_85, %add3A_107 : vector<16xi32>
    %gather3A_109 = tpu.vector_load_idx %arg8[%add3A_108] : memref<512xf32, #tpu.memory_space<vmem>>[vector<16xi32>], vector<16xf32>,
    %add3A_110 = arith.constant 6 : i32
    %add3A_111 = vector.broadcast %add3A_110 : i32 to vector<16xi32>
    %add3A_112 = arith.addi %mul3A_85, %add3A_111 : vector<16xi32>
    %gather3A_113 = tpu.vector_load_idx %arg8[%add3A_112] : memref<512xf32, #tpu.memory_space<vmem>>[vector<16xi32>], vector<16xf32>,
    %add3A_114 = arith.constant 7 : i32
    %add3A_115 = vector.broadcast %add3A_114 : i32 to vector<16xi32>
    %add3A_116 = arith.addi %mul3A_85, %add3A_115 : vector<16xi32>
    %gather3A_117 = tpu.vector_load_idx %arg8[%add3A_116] : memref<512xf32, #tpu.memory_space<vmem>>[vector<16xi32>], vector<16xf32>,
    %min3A_118 = arith.minimumf %gather3A_89, %gather3A_97 : vector<16xf32>
    %min3A_119 = arith.minimumf %gather3A_105, %gather3A_113 : vector<16xf32>
    %min3A_120 = arith.minimumf %min3A_118, %min3A_119 : vector<16xf32>
    %max3A_121 = arith.maximumf %gather3A_89, %gather3A_97 : vector<16xf32>
    %max3A_122 = arith.maximumf %gather3A_105, %gather3A_113 : vector<16xf32>
    %max3A_123 = arith.maximumf %max3A_121, %max3A_122 : vector<16xf32>
    %min3A_124 = arith.minimumf %gather3A_93, %gather3A_101 : vector<16xf32>
    %min3A_125 = arith.minimumf %gather3A_109, %gather3A_117 : vector<16xf32>
    %min3A_126 = arith.minimumf %min3A_124, %min3A_125 : vector<16xf32>
    %max3A_127 = arith.maximumf %gather3A_93, %gather3A_101 : vector<16xf32>
    %max3A_128 = arith.maximumf %gather3A_109, %gather3A_117 : vector<16xf32>
    %max3A_129 = arith.maximumf %max3A_127, %max3A_128 : vector<16xf32>
    %add3A_130 = arith.addf %min3A_120, %max3A_123 : vector<16xf32>
    %mul3A_131 = arith.constant 5.000000e-01 : f32
    %mul3A_132 = vector.broadcast %mul3A_131 : f32 to vector<16xf32>
    %mul3A_133 = arith.mulf %add3A_130, %mul3A_132 : vector<16xf32>
    %add3A_134 = arith.addf %min3A_126, %max3A_129 : vector<16xf32>
    %mul3A_135 = arith.constant 5.000000e-01 : f32
    %mul3A_136 = vector.broadcast %mul3A_135 : f32 to vector<16xf32>
    %mul3A_137 = arith.mulf %add3A_134, %mul3A_136 : vector<16xf32>
    %sub3A_138 = arith.subf %max3A_123, %min3A_120 : vector<16xf32>
    %max3A_139 = arith.constant 9.99999997E-7 : f32
    %max3A_140 = vector.broadcast %max3A_139 : f32 to vector<16xf32>
    %max3A_141 = arith.maximumf %sub3A_138, %max3A_140 : vector<16xf32>
    %div3A_142 = arith.constant 1.000000e+00 : f32
    %div3A_143 = vector.broadcast %div3A_142 : f32 to vector<16xf32>
    %div3A_144 = arith.divf %div3A_143, %max3A_141 : vector<16xf32>
    %sub3A_145 = arith.subf %max3A_129, %min3A_126 : vector<16xf32>
    %max3A_146 = arith.constant 9.99999997E-7 : f32
    %max3A_147 = vector.broadcast %max3A_146 : f32 to vector<16xf32>
    %max3A_148 = arith.maximumf %sub3A_145, %max3A_147 : vector<16xf32>
    %div3A_149 = arith.constant 1.000000e+00 : f32
    %div3A_150 = vector.broadcast %div3A_149 : f32 to vector<16xf32>
    %div3A_151 = arith.divf %div3A_150, %max3A_148 : vector<16xf32>
    %swap3A_152 = arith.constant 16 : index
    %swap3A_153 = tpu.vector_load %arg10[%swap3A_152] {strides = array<i32>} : memref<512xf32, #tpu.memory_space<vmem>>, vector<16xf32>,
    tpu.vector_store %arg10[%swap3A_152], %mul3A_133 {strides = array<i32>} : memref<512xf32, #tpu.memory_space<vmem>>, vector<16xf32>,
    %swap3A_154 = arith.constant 80 : index
    %swap3A_155 = tpu.vector_load %arg10[%swap3A_154] {strides = array<i32>} : memref<512xf32, #tpu.memory_space<vmem>>, vector<16xf32>,
    tpu.vector_store %arg10[%swap3A_154], %mul3A_137 {strides = array<i32>} : memref<512xf32, #tpu.memory_space<vmem>>, vector<16xf32>,
    %swap3A_156 = arith.constant 144 : index
    %swap3A_157 = tpu.vector_load %arg10[%swap3A_156] {strides = array<i32>} : memref<512xf32, #tpu.memory_space<vmem>>, vector<16xf32>,
    tpu.vector_store %arg10[%swap3A_156], %div3A_144 {strides = array<i32>} : memref<512xf32, #tpu.memory_space<vmem>>, vector<16xf32>,
    %swap3A_158 = arith.constant 208 : index
    %swap3A_159 = tpu.vector_load %arg10[%swap3A_158] {strides = array<i32>} : memref<512xf32, #tpu.memory_space<vmem>>, vector<16xf32>,
    tpu.vector_store %arg10[%swap3A_158], %div3A_151 {strides = array<i32>} : memref<512xf32, #tpu.memory_space<vmem>>, vector<16xf32>,
    %swap3A_160 = arith.constant 272 : index
    %swap3A_161 = tpu.vector_load %arg10[%swap3A_160] {strides = array<i32>} : memref<512xf32, #tpu.memory_space<vmem>>, vector<16xf32>,
    tpu.vector_store %arg10[%swap3A_160], %min3A_120 {strides = array<i32>} : memref<512xf32, #tpu.memory_space<vmem>>, vector<16xf32>,
    %swap3A_162 = arith.constant 336 : index
    %swap3A_163 = tpu.vector_load %arg10[%swap3A_162] {strides = array<i32>} : memref<512xf32, #tpu.memory_space<vmem>>, vector<16xf32>,
    tpu.vector_store %arg10[%swap3A_162], %min3A_126 {strides = array<i32>} : memref<512xf32, #tpu.memory_space<vmem>>, vector<16xf32>,
    %swap3A_164 = arith.constant 400 : index
    %swap3A_165 = tpu.vector_load %arg10[%swap3A_164] {strides = array<i32>} : memref<512xf32, #tpu.memory_space<vmem>>, vector<16xf32>,
    tpu.vector_store %arg10[%swap3A_164], %max3A_123 {strides = array<i32>} : memref<512xf32, #tpu.memory_space<vmem>>, vector<16xf32>,
    %swap3A_166 = arith.constant 464 : index
    %swap3A_167 = tpu.vector_load %arg10[%swap3A_166] {strides = array<i32>} : memref<512xf32, #tpu.memory_space<vmem>>, vector<16xf32>,
    tpu.vector_store %arg10[%swap3A_166], %max3A_129 {strides = array<i32>} : memref<512xf32, #tpu.memory_space<vmem>>, vector<16xf32>,
    %add3A_168 = arith.constant 32 : i32
    %add3A_169 = vector.broadcast %add3A_168 : i32 to vector<16xi32>
    %add3A_170 = arith.addi %add3A_169, %iota3A : vector<16xi32>
    %mul3A_171 = arith.constant 8 : i32
    %mul3A_172 = vector.broadcast %mul3A_171 : i32 to vector<16xi32>
    %mul3A_173 = arith.muli %add3A_170, %mul3A_172 : vector<16xi32>
    %add3A_174 = arith.constant 0 : i32
    %add3A_175 = vector.broadcast %add3A_174 : i32 to vector<16xi32>
    %add3A_176 = arith.addi %mul3A_173, %add3A_175 : vector<16xi32>
    %gather3A_177 = tpu.vector_load_idx %arg8[%add3A_176] : memref<512xf32, #tpu.memory_space<vmem>>[vector<16xi32>], vector<16xf32>,
    %add3A_178 = arith.constant 1 : i32
    %add3A_179 = vector.broadcast %add3A_178 : i32 to vector<16xi32>
    %add3A_180 = arith.addi %mul3A_173, %add3A_179 : vector<16xi32>
    %gather3A_181 = tpu.vector_load_idx %arg8[%add3A_180] : memref<512xf32, #tpu.memory_space<vmem>>[vector<16xi32>], vector<16xf32>,
    %add3A_182 = arith.constant 2 : i32
    %add3A_183 = vector.broadcast %add3A_182 : i32 to vector<16xi32>
    %add3A_184 = arith.addi %mul3A_173, %add3A_183 : vector<16xi32>
    %gather3A_185 = tpu.vector_load_idx %arg8[%add3A_184] : memref<512xf32, #tpu.memory_space<vmem>>[vector<16xi32>], vector<16xf32>,
    %add3A_186 = arith.constant 3 : i32
    %add3A_187 = vector.broadcast %add3A_186 : i32 to vector<16xi32>
    %add3A_188 = arith.addi %mul3A_173, %add3A_187 : vector<16xi32>
    %gather3A_189 = tpu.vector_load_idx %arg8[%add3A_188] : memref<512xf32, #tpu.memory_space<vmem>>[vector<16xi32>], vector<16xf32>,
    %add3A_190 = arith.constant 4 : i32
    %add3A_191 = vector.broadcast %add3A_190 : i32 to vector<16xi32>
    %add3A_192 = arith.addi %mul3A_173, %add3A_191 : vector<16xi32>
    %gather3A_193 = tpu.vector_load_idx %arg8[%add3A_192] : memref<512xf32, #tpu.memory_space<vmem>>[vector<16xi32>], vector<16xf32>,
    %add3A_194 = arith.constant 5 : i32
    %add3A_195 = vector.broadcast %add3A_194 : i32 to vector<16xi32>
    %add3A_196 = arith.addi %mul3A_173, %add3A_195 : vector<16xi32>
    %gather3A_197 = tpu.vector_load_idx %arg8[%add3A_196] : memref<512xf32, #tpu.memory_space<vmem>>[vector<16xi32>], vector<16xf32>,
    %add3A_198 = arith.constant 6 : i32
    %add3A_199 = vector.broadcast %add3A_198 : i32 to vector<16xi32>
    %add3A_200 = arith.addi %mul3A_173, %add3A_199 : vector<16xi32>
    %gather3A_201 = tpu.vector_load_idx %arg8[%add3A_200] : memref<512xf32, #tpu.memory_space<vmem>>[vector<16xi32>], vector<16xf32>,
    %add3A_202 = arith.constant 7 : i32
    %add3A_203 = vector.broadcast %add3A_202 : i32 to vector<16xi32>
    %add3A_204 = arith.addi %mul3A_173, %add3A_203 : vector<16xi32>
    %gather3A_205 = tpu.vector_load_idx %arg8[%add3A_204] : memref<512xf32, #tpu.memory_space<vmem>>[vector<16xi32>], vector<16xf32>,
    %min3A_206 = arith.minimumf %gather3A_177, %gather3A_185 : vector<16xf32>
    %min3A_207 = arith.minimumf %gather3A_193, %gather3A_201 : vector<16xf32>
    %min3A_208 = arith.minimumf %min3A_206, %min3A_207 : vector<16xf32>
    %max3A_209 = arith.maximumf %gather3A_177, %gather3A_185 : vector<16xf32>
    %max3A_210 = arith.maximumf %gather3A_193, %gather3A_201 : vector<16xf32>
    %max3A_211 = arith.maximumf %max3A_209, %max3A_210 : vector<16xf32>
    %min3A_212 = arith.minimumf %gather3A_181, %gather3A_189 : vector<16xf32>
    %min3A_213 = arith.minimumf %gather3A_197, %gather3A_205 : vector<16xf32>
    %min3A_214 = arith.minimumf %min3A_212, %min3A_213 : vector<16xf32>
    %max3A_215 = arith.maximumf %gather3A_181, %gather3A_189 : vector<16xf32>
    %max3A_216 = arith.maximumf %gather3A_197, %gather3A_205 : vector<16xf32>
    %max3A_217 = arith.maximumf %max3A_215, %max3A_216 : vector<16xf32>
    %add3A_218 = arith.addf %min3A_208, %max3A_211 : vector<16xf32>
    %mul3A_219 = arith.constant 5.000000e-01 : f32
    %mul3A_220 = vector.broadcast %mul3A_219 : f32 to vector<16xf32>
    %mul3A_221 = arith.mulf %add3A_218, %mul3A_220 : vector<16xf32>
    %add3A_222 = arith.addf %min3A_214, %max3A_217 : vector<16xf32>
    %mul3A_223 = arith.constant 5.000000e-01 : f32
    %mul3A_224 = vector.broadcast %mul3A_223 : f32 to vector<16xf32>
    %mul3A_225 = arith.mulf %add3A_222, %mul3A_224 : vector<16xf32>
    %sub3A_226 = arith.subf %max3A_211, %min3A_208 : vector<16xf32>
    %max3A_227 = arith.constant 9.99999997E-7 : f32
    %max3A_228 = vector.broadcast %max3A_227 : f32 to vector<16xf32>
    %max3A_229 = arith.maximumf %sub3A_226, %max3A_228 : vector<16xf32>
    %div3A_230 = arith.constant 1.000000e+00 : f32
    %div3A_231 = vector.broadcast %div3A_230 : f32 to vector<16xf32>
    %div3A_232 = arith.divf %div3A_231, %max3A_229 : vector<16xf32>
    %sub3A_233 = arith.subf %max3A_217, %min3A_214 : vector<16xf32>
    %max3A_234 = arith.constant 9.99999997E-7 : f32
    %max3A_235 = vector.broadcast %max3A_234 : f32 to vector<16xf32>
    %max3A_236 = arith.maximumf %sub3A_233, %max3A_235 : vector<16xf32>
    %div3A_237 = arith.constant 1.000000e+00 : f32
    %div3A_238 = vector.broadcast %div3A_237 : f32 to vector<16xf32>
    %div3A_239 = arith.divf %div3A_238, %max3A_236 : vector<16xf32>
    %swap3A_240 = arith.constant 32 : index
    %swap3A_241 = tpu.vector_load %arg10[%swap3A_240] {strides = array<i32>} : memref<512xf32, #tpu.memory_space<vmem>>, vector<16xf32>,
    tpu.vector_store %arg10[%swap3A_240], %mul3A_221 {strides = array<i32>} : memref<512xf32, #tpu.memory_space<vmem>>, vector<16xf32>,
    %swap3A_242 = arith.constant 96 : index
    %swap3A_243 = tpu.vector_load %arg10[%swap3A_242] {strides = array<i32>} : memref<512xf32, #tpu.memory_space<vmem>>, vector<16xf32>,
    tpu.vector_store %arg10[%swap3A_242], %mul3A_225 {strides = array<i32>} : memref<512xf32, #tpu.memory_space<vmem>>, vector<16xf32>,
    %swap3A_244 = arith.constant 160 : index
    %swap3A_245 = tpu.vector_load %arg10[%swap3A_244] {strides = array<i32>} : memref<512xf32, #tpu.memory_space<vmem>>, vector<16xf32>,
    tpu.vector_store %arg10[%swap3A_244], %div3A_232 {strides = array<i32>} : memref<512xf32, #tpu.memory_space<vmem>>, vector<16xf32>,
    %swap3A_246 = arith.constant 224 : index
    %swap3A_247 = tpu.vector_load %arg10[%swap3A_246] {strides = array<i32>} : memref<512xf32, #tpu.memory_space<vmem>>, vector<16xf32>,
    tpu.vector_store %arg10[%swap3A_246], %div3A_239 {strides = array<i32>} : memref<512xf32, #tpu.memory_space<vmem>>, vector<16xf32>,
    %swap3A_248 = arith.constant 288 : index
    %swap3A_249 = tpu.vector_load %arg10[%swap3A_248] {strides = array<i32>} : memref<512xf32, #tpu.memory_space<vmem>>, vector<16xf32>,
    tpu.vector_store %arg10[%swap3A_248], %min3A_208 {strides = array<i32>} : memref<512xf32, #tpu.memory_space<vmem>>, vector<16xf32>,
    %swap3A_250 = arith.constant 352 : index
    %swap3A_251 = tpu.vector_load %arg10[%swap3A_250] {strides = array<i32>} : memref<512xf32, #tpu.memory_space<vmem>>, vector<16xf32>,
    tpu.vector_store %arg10[%swap3A_250], %min3A_214 {strides = array<i32>} : memref<512xf32, #tpu.memory_space<vmem>>, vector<16xf32>,
    %swap3A_252 = arith.constant 416 : index
    %swap3A_253 = tpu.vector_load %arg10[%swap3A_252] {strides = array<i32>} : memref<512xf32, #tpu.memory_space<vmem>>, vector<16xf32>,
    tpu.vector_store %arg10[%swap3A_252], %max3A_211 {strides = array<i32>} : memref<512xf32, #tpu.memory_space<vmem>>, vector<16xf32>,
    %swap3A_254 = arith.constant 480 : index
    %swap3A_255 = tpu.vector_load %arg10[%swap3A_254] {strides = array<i32>} : memref<512xf32, #tpu.memory_space<vmem>>, vector<16xf32>,
    tpu.vector_store %arg10[%swap3A_254], %max3A_217 {strides = array<i32>} : memref<512xf32, #tpu.memory_space<vmem>>, vector<16xf32>,
    %add3A_256 = arith.constant 48 : i32
    %add3A_257 = vector.broadcast %add3A_256 : i32 to vector<16xi32>
    %add3A_258 = arith.addi %add3A_257, %iota3A : vector<16xi32>
    %mul3A_259 = arith.constant 8 : i32
    %mul3A_260 = vector.broadcast %mul3A_259 : i32 to vector<16xi32>
    %mul3A_261 = arith.muli %add3A_258, %mul3A_260 : vector<16xi32>
    %add3A_262 = arith.constant 0 : i32
    %add3A_263 = vector.broadcast %add3A_262 : i32 to vector<16xi32>
    %add3A_264 = arith.addi %mul3A_261, %add3A_263 : vector<16xi32>
    %gather3A_265 = tpu.vector_load_idx %arg8[%add3A_264] : memref<512xf32, #tpu.memory_space<vmem>>[vector<16xi32>], vector<16xf32>,
    %add3A_266 = arith.constant 1 : i32
    %add3A_267 = vector.broadcast %add3A_266 : i32 to vector<16xi32>
    %add3A_268 = arith.addi %mul3A_261, %add3A_267 : vector<16xi32>
    %gather3A_269 = tpu.vector_load_idx %arg8[%add3A_268] : memref<512xf32, #tpu.memory_space<vmem>>[vector<16xi32>], vector<16xf32>,
    %add3A_270 = arith.constant 2 : i32
    %add3A_271 = vector.broadcast %add3A_270 : i32 to vector<16xi32>
    %add3A_272 = arith.addi %mul3A_261, %add3A_271 : vector<16xi32>
    %gather3A_273 = tpu.vector_load_idx %arg8[%add3A_272] : memref<512xf32, #tpu.memory_space<vmem>>[vector<16xi32>], vector<16xf32>,
    %add3A_274 = arith.constant 3 : i32
    %add3A_275 = vector.broadcast %add3A_274 : i32 to vector<16xi32>
    %add3A_276 = arith.addi %mul3A_261, %add3A_275 : vector<16xi32>
    %gather3A_277 = tpu.vector_load_idx %arg8[%add3A_276] : memref<512xf32, #tpu.memory_space<vmem>>[vector<16xi32>], vector<16xf32>,
    %add3A_278 = arith.constant 4 : i32
    %add3A_279 = vector.broadcast %add3A_278 : i32 to vector<16xi32>
    %add3A_280 = arith.addi %mul3A_261, %add3A_279 : vector<16xi32>
    %gather3A_281 = tpu.vector_load_idx %arg8[%add3A_280] : memref<512xf32, #tpu.memory_space<vmem>>[vector<16xi32>], vector<16xf32>,
    %add3A_282 = arith.constant 5 : i32
    %add3A_283 = vector.broadcast %add3A_282 : i32 to vector<16xi32>
    %add3A_284 = arith.addi %mul3A_261, %add3A_283 : vector<16xi32>
    %gather3A_285 = tpu.vector_load_idx %arg8[%add3A_284] : memref<512xf32, #tpu.memory_space<vmem>>[vector<16xi32>], vector<16xf32>,
    %add3A_286 = arith.constant 6 : i32
    %add3A_287 = vector.broadcast %add3A_286 : i32 to vector<16xi32>
    %add3A_288 = arith.addi %mul3A_261, %add3A_287 : vector<16xi32>
    %gather3A_289 = tpu.vector_load_idx %arg8[%add3A_288] : memref<512xf32, #tpu.memory_space<vmem>>[vector<16xi32>], vector<16xf32>,
    %add3A_290 = arith.constant 7 : i32
    %add3A_291 = vector.broadcast %add3A_290 : i32 to vector<16xi32>
    %add3A_292 = arith.addi %mul3A_261, %add3A_291 : vector<16xi32>
    %gather3A_293 = tpu.vector_load_idx %arg8[%add3A_292] : memref<512xf32, #tpu.memory_space<vmem>>[vector<16xi32>], vector<16xf32>,
    %min3A_294 = arith.minimumf %gather3A_265, %gather3A_273 : vector<16xf32>
    %min3A_295 = arith.minimumf %gather3A_281, %gather3A_289 : vector<16xf32>
    %min3A_296 = arith.minimumf %min3A_294, %min3A_295 : vector<16xf32>
    %max3A_297 = arith.maximumf %gather3A_265, %gather3A_273 : vector<16xf32>
    %max3A_298 = arith.maximumf %gather3A_281, %gather3A_289 : vector<16xf32>
    %max3A_299 = arith.maximumf %max3A_297, %max3A_298 : vector<16xf32>
    %min3A_300 = arith.minimumf %gather3A_269, %gather3A_277 : vector<16xf32>
    %min3A_301 = arith.minimumf %gather3A_285, %gather3A_293 : vector<16xf32>
    %min3A_302 = arith.minimumf %min3A_300, %min3A_301 : vector<16xf32>
    %max3A_303 = arith.maximumf %gather3A_269, %gather3A_277 : vector<16xf32>
    %max3A_304 = arith.maximumf %gather3A_285, %gather3A_293 : vector<16xf32>
    %max3A_305 = arith.maximumf %max3A_303, %max3A_304 : vector<16xf32>
    %add3A_306 = arith.addf %min3A_296, %max3A_299 : vector<16xf32>
    %mul3A_307 = arith.constant 5.000000e-01 : f32
    %mul3A_308 = vector.broadcast %mul3A_307 : f32 to vector<16xf32>
    %mul3A_309 = arith.mulf %add3A_306, %mul3A_308 : vector<16xf32>
    %add3A_310 = arith.addf %min3A_302, %max3A_305 : vector<16xf32>
    %mul3A_311 = arith.constant 5.000000e-01 : f32
    %mul3A_312 = vector.broadcast %mul3A_311 : f32 to vector<16xf32>
    %mul3A_313 = arith.mulf %add3A_310, %mul3A_312 : vector<16xf32>
    %sub3A_314 = arith.subf %max3A_299, %min3A_296 : vector<16xf32>
    %max3A_315 = arith.constant 9.99999997E-7 : f32
    %max3A_316 = vector.broadcast %max3A_315 : f32 to vector<16xf32>
    %max3A_317 = arith.maximumf %sub3A_314, %max3A_316 : vector<16xf32>
    %div3A_318 = arith.constant 1.000000e+00 : f32
    %div3A_319 = vector.broadcast %div3A_318 : f32 to vector<16xf32>
    %div3A_320 = arith.divf %div3A_319, %max3A_317 : vector<16xf32>
    %sub3A_321 = arith.subf %max3A_305, %min3A_302 : vector<16xf32>
    %max3A_322 = arith.constant 9.99999997E-7 : f32
    %max3A_323 = vector.broadcast %max3A_322 : f32 to vector<16xf32>
    %max3A_324 = arith.maximumf %sub3A_321, %max3A_323 : vector<16xf32>
    %div3A_325 = arith.constant 1.000000e+00 : f32
    %div3A_326 = vector.broadcast %div3A_325 : f32 to vector<16xf32>
    %div3A_327 = arith.divf %div3A_326, %max3A_324 : vector<16xf32>
    %swap3A_328 = arith.constant 48 : index
    %swap3A_329 = tpu.vector_load %arg10[%swap3A_328] {strides = array<i32>} : memref<512xf32, #tpu.memory_space<vmem>>, vector<16xf32>,
    tpu.vector_store %arg10[%swap3A_328], %mul3A_309 {strides = array<i32>} : memref<512xf32, #tpu.memory_space<vmem>>, vector<16xf32>,
    %swap3A_330 = arith.constant 112 : index
    %swap3A_331 = tpu.vector_load %arg10[%swap3A_330] {strides = array<i32>} : memref<512xf32, #tpu.memory_space<vmem>>, vector<16xf32>,
    tpu.vector_store %arg10[%swap3A_330], %mul3A_313 {strides = array<i32>} : memref<512xf32, #tpu.memory_space<vmem>>, vector<16xf32>,
    %swap3A_332 = arith.constant 176 : index
    %swap3A_333 = tpu.vector_load %arg10[%swap3A_332] {strides = array<i32>} : memref<512xf32, #tpu.memory_space<vmem>>, vector<16xf32>,
    tpu.vector_store %arg10[%swap3A_332], %div3A_320 {strides = array<i32>} : memref<512xf32, #tpu.memory_space<vmem>>, vector<16xf32>,
    %swap3A_334 = arith.constant 240 : index
    %swap3A_335 = tpu.vector_load %arg10[%swap3A_334] {strides = array<i32>} : memref<512xf32, #tpu.memory_space<vmem>>, vector<16xf32>,
    tpu.vector_store %arg10[%swap3A_334], %div3A_327 {strides = array<i32>} : memref<512xf32, #tpu.memory_space<vmem>>, vector<16xf32>,
    %swap3A_336 = arith.constant 304 : index
    %swap3A_337 = tpu.vector_load %arg10[%swap3A_336] {strides = array<i32>} : memref<512xf32, #tpu.memory_space<vmem>>, vector<16xf32>,
    tpu.vector_store %arg10[%swap3A_336], %min3A_296 {strides = array<i32>} : memref<512xf32, #tpu.memory_space<vmem>>, vector<16xf32>,
    %swap3A_338 = arith.constant 368 : index
    %swap3A_339 = tpu.vector_load %arg10[%swap3A_338] {strides = array<i32>} : memref<512xf32, #tpu.memory_space<vmem>>, vector<16xf32>,
    tpu.vector_store %arg10[%swap3A_338], %min3A_302 {strides = array<i32>} : memref<512xf32, #tpu.memory_space<vmem>>, vector<16xf32>,
    %swap3A_340 = arith.constant 432 : index
    %swap3A_341 = tpu.vector_load %arg10[%swap3A_340] {strides = array<i32>} : memref<512xf32, #tpu.memory_space<vmem>>, vector<16xf32>,
    tpu.vector_store %arg10[%swap3A_340], %max3A_299 {strides = array<i32>} : memref<512xf32, #tpu.memory_space<vmem>>, vector<16xf32>,
    %swap3A_342 = arith.constant 496 : index
    %swap3A_343 = tpu.vector_load %arg10[%swap3A_342] {strides = array<i32>} : memref<512xf32, #tpu.memory_space<vmem>>, vector<16xf32>,
    tpu.vector_store %arg10[%swap3A_342], %max3A_305 {strides = array<i32>} : memref<512xf32, #tpu.memory_space<vmem>>, vector<16xf32>,
    tpu.wait_dma2 semaphore(%arg23 : memref<!tpu.dma_semaphore, #tpu.memory_space<semaphore_mem>>) src(%arg3 : memref<64xi32, #tpu.memory_space<hbm>>) dst(%arg9 : memref<64xi32, #tpu.memory_space<vmem>>)
    %convert_element_type3A = arith.sitofp %iota3A : vector<16xi32> to vector<16xf32>
    %broadcast_in_dim3A = arith.constant 0.000000e+00 : f32
    %broadcast_in_dim3A_344 = vector.broadcast %broadcast_in_dim3A : f32 to vector<16xf32>
    %mul3A_345 = arith.constant 8.000000e+00 : f32
    %mul3A_346 = vector.broadcast %mul3A_345 : f32 to vector<16xf32>
    %mul3A_347 = arith.mulf %convert_element_type3A, %mul3A_346 : vector<16xf32>
    %add3A_348 = arith.addf %broadcast_in_dim3A_344, %mul3A_347 : vector<16xf32>
    %broadcast_in_dim3A_349 = arith.constant 1.280000e+02 : f32
    %broadcast_in_dim3A_350 = vector.broadcast %broadcast_in_dim3A_349 : f32 to vector<16xf32>
    %mul3A_351 = arith.constant 8.000000e+00 : f32
    %mul3A_352 = vector.broadcast %mul3A_351 : f32 to vector<16xf32>
    %mul3A_353 = arith.mulf %convert_element_type3A, %mul3A_352 : vector<16xf32>
    %add3A_354 = arith.addf %broadcast_in_dim3A_350, %mul3A_353 : vector<16xf32>
    %broadcast_in_dim3A_355 = arith.constant 2.560000e+02 : f32
    %broadcast_in_dim3A_356 = vector.broadcast %broadcast_in_dim3A_355 : f32 to vector<16xf32>
    %mul3A_357 = arith.constant 8.000000e+00 : f32
    %mul3A_358 = vector.broadcast %mul3A_357 : f32 to vector<16xf32>
    %mul3A_359 = arith.mulf %convert_element_type3A, %mul3A_358 : vector<16xf32>
    %add3A_360 = arith.addf %broadcast_in_dim3A_356, %mul3A_359 : vector<16xf32>
    %broadcast_in_dim3A_361 = arith.constant 3.840000e+02 : f32
    %broadcast_in_dim3A_362 = vector.broadcast %broadcast_in_dim3A_361 : f32 to vector<16xf32>
    %mul3A_363 = arith.constant 8.000000e+00 : f32
    %mul3A_364 = vector.broadcast %mul3A_363 : f32 to vector<16xf32>
    %mul3A_365 = arith.mulf %convert_element_type3A, %mul3A_364 : vector<16xf32>
    %add3A_366 = arith.addf %broadcast_in_dim3A_362, %mul3A_365 : vector<16xf32>
    %broadcast_in_dim3A_367 = arith.constant 5.120000e+02 : f32
    %broadcast_in_dim3A_368 = vector.broadcast %broadcast_in_dim3A_367 : f32 to vector<16xf32>
    %mul3A_369 = arith.constant 8.000000e+00 : f32
    %mul3A_370 = vector.broadcast %mul3A_369 : f32 to vector<16xf32>
    %mul3A_371 = arith.mulf %convert_element_type3A, %mul3A_370 : vector<16xf32>
    %add3A_372 = arith.addf %broadcast_in_dim3A_368, %mul3A_371 : vector<16xf32>
    %broadcast_in_dim3A_373 = arith.constant 6.400000e+02 : f32
    %broadcast_in_dim3A_374 = vector.broadcast %broadcast_in_dim3A_373 : f32 to vector<16xf32>
    %mul3A_375 = arith.constant 8.000000e+00 : f32
    %mul3A_376 = vector.broadcast %mul3A_375 : f32 to vector<16xf32>
    %mul3A_377 = arith.mulf %convert_element_type3A, %mul3A_376 : vector<16xf32>
    %add3A_378 = arith.addf %broadcast_in_dim3A_374, %mul3A_377 : vector<16xf32>
    %broadcast_in_dim3A_379 = arith.constant 7.680000e+02 : f32
    %broadcast_in_dim3A_380 = vector.broadcast %broadcast_in_dim3A_379 : f32 to vector<16xf32>
    %mul3A_381 = arith.constant 8.000000e+00 : f32
    %mul3A_382 = vector.broadcast %mul3A_381 : f32 to vector<16xf32>
    %mul3A_383 = arith.mulf %convert_element_type3A, %mul3A_382 : vector<16xf32>
    %add3A_384 = arith.addf %broadcast_in_dim3A_380, %mul3A_383 : vector<16xf32>
    %broadcast_in_dim3A_385 = arith.constant 8.960000e+02 : f32
    %broadcast_in_dim3A_386 = vector.broadcast %broadcast_in_dim3A_385 : f32 to vector<16xf32>
    %mul3A_387 = arith.constant 8.000000e+00 : f32
    %mul3A_388 = vector.broadcast %mul3A_387 : f32 to vector<16xf32>
    %mul3A_389 = arith.mulf %convert_element_type3A, %mul3A_388 : vector<16xf32>
    %add3A_390 = arith.addf %broadcast_in_dim3A_386, %mul3A_389 : vector<16xf32>
    %broadcast_in_dim3A_391 = arith.constant 0.000000e+00 : f32
    %broadcast_in_dim3A_392 = vector.broadcast %broadcast_in_dim3A_391 : f32 to vector<16xf32>
    %broadcast_in_dim3A_393 = arith.constant 0 : i32
    %broadcast_in_dim3A_394 = vector.broadcast %broadcast_in_dim3A_393 : i32 to vector<16xi32>
    %mul3A_395 = arith.constant 4 : i32
    %mul3A_396 = arith.muli %arg1, %mul3A_395 : i32
    %add3A_397 = arith.constant 0 : i32
    %add3A_398 = arith.addi %mul3A_396, %add3A_397 : i32
    %broadcast_in_dim3A_399 = arith.constant 0 : i32
    %broadcast_in_dim3A_400 = vector.broadcast %broadcast_in_dim3A_399 : i32 to vector<16xi32>
    %add3A_401 = vector.broadcast %add3A_398 : i32 to vector<16xi32>
    %add3A_402 = arith.addi %broadcast_in_dim3A_400, %add3A_401 : vector<16xi32>
    %gather3A_403 = tpu.vector_load_idx %arg10[%add3A_402] : memref<512xf32, #tpu.memory_space<vmem>>[vector<16xi32>], vector<16xf32>,
    %broadcast_in_dim3A_404 = arith.constant 128 : i32
    %broadcast_in_dim3A_405 = vector.broadcast %broadcast_in_dim3A_404 : i32 to vector<16xi32>
    %add3A_406 = vector.broadcast %add3A_398 : i32 to vector<16xi32>
    %add3A_407 = arith.addi %broadcast_in_dim3A_405, %add3A_406 : vector<16xi32>
    %gather3A_408 = tpu.vector_load_idx %arg10[%add3A_407] : memref<512xf32, #tpu.memory_space<vmem>>[vector<16xi32>], vector<16xf32>,
    %sub3A_409 = arith.subf %add3A_348, %gather3A_403 : vector<16xf32>
    %mul3A_410 = arith.mulf %sub3A_409, %gather3A_408 : vector<16xf32>
    %mul3A_411 = arith.mulf %mul3A_410, %mul3A_410 : vector<16xf32>
    %broadcast_in_dim3A_412 = arith.constant 0 : i32
    %broadcast_in_dim3A_413 = vector.broadcast %broadcast_in_dim3A_412 : i32 to vector<16xi32>
    %sub3A_414 = arith.subf %add3A_354, %gather3A_403 : vector<16xf32>
    %mul3A_415 = arith.mulf %sub3A_414, %gather3A_408 : vector<16xf32>
    %mul3A_416 = arith.mulf %mul3A_415, %mul3A_415 : vector<16xf32>
    %lt3A = arith.cmpf olt, %mul3A_416, %mul3A_411 : vector<16xf32>
    %select_n3A = arith.select %lt3A, %mul3A_416, %mul3A_411 : vector<16xi1>, vector<16xf32>
    %broadcast_in_dim3A_417 = arith.constant 1 : i32
    %broadcast_in_dim3A_418 = vector.broadcast %broadcast_in_dim3A_417 : i32 to vector<16xi32>
    %select_n3A_419 = arith.select %lt3A, %broadcast_in_dim3A_418, %broadcast_in_dim3A_413 : vector<16xi1>, vector<16xi32>
    %sub3A_420 = arith.subf %add3A_360, %gather3A_403 : vector<16xf32>
    %mul3A_421 = arith.mulf %sub3A_420, %gather3A_408 : vector<16xf32>
    %mul3A_422 = arith.mulf %mul3A_421, %mul3A_421 : vector<16xf32>
    %lt3A_423 = arith.cmpf olt, %mul3A_422, %select_n3A : vector<16xf32>
    %select_n3A_424 = arith.select %lt3A_423, %mul3A_422, %select_n3A : vector<16xi1>, vector<16xf32>
    %broadcast_in_dim3A_425 = arith.constant 2 : i32
    %broadcast_in_dim3A_426 = vector.broadcast %broadcast_in_dim3A_425 : i32 to vector<16xi32>
    %select_n3A_427 = arith.select %lt3A_423, %broadcast_in_dim3A_426, %select_n3A_419 : vector<16xi1>, vector<16xi32>
    %sub3A_428 = arith.subf %add3A_366, %gather3A_403 : vector<16xf32>
    %mul3A_429 = arith.mulf %sub3A_428, %gather3A_408 : vector<16xf32>
    %mul3A_430 = arith.mulf %mul3A_429, %mul3A_429 : vector<16xf32>
    %lt3A_431 = arith.cmpf olt, %mul3A_430, %select_n3A_424 : vector<16xf32>
    %select_n3A_432 = arith.select %lt3A_431, %mul3A_430, %select_n3A_424 : vector<16xi1>, vector<16xf32>
    %broadcast_in_dim3A_433 = arith.constant 3 : i32
    %broadcast_in_dim3A_434 = vector.broadcast %broadcast_in_dim3A_433 : i32 to vector<16xi32>
    %select_n3A_435 = arith.select %lt3A_431, %broadcast_in_dim3A_434, %select_n3A_427 : vector<16xi1>, vector<16xi32>
    %sub3A_436 = arith.subf %add3A_372, %gather3A_403 : vector<16xf32>
    %mul3A_437 = arith.mulf %sub3A_436, %gather3A_408 : vector<16xf32>
    %mul3A_438 = arith.mulf %mul3A_437, %mul3A_437 : vector<16xf32>
    %lt3A_439 = arith.cmpf olt, %mul3A_438, %select_n3A_432 : vector<16xf32>
    %select_n3A_440 = arith.select %lt3A_439, %mul3A_438, %select_n3A_432 : vector<16xi1>, vector<16xf32>
    %broadcast_in_dim3A_441 = arith.constant 4 : i32
    %broadcast_in_dim3A_442 = vector.broadcast %broadcast_in_dim3A_441 : i32 to vector<16xi32>
    %select_n3A_443 = arith.select %lt3A_439, %broadcast_in_dim3A_442, %select_n3A_435 : vector<16xi1>, vector<16xi32>
    %sub3A_444 = arith.subf %add3A_378, %gather3A_403 : vector<16xf32>
    %mul3A_445 = arith.mulf %sub3A_444, %gather3A_408 : vector<16xf32>
    %mul3A_446 = arith.mulf %mul3A_445, %mul3A_445 : vector<16xf32>
    %lt3A_447 = arith.cmpf olt, %mul3A_446, %select_n3A_440 : vector<16xf32>
    %select_n3A_448 = arith.select %lt3A_447, %mul3A_446, %select_n3A_440 : vector<16xi1>, vector<16xf32>
    %broadcast_in_dim3A_449 = arith.constant 5 : i32
    %broadcast_in_dim3A_450 = vector.broadcast %broadcast_in_dim3A_449 : i32 to vector<16xi32>
    %select_n3A_451 = arith.select %lt3A_447, %broadcast_in_dim3A_450, %select_n3A_443 : vector<16xi1>, vector<16xi32>
    %sub3A_452 = arith.subf %add3A_384, %gather3A_403 : vector<16xf32>
    %mul3A_453 = arith.mulf %sub3A_452, %gather3A_408 : vector<16xf32>
    %mul3A_454 = arith.mulf %mul3A_453, %mul3A_453 : vector<16xf32>
    %lt3A_455 = arith.cmpf olt, %mul3A_454, %select_n3A_448 : vector<16xf32>
    %select_n3A_456 = arith.select %lt3A_455, %mul3A_454, %select_n3A_448 : vector<16xi1>, vector<16xf32>
    %broadcast_in_dim3A_457 = arith.constant 6 : i32
    %broadcast_in_dim3A_458 = vector.broadcast %broadcast_in_dim3A_457 : i32 to vector<16xi32>
    %select_n3A_459 = arith.select %lt3A_455, %broadcast_in_dim3A_458, %select_n3A_451 : vector<16xi1>, vector<16xi32>
    %sub3A_460 = arith.subf %add3A_390, %gather3A_403 : vector<16xf32>
    %mul3A_461 = arith.mulf %sub3A_460, %gather3A_408 : vector<16xf32>
    %mul3A_462 = arith.mulf %mul3A_461, %mul3A_461 : vector<16xf32>
    %lt3A_463 = arith.cmpf olt, %mul3A_462, %select_n3A_456 : vector<16xf32>
    %select_n3A_464 = arith.select %lt3A_463, %mul3A_462, %select_n3A_456 : vector<16xi1>, vector<16xf32>
    %broadcast_in_dim3A_465 = arith.constant 7 : i32
    %broadcast_in_dim3A_466 = vector.broadcast %broadcast_in_dim3A_465 : i32 to vector<16xi32>
    %select_n3A_467 = arith.select %lt3A_463, %broadcast_in_dim3A_466, %select_n3A_459 : vector<16xi1>, vector<16xi32>
    %reduce_min3A = arith.constant true
    %reduce_min3A_468 = vector.broadcast %reduce_min3A : i1 to vector<16xi1>
    %reduce_min3A_469 = tpu.scan <min>, %select_n3A_464 masked %reduce_min3A_468 : vector<16xf32>, vector<16xi1> -> vector<16xf32>
    %reduce_min3A_470 = vector.extract %reduce_min3A_469[15] : f32 from vector<16xf32>
    %eq3A = vector.broadcast %reduce_min3A_470 : f32 to vector<16xf32>
    %eq3A_471 = arith.cmpf oeq, %select_n3A_464, %eq3A : vector<16xf32>
    %mul3A_472 = arith.constant 16 : i32
    %mul3A_473 = vector.broadcast %mul3A_472 : i32 to vector<16xi32>
    %mul3A_474 = arith.muli %select_n3A_467, %mul3A_473 : vector<16xi32>
    %add3A_475 = arith.addi %mul3A_474, %iota3A : vector<16xi32>
    %broadcast_in_dim3A_476 = arith.constant 1073741824 : i32
    %broadcast_in_dim3A_477 = vector.broadcast %broadcast_in_dim3A_476 : i32 to vector<16xi32>
    %select_n3A_478 = arith.select %eq3A_471, %add3A_475, %broadcast_in_dim3A_477 : vector<16xi1>, vector<16xi32>
    %reduce_min3A_479 = arith.constant true
    %reduce_min3A_480 = vector.broadcast %reduce_min3A_479 : i1 to vector<16xi1>
    %reduce_min3A_481 = arith.constant -2147483648 : i32
    %reduce_min3A_482 = vector.broadcast %reduce_min3A_481 : i32 to vector<16xi32>
    %reduce_min3A_483 = arith.xori %select_n3A_478, %reduce_min3A_482 : vector<16xi32>
    %reduce_min3A_484 = tpu.scan <min>, %reduce_min3A_483 masked %reduce_min3A_480 : vector<16xi32>, vector<16xi1> -> vector<16xi32>
    %reduce_min3A_485 = arith.xori %reduce_min3A_484, %reduce_min3A_482 : vector<16xi32>
    %reduce_min3A_486 = vector.extract %reduce_min3A_485[15] : i32 from vector<16xi32>
    %broadcast_in_dim3A_487 = arith.constant 64 : i32
    %broadcast_in_dim3A_488 = vector.broadcast %broadcast_in_dim3A_487 : i32 to vector<16xi32>
    %add3A_489 = vector.broadcast %add3A_398 : i32 to vector<16xi32>
    %add3A_490 = arith.addi %broadcast_in_dim3A_488, %add3A_489 : vector<16xi32>
    %gather3A_491 = tpu.vector_load_idx %arg10[%add3A_490] : memref<512xf32, #tpu.memory_space<vmem>>[vector<16xi32>], vector<16xf32>,
    %broadcast_in_dim3A_492 = arith.constant 192 : i32
    %broadcast_in_dim3A_493 = vector.broadcast %broadcast_in_dim3A_492 : i32 to vector<16xi32>
    %add3A_494 = vector.broadcast %add3A_398 : i32 to vector<16xi32>
    %add3A_495 = arith.addi %broadcast_in_dim3A_493, %add3A_494 : vector<16xi32>
    %gather3A_496 = tpu.vector_load_idx %arg10[%add3A_495] : memref<512xf32, #tpu.memory_space<vmem>>[vector<16xi32>], vector<16xf32>,
    %sub3A_497 = arith.subf %add3A_348, %gather3A_491 : vector<16xf32>
    %mul3A_498 = arith.mulf %sub3A_497, %gather3A_496 : vector<16xf32>
    %mul3A_499 = arith.mulf %mul3A_498, %mul3A_498 : vector<16xf32>
    %broadcast_in_dim3A_500 = arith.constant 0 : i32
    %broadcast_in_dim3A_501 = vector.broadcast %broadcast_in_dim3A_500 : i32 to vector<16xi32>
    %sub3A_502 = arith.subf %add3A_354, %gather3A_491 : vector<16xf32>
    %mul3A_503 = arith.mulf %sub3A_502, %gather3A_496 : vector<16xf32>
    %mul3A_504 = arith.mulf %mul3A_503, %mul3A_503 : vector<16xf32>
    %lt3A_505 = arith.cmpf olt, %mul3A_504, %mul3A_499 : vector<16xf32>
    %select_n3A_506 = arith.select %lt3A_505, %mul3A_504, %mul3A_499 : vector<16xi1>, vector<16xf32>
    %broadcast_in_dim3A_507 = arith.constant 1 : i32
    %broadcast_in_dim3A_508 = vector.broadcast %broadcast_in_dim3A_507 : i32 to vector<16xi32>
    %select_n3A_509 = arith.select %lt3A_505, %broadcast_in_dim3A_508, %broadcast_in_dim3A_501 : vector<16xi1>, vector<16xi32>
    %sub3A_510 = arith.subf %add3A_360, %gather3A_491 : vector<16xf32>
    %mul3A_511 = arith.mulf %sub3A_510, %gather3A_496 : vector<16xf32>
    %mul3A_512 = arith.mulf %mul3A_511, %mul3A_511 : vector<16xf32>
    %lt3A_513 = arith.cmpf olt, %mul3A_512, %select_n3A_506 : vector<16xf32>
    %select_n3A_514 = arith.select %lt3A_513, %mul3A_512, %select_n3A_506 : vector<16xi1>, vector<16xf32>
    %broadcast_in_dim3A_515 = arith.constant 2 : i32
    %broadcast_in_dim3A_516 = vector.broadcast %broadcast_in_dim3A_515 : i32 to vector<16xi32>
    %select_n3A_517 = arith.select %lt3A_513, %broadcast_in_dim3A_516, %select_n3A_509 : vector<16xi1>, vector<16xi32>
    %sub3A_518 = arith.subf %add3A_366, %gather3A_491 : vector<16xf32>
    %mul3A_519 = arith.mulf %sub3A_518, %gather3A_496 : vector<16xf32>
    %mul3A_520 = arith.mulf %mul3A_519, %mul3A_519 : vector<16xf32>
    %lt3A_521 = arith.cmpf olt, %mul3A_520, %select_n3A_514 : vector<16xf32>
    %select_n3A_522 = arith.select %lt3A_521, %mul3A_520, %select_n3A_514 : vector<16xi1>, vector<16xf32>
    %broadcast_in_dim3A_523 = arith.constant 3 : i32
    %broadcast_in_dim3A_524 = vector.broadcast %broadcast_in_dim3A_523 : i32 to vector<16xi32>
    %select_n3A_525 = arith.select %lt3A_521, %broadcast_in_dim3A_524, %select_n3A_517 : vector<16xi1>, vector<16xi32>
    %sub3A_526 = arith.subf %add3A_372, %gather3A_491 : vector<16xf32>
    %mul3A_527 = arith.mulf %sub3A_526, %gather3A_496 : vector<16xf32>
    %mul3A_528 = arith.mulf %mul3A_527, %mul3A_527 : vector<16xf32>
    %lt3A_529 = arith.cmpf olt, %mul3A_528, %select_n3A_522 : vector<16xf32>
    %select_n3A_530 = arith.select %lt3A_529, %mul3A_528, %select_n3A_522 : vector<16xi1>, vector<16xf32>
    %broadcast_in_dim3A_531 = arith.constant 4 : i32
    %broadcast_in_dim3A_532 = vector.broadcast %broadcast_in_dim3A_531 : i32 to vector<16xi32>
    %select_n3A_533 = arith.select %lt3A_529, %broadcast_in_dim3A_532, %select_n3A_525 : vector<16xi1>, vector<16xi32>
    %sub3A_534 = arith.subf %add3A_378, %gather3A_491 : vector<16xf32>
    %mul3A_535 = arith.mulf %sub3A_534, %gather3A_496 : vector<16xf32>
    %mul3A_536 = arith.mulf %mul3A_535, %mul3A_535 : vector<16xf32>
    %lt3A_537 = arith.cmpf olt, %mul3A_536, %select_n3A_530 : vector<16xf32>
    %select_n3A_538 = arith.select %lt3A_537, %mul3A_536, %select_n3A_530 : vector<16xi1>, vector<16xf32>
    %broadcast_in_dim3A_539 = arith.constant 5 : i32
    %broadcast_in_dim3A_540 = vector.broadcast %broadcast_in_dim3A_539 : i32 to vector<16xi32>
    %select_n3A_541 = arith.select %lt3A_537, %broadcast_in_dim3A_540, %select_n3A_533 : vector<16xi1>, vector<16xi32>
    %sub3A_542 = arith.subf %add3A_384, %gather3A_491 : vector<16xf32>
    %mul3A_543 = arith.mulf %sub3A_542, %gather3A_496 : vector<16xf32>
    %mul3A_544 = arith.mulf %mul3A_543, %mul3A_543 : vector<16xf32>
    %lt3A_545 = arith.cmpf olt, %mul3A_544, %select_n3A_538 : vector<16xf32>
    %select_n3A_546 = arith.select %lt3A_545, %mul3A_544, %select_n3A_538 : vector<16xi1>, vector<16xf32>
    %broadcast_in_dim3A_547 = arith.constant 6 : i32
    %broadcast_in_dim3A_548 = vector.broadcast %broadcast_in_dim3A_547 : i32 to vector<16xi32>
    %select_n3A_549 = arith.select %lt3A_545, %broadcast_in_dim3A_548, %select_n3A_541 : vector<16xi1>, vector<16xi32>
    %sub3A_550 = arith.subf %add3A_390, %gather3A_491 : vector<16xf32>
    %mul3A_551 = arith.mulf %sub3A_550, %gather3A_496 : vector<16xf32>
    %mul3A_552 = arith.mulf %mul3A_551, %mul3A_551 : vector<16xf32>
    %lt3A_553 = arith.cmpf olt, %mul3A_552, %select_n3A_546 : vector<16xf32>
    %select_n3A_554 = arith.select %lt3A_553, %mul3A_552, %select_n3A_546 : vector<16xi1>, vector<16xf32>
    %broadcast_in_dim3A_555 = arith.constant 7 : i32
    %broadcast_in_dim3A_556 = vector.broadcast %broadcast_in_dim3A_555 : i32 to vector<16xi32>
    %select_n3A_557 = arith.select %lt3A_553, %broadcast_in_dim3A_556, %select_n3A_549 : vector<16xi1>, vector<16xi32>
    %reduce_min3A_558 = arith.constant true
    %reduce_min3A_559 = vector.broadcast %reduce_min3A_558 : i1 to vector<16xi1>
    %reduce_min3A_560 = tpu.scan <min>, %select_n3A_554 masked %reduce_min3A_559 : vector<16xf32>, vector<16xi1> -> vector<16xf32>
    %reduce_min3A_561 = vector.extract %reduce_min3A_560[15] : f32 from vector<16xf32>
    %eq3A_562 = vector.broadcast %reduce_min3A_561 : f32 to vector<16xf32>
    %eq3A_563 = arith.cmpf oeq, %select_n3A_554, %eq3A_562 : vector<16xf32>
    %mul3A_564 = arith.constant 16 : i32
    %mul3A_565 = vector.broadcast %mul3A_564 : i32 to vector<16xi32>
    %mul3A_566 = arith.muli %select_n3A_557, %mul3A_565 : vector<16xi32>
    %add3A_567 = arith.addi %mul3A_566, %iota3A : vector<16xi32>
    %broadcast_in_dim3A_568 = arith.constant 1073741824 : i32
    %broadcast_in_dim3A_569 = vector.broadcast %broadcast_in_dim3A_568 : i32 to vector<16xi32>
    %select_n3A_570 = arith.select %eq3A_563, %add3A_567, %broadcast_in_dim3A_569 : vector<16xi1>, vector<16xi32>
    %reduce_min3A_571 = arith.constant true
    %reduce_min3A_572 = vector.broadcast %reduce_min3A_571 : i1 to vector<16xi1>
    %reduce_min3A_573 = arith.constant -2147483648 : i32
    %reduce_min3A_574 = vector.broadcast %reduce_min3A_573 : i32 to vector<16xi32>
    %reduce_min3A_575 = arith.xori %select_n3A_570, %reduce_min3A_574 : vector<16xi32>
    %reduce_min3A_576 = tpu.scan <min>, %reduce_min3A_575 masked %reduce_min3A_572 : vector<16xi32>, vector<16xi1> -> vector<16xi32>
    %reduce_min3A_577 = arith.xori %reduce_min3A_576, %reduce_min3A_574 : vector<16xi32>
    %reduce_min3A_578 = vector.extract %reduce_min3A_577[15] : i32 from vector<16xi32>
    %add3A_579 = arith.addf %reduce_min3A_470, %reduce_min3A_561 : f32
    %mul3A_580 = arith.constant 128 : i32
    %mul3A_581 = arith.muli %reduce_min3A_486, %mul3A_580 : i32
    %add3A_582 = arith.addi %mul3A_581, %reduce_min3A_578 : i32
    %eq3A_583 = arith.constant 0 : i32
    %eq3A_584 = vector.broadcast %eq3A_583 : i32 to vector<16xi32>
    %eq3A_585 = arith.cmpi eq, %iota3A, %eq3A_584 : vector<16xi32>
    %broadcast_in_dim3A_586 = vector.broadcast %add3A_579 : f32 to vector<16xf32>
    %select_n3A_587 = arith.select %eq3A_585, %broadcast_in_dim3A_586, %broadcast_in_dim3A_392 : vector<16xi1>, vector<16xf32>
    %eq3A_588 = arith.constant 0 : i32
    %eq3A_589 = vector.broadcast %eq3A_588 : i32 to vector<16xi32>
    %eq3A_590 = arith.cmpi eq, %iota3A, %eq3A_589 : vector<16xi32>
    %broadcast_in_dim3A_591 = vector.broadcast %add3A_582 : i32 to vector<16xi32>
    %select_n3A_592 = arith.select %eq3A_590, %broadcast_in_dim3A_591, %broadcast_in_dim3A_394 : vector<16xi1>, vector<16xi32>
    %mul3A_593 = arith.constant 4 : i32
    %mul3A_594 = arith.muli %arg1, %mul3A_593 : i32
    %add3A_595 = arith.constant 1 : i32
    %add3A_596 = arith.addi %mul3A_594, %add3A_595 : i32
    %broadcast_in_dim3A_597 = arith.constant 0 : i32
    %broadcast_in_dim3A_598 = vector.broadcast %broadcast_in_dim3A_597 : i32 to vector<16xi32>
    %add3A_599 = vector.broadcast %add3A_596 : i32 to vector<16xi32>
    %add3A_600 = arith.addi %broadcast_in_dim3A_598, %add3A_599 : vector<16xi32>
    %gather3A_601 = tpu.vector_load_idx %arg10[%add3A_600] : memref<512xf32, #tpu.memory_space<vmem>>[vector<16xi32>], vector<16xf32>,
    %broadcast_in_dim3A_602 = arith.constant 128 : i32
    %broadcast_in_dim3A_603 = vector.broadcast %broadcast_in_dim3A_602 : i32 to vector<16xi32>
    %add3A_604 = vector.broadcast %add3A_596 : i32 to vector<16xi32>
    %add3A_605 = arith.addi %broadcast_in_dim3A_603, %add3A_604 : vector<16xi32>
    %gather3A_606 = tpu.vector_load_idx %arg10[%add3A_605] : memref<512xf32, #tpu.memory_space<vmem>>[vector<16xi32>], vector<16xf32>,
    %sub3A_607 = arith.subf %add3A_348, %gather3A_601 : vector<16xf32>
    %mul3A_608 = arith.mulf %sub3A_607, %gather3A_606 : vector<16xf32>
    %mul3A_609 = arith.mulf %mul3A_608, %mul3A_608 : vector<16xf32>
    %broadcast_in_dim3A_610 = arith.constant 0 : i32
    %broadcast_in_dim3A_611 = vector.broadcast %broadcast_in_dim3A_610 : i32 to vector<16xi32>
    %sub3A_612 = arith.subf %add3A_354, %gather3A_601 : vector<16xf32>
    %mul3A_613 = arith.mulf %sub3A_612, %gather3A_606 : vector<16xf32>
    %mul3A_614 = arith.mulf %mul3A_613, %mul3A_613 : vector<16xf32>
    %lt3A_615 = arith.cmpf olt, %mul3A_614, %mul3A_609 : vector<16xf32>
    %select_n3A_616 = arith.select %lt3A_615, %mul3A_614, %mul3A_609 : vector<16xi1>, vector<16xf32>
    %broadcast_in_dim3A_617 = arith.constant 1 : i32
    %broadcast_in_dim3A_618 = vector.broadcast %broadcast_in_dim3A_617 : i32 to vector<16xi32>
    %select_n3A_619 = arith.select %lt3A_615, %broadcast_in_dim3A_618, %broadcast_in_dim3A_611 : vector<16xi1>, vector<16xi32>
    %sub3A_620 = arith.subf %add3A_360, %gather3A_601 : vector<16xf32>
    %mul3A_621 = arith.mulf %sub3A_620, %gather3A_606 : vector<16xf32>
    %mul3A_622 = arith.mulf %mul3A_621, %mul3A_621 : vector<16xf32>
    %lt3A_623 = arith.cmpf olt, %mul3A_622, %select_n3A_616 : vector<16xf32>
    %select_n3A_624 = arith.select %lt3A_623, %mul3A_622, %select_n3A_616 : vector<16xi1>, vector<16xf32>
    %broadcast_in_dim3A_625 = arith.constant 2 : i32
    %broadcast_in_dim3A_626 = vector.broadcast %broadcast_in_dim3A_625 : i32 to vector<16xi32>
    %select_n3A_627 = arith.select %lt3A_623, %broadcast_in_dim3A_626, %select_n3A_619 : vector<16xi1>, vector<16xi32>
    %sub3A_628 = arith.subf %add3A_366, %gather3A_601 : vector<16xf32>
    %mul3A_629 = arith.mulf %sub3A_628, %gather3A_606 : vector<16xf32>
    %mul3A_630 = arith.mulf %mul3A_629, %mul3A_629 : vector<16xf32>
    %lt3A_631 = arith.cmpf olt, %mul3A_630, %select_n3A_624 : vector<16xf32>
    %select_n3A_632 = arith.select %lt3A_631, %mul3A_630, %select_n3A_624 : vector<16xi1>, vector<16xf32>
    %broadcast_in_dim3A_633 = arith.constant 3 : i32
    %broadcast_in_dim3A_634 = vector.broadcast %broadcast_in_dim3A_633 : i32 to vector<16xi32>
    %select_n3A_635 = arith.select %lt3A_631, %broadcast_in_dim3A_634, %select_n3A_627 : vector<16xi1>, vector<16xi32>
    %sub3A_636 = arith.subf %add3A_372, %gather3A_601 : vector<16xf32>
    %mul3A_637 = arith.mulf %sub3A_636, %gather3A_606 : vector<16xf32>
    %mul3A_638 = arith.mulf %mul3A_637, %mul3A_637 : vector<16xf32>
    %lt3A_639 = arith.cmpf olt, %mul3A_638, %select_n3A_632 : vector<16xf32>
    %select_n3A_640 = arith.select %lt3A_639, %mul3A_638, %select_n3A_632 : vector<16xi1>, vector<16xf32>
    %broadcast_in_dim3A_641 = arith.constant 4 : i32
    %broadcast_in_dim3A_642 = vector.broadcast %broadcast_in_dim3A_641 : i32 to vector<16xi32>
    %select_n3A_643 = arith.select %lt3A_639, %broadcast_in_dim3A_642, %select_n3A_635 : vector<16xi1>, vector<16xi32>
    %sub3A_644 = arith.subf %add3A_378, %gather3A_601 : vector<16xf32>
    %mul3A_645 = arith.mulf %sub3A_644, %gather3A_606 : vector<16xf32>
    %mul3A_646 = arith.mulf %mul3A_645, %mul3A_645 : vector<16xf32>
    %lt3A_647 = arith.cmpf olt, %mul3A_646, %select_n3A_640 : vector<16xf32>
    %select_n3A_648 = arith.select %lt3A_647, %mul3A_646, %select_n3A_640 : vector<16xi1>, vector<16xf32>
    %broadcast_in_dim3A_649 = arith.constant 5 : i32
    %broadcast_in_dim3A_650 = vector.broadcast %broadcast_in_dim3A_649 : i32 to vector<16xi32>
    %select_n3A_651 = arith.select %lt3A_647, %broadcast_in_dim3A_650, %select_n3A_643 : vector<16xi1>, vector<16xi32>
    %sub3A_652 = arith.subf %add3A_384, %gather3A_601 : vector<16xf32>
    %mul3A_653 = arith.mulf %sub3A_652, %gather3A_606 : vector<16xf32>
    %mul3A_654 = arith.mulf %mul3A_653, %mul3A_653 : vector<16xf32>
    %lt3A_655 = arith.cmpf olt, %mul3A_654, %select_n3A_648 : vector<16xf32>
    %select_n3A_656 = arith.select %lt3A_655, %mul3A_654, %select_n3A_648 : vector<16xi1>, vector<16xf32>
    %broadcast_in_dim3A_657 = arith.constant 6 : i32
    %broadcast_in_dim3A_658 = vector.broadcast %broadcast_in_dim3A_657 : i32 to vector<16xi32>
    %select_n3A_659 = arith.select %lt3A_655, %broadcast_in_dim3A_658, %select_n3A_651 : vector<16xi1>, vector<16xi32>
    %sub3A_660 = arith.subf %add3A_390, %gather3A_601 : vector<16xf32>
    %mul3A_661 = arith.mulf %sub3A_660, %gather3A_606 : vector<16xf32>
    %mul3A_662 = arith.mulf %mul3A_661, %mul3A_661 : vector<16xf32>
    %lt3A_663 = arith.cmpf olt, %mul3A_662, %select_n3A_656 : vector<16xf32>
    %select_n3A_664 = arith.select %lt3A_663, %mul3A_662, %select_n3A_656 : vector<16xi1>, vector<16xf32>
    %broadcast_in_dim3A_665 = arith.constant 7 : i32
    %broadcast_in_dim3A_666 = vector.broadcast %broadcast_in_dim3A_665 : i32 to vector<16xi32>
    %select_n3A_667 = arith.select %lt3A_663, %broadcast_in_dim3A_666, %select_n3A_659 : vector<16xi1>, vector<16xi32>
    %reduce_min3A_668 = arith.constant true
    %reduce_min3A_669 = vector.broadcast %reduce_min3A_668 : i1 to vector<16xi1>
    %reduce_min3A_670 = tpu.scan <min>, %select_n3A_664 masked %reduce_min3A_669 : vector<16xf32>, vector<16xi1> -> vector<16xf32>
    %reduce_min3A_671 = vector.extract %reduce_min3A_670[15] : f32 from vector<16xf32>
    %eq3A_672 = vector.broadcast %reduce_min3A_671 : f32 to vector<16xf32>
    %eq3A_673 = arith.cmpf oeq, %select_n3A_664, %eq3A_672 : vector<16xf32>
    %mul3A_674 = arith.constant 16 : i32
    %mul3A_675 = vector.broadcast %mul3A_674 : i32 to vector<16xi32>
    %mul3A_676 = arith.muli %select_n3A_667, %mul3A_675 : vector<16xi32>
    %add3A_677 = arith.addi %mul3A_676, %iota3A : vector<16xi32>
    %broadcast_in_dim3A_678 = arith.constant 1073741824 : i32
    %broadcast_in_dim3A_679 = vector.broadcast %broadcast_in_dim3A_678 : i32 to vector<16xi32>
    %select_n3A_680 = arith.select %eq3A_673, %add3A_677, %broadcast_in_dim3A_679 : vector<16xi1>, vector<16xi32>
    %reduce_min3A_681 = arith.constant true
    %reduce_min3A_682 = vector.broadcast %reduce_min3A_681 : i1 to vector<16xi1>
    %reduce_min3A_683 = arith.constant -2147483648 : i32
    %reduce_min3A_684 = vector.broadcast %reduce_min3A_683 : i32 to vector<16xi32>
    %reduce_min3A_685 = arith.xori %select_n3A_680, %reduce_min3A_684 : vector<16xi32>
    %reduce_min3A_686 = tpu.scan <min>, %reduce_min3A_685 masked %reduce_min3A_682 : vector<16xi32>, vector<16xi1> -> vector<16xi32>
    %reduce_min3A_687 = arith.xori %reduce_min3A_686, %reduce_min3A_684 : vector<16xi32>
    %reduce_min3A_688 = vector.extract %reduce_min3A_687[15] : i32 from vector<16xi32>
    %broadcast_in_dim3A_689 = arith.constant 64 : i32
    %broadcast_in_dim3A_690 = vector.broadcast %broadcast_in_dim3A_689 : i32 to vector<16xi32>
    %add3A_691 = vector.broadcast %add3A_596 : i32 to vector<16xi32>
    %add3A_692 = arith.addi %broadcast_in_dim3A_690, %add3A_691 : vector<16xi32>
    %gather3A_693 = tpu.vector_load_idx %arg10[%add3A_692] : memref<512xf32, #tpu.memory_space<vmem>>[vector<16xi32>], vector<16xf32>,
    %broadcast_in_dim3A_694 = arith.constant 192 : i32
    %broadcast_in_dim3A_695 = vector.broadcast %broadcast_in_dim3A_694 : i32 to vector<16xi32>
    %add3A_696 = vector.broadcast %add3A_596 : i32 to vector<16xi32>
    %add3A_697 = arith.addi %broadcast_in_dim3A_695, %add3A_696 : vector<16xi32>
    %gather3A_698 = tpu.vector_load_idx %arg10[%add3A_697] : memref<512xf32, #tpu.memory_space<vmem>>[vector<16xi32>], vector<16xf32>,
    %sub3A_699 = arith.subf %add3A_348, %gather3A_693 : vector<16xf32>
    %mul3A_700 = arith.mulf %sub3A_699, %gather3A_698 : vector<16xf32>
    %mul3A_701 = arith.mulf %mul3A_700, %mul3A_700 : vector<16xf32>
    %broadcast_in_dim3A_702 = arith.constant 0 : i32
    %broadcast_in_dim3A_703 = vector.broadcast %broadcast_in_dim3A_702 : i32 to vector<16xi32>
    %sub3A_704 = arith.subf %add3A_354, %gather3A_693 : vector<16xf32>
    %mul3A_705 = arith.mulf %sub3A_704, %gather3A_698 : vector<16xf32>
    %mul3A_706 = arith.mulf %mul3A_705, %mul3A_705 : vector<16xf32>
    %lt3A_707 = arith.cmpf olt, %mul3A_706, %mul3A_701 : vector<16xf32>
    %select_n3A_708 = arith.select %lt3A_707, %mul3A_706, %mul3A_701 : vector<16xi1>, vector<16xf32>
    %broadcast_in_dim3A_709 = arith.constant 1 : i32
    %broadcast_in_dim3A_710 = vector.broadcast %broadcast_in_dim3A_709 : i32 to vector<16xi32>
    %select_n3A_711 = arith.select %lt3A_707, %broadcast_in_dim3A_710, %broadcast_in_dim3A_703 : vector<16xi1>, vector<16xi32>
    %sub3A_712 = arith.subf %add3A_360, %gather3A_693 : vector<16xf32>
    %mul3A_713 = arith.mulf %sub3A_712, %gather3A_698 : vector<16xf32>
    %mul3A_714 = arith.mulf %mul3A_713, %mul3A_713 : vector<16xf32>
    %lt3A_715 = arith.cmpf olt, %mul3A_714, %select_n3A_708 : vector<16xf32>
    %select_n3A_716 = arith.select %lt3A_715, %mul3A_714, %select_n3A_708 : vector<16xi1>, vector<16xf32>
    %broadcast_in_dim3A_717 = arith.constant 2 : i32
    %broadcast_in_dim3A_718 = vector.broadcast %broadcast_in_dim3A_717 : i32 to vector<16xi32>
    %select_n3A_719 = arith.select %lt3A_715, %broadcast_in_dim3A_718, %select_n3A_711 : vector<16xi1>, vector<16xi32>
    %sub3A_720 = arith.subf %add3A_366, %gather3A_693 : vector<16xf32>
    %mul3A_721 = arith.mulf %sub3A_720, %gather3A_698 : vector<16xf32>
    %mul3A_722 = arith.mulf %mul3A_721, %mul3A_721 : vector<16xf32>
    %lt3A_723 = arith.cmpf olt, %mul3A_722, %select_n3A_716 : vector<16xf32>
    %select_n3A_724 = arith.select %lt3A_723, %mul3A_722, %select_n3A_716 : vector<16xi1>, vector<16xf32>
    %broadcast_in_dim3A_725 = arith.constant 3 : i32
    %broadcast_in_dim3A_726 = vector.broadcast %broadcast_in_dim3A_725 : i32 to vector<16xi32>
    %select_n3A_727 = arith.select %lt3A_723, %broadcast_in_dim3A_726, %select_n3A_719 : vector<16xi1>, vector<16xi32>
    %sub3A_728 = arith.subf %add3A_372, %gather3A_693 : vector<16xf32>
    %mul3A_729 = arith.mulf %sub3A_728, %gather3A_698 : vector<16xf32>
    %mul3A_730 = arith.mulf %mul3A_729, %mul3A_729 : vector<16xf32>
    %lt3A_731 = arith.cmpf olt, %mul3A_730, %select_n3A_724 : vector<16xf32>
    %select_n3A_732 = arith.select %lt3A_731, %mul3A_730, %select_n3A_724 : vector<16xi1>, vector<16xf32>
    %broadcast_in_dim3A_733 = arith.constant 4 : i32
    %broadcast_in_dim3A_734 = vector.broadcast %broadcast_in_dim3A_733 : i32 to vector<16xi32>
    %select_n3A_735 = arith.select %lt3A_731, %broadcast_in_dim3A_734, %select_n3A_727 : vector<16xi1>, vector<16xi32>
    %sub3A_736 = arith.subf %add3A_378, %gather3A_693 : vector<16xf32>
    %mul3A_737 = arith.mulf %sub3A_736, %gather3A_698 : vector<16xf32>
    %mul3A_738 = arith.mulf %mul3A_737, %mul3A_737 : vector<16xf32>
    %lt3A_739 = arith.cmpf olt, %mul3A_738, %select_n3A_732 : vector<16xf32>
    %select_n3A_740 = arith.select %lt3A_739, %mul3A_738, %select_n3A_732 : vector<16xi1>, vector<16xf32>
    %broadcast_in_dim3A_741 = arith.constant 5 : i32
    %broadcast_in_dim3A_742 = vector.broadcast %broadcast_in_dim3A_741 : i32 to vector<16xi32>
    %select_n3A_743 = arith.select %lt3A_739, %broadcast_in_dim3A_742, %select_n3A_735 : vector<16xi1>, vector<16xi32>
    %sub3A_744 = arith.subf %add3A_384, %gather3A_693 : vector<16xf32>
    %mul3A_745 = arith.mulf %sub3A_744, %gather3A_698 : vector<16xf32>
    %mul3A_746 = arith.mulf %mul3A_745, %mul3A_745 : vector<16xf32>
    %lt3A_747 = arith.cmpf olt, %mul3A_746, %select_n3A_740 : vector<16xf32>
    %select_n3A_748 = arith.select %lt3A_747, %mul3A_746, %select_n3A_740 : vector<16xi1>, vector<16xf32>
    %broadcast_in_dim3A_749 = arith.constant 6 : i32
    %broadcast_in_dim3A_750 = vector.broadcast %broadcast_in_dim3A_749 : i32 to vector<16xi32>
    %select_n3A_751 = arith.select %lt3A_747, %broadcast_in_dim3A_750, %select_n3A_743 : vector<16xi1>, vector<16xi32>
    %sub3A_752 = arith.subf %add3A_390, %gather3A_693 : vector<16xf32>
    %mul3A_753 = arith.mulf %sub3A_752, %gather3A_698 : vector<16xf32>
    %mul3A_754 = arith.mulf %mul3A_753, %mul3A_753 : vector<16xf32>
    %lt3A_755 = arith.cmpf olt, %mul3A_754, %select_n3A_748 : vector<16xf32>
    %select_n3A_756 = arith.select %lt3A_755, %mul3A_754, %select_n3A_748 : vector<16xi1>, vector<16xf32>
    %broadcast_in_dim3A_757 = arith.constant 7 : i32
    %broadcast_in_dim3A_758 = vector.broadcast %broadcast_in_dim3A_757 : i32 to vector<16xi32>
    %select_n3A_759 = arith.select %lt3A_755, %broadcast_in_dim3A_758, %select_n3A_751 : vector<16xi1>, vector<16xi32>
    %reduce_min3A_760 = arith.constant true
    %reduce_min3A_761 = vector.broadcast %reduce_min3A_760 : i1 to vector<16xi1>
    %reduce_min3A_762 = tpu.scan <min>, %select_n3A_756 masked %reduce_min3A_761 : vector<16xf32>, vector<16xi1> -> vector<16xf32>
    %reduce_min3A_763 = vector.extract %reduce_min3A_762[15] : f32 from vector<16xf32>
    %eq3A_764 = vector.broadcast %reduce_min3A_763 : f32 to vector<16xf32>
    %eq3A_765 = arith.cmpf oeq, %select_n3A_756, %eq3A_764 : vector<16xf32>
    %mul3A_766 = arith.constant 16 : i32
    %mul3A_767 = vector.broadcast %mul3A_766 : i32 to vector<16xi32>
    %mul3A_768 = arith.muli %select_n3A_759, %mul3A_767 : vector<16xi32>
    %add3A_769 = arith.addi %mul3A_768, %iota3A : vector<16xi32>
    %broadcast_in_dim3A_770 = arith.constant 1073741824 : i32
    %broadcast_in_dim3A_771 = vector.broadcast %broadcast_in_dim3A_770 : i32 to vector<16xi32>
    %select_n3A_772 = arith.select %eq3A_765, %add3A_769, %broadcast_in_dim3A_771 : vector<16xi1>, vector<16xi32>
    %reduce_min3A_773 = arith.constant true
    %reduce_min3A_774 = vector.broadcast %reduce_min3A_773 : i1 to vector<16xi1>
    %reduce_min3A_775 = arith.constant -2147483648 : i32
    %reduce_min3A_776 = vector.broadcast %reduce_min3A_775 : i32 to vector<16xi32>
    %reduce_min3A_777 = arith.xori %select_n3A_772, %reduce_min3A_776 : vector<16xi32>
    %reduce_min3A_778 = tpu.scan <min>, %reduce_min3A_777 masked %reduce_min3A_774 : vector<16xi32>, vector<16xi1> -> vector<16xi32>
    %reduce_min3A_779 = arith.xori %reduce_min3A_778, %reduce_min3A_776 : vector<16xi32>
    %reduce_min3A_780 = vector.extract %reduce_min3A_779[15] : i32 from vector<16xi32>
    %add3A_781 = arith.addf %reduce_min3A_671, %reduce_min3A_763 : f32
    %mul3A_782 = arith.constant 128 : i32
    %mul3A_783 = arith.muli %reduce_min3A_688, %mul3A_782 : i32
    %add3A_784 = arith.addi %mul3A_783, %reduce_min3A_780 : i32
    %eq3A_785 = arith.constant 1 : i32
    %eq3A_786 = vector.broadcast %eq3A_785 : i32 to vector<16xi32>
    %eq3A_787 = arith.cmpi eq, %iota3A, %eq3A_786 : vector<16xi32>
    %broadcast_in_dim3A_788 = vector.broadcast %add3A_781 : f32 to vector<16xf32>
    %select_n3A_789 = arith.select %eq3A_787, %broadcast_in_dim3A_788, %select_n3A_587 : vector<16xi1>, vector<16xf32>
    %eq3A_790 = arith.constant 1 : i32
    %eq3A_791 = vector.broadcast %eq3A_790 : i32 to vector<16xi32>
    %eq3A_792 = arith.cmpi eq, %iota3A, %eq3A_791 : vector<16xi32>
    %broadcast_in_dim3A_793 = vector.broadcast %add3A_784 : i32 to vector<16xi32>
    %select_n3A_794 = arith.select %eq3A_792, %broadcast_in_dim3A_793, %select_n3A_592 : vector<16xi1>, vector<16xi32>
    %mul3A_795 = arith.constant 4 : i32
    %mul3A_796 = arith.muli %arg1, %mul3A_795 : i32
    %add3A_797 = arith.constant 2 : i32
    %add3A_798 = arith.addi %mul3A_796, %add3A_797 : i32
    %broadcast_in_dim3A_799 = arith.constant 0 : i32
    %broadcast_in_dim3A_800 = vector.broadcast %broadcast_in_dim3A_799 : i32 to vector<16xi32>
    %add3A_801 = vector.broadcast %add3A_798 : i32 to vector<16xi32>
    %add3A_802 = arith.addi %broadcast_in_dim3A_800, %add3A_801 : vector<16xi32>
    %gather3A_803 = tpu.vector_load_idx %arg10[%add3A_802] : memref<512xf32, #tpu.memory_space<vmem>>[vector<16xi32>], vector<16xf32>,
    %broadcast_in_dim3A_804 = arith.constant 128 : i32
    %broadcast_in_dim3A_805 = vector.broadcast %broadcast_in_dim3A_804 : i32 to vector<16xi32>
    %add3A_806 = vector.broadcast %add3A_798 : i32 to vector<16xi32>
    %add3A_807 = arith.addi %broadcast_in_dim3A_805, %add3A_806 : vector<16xi32>
    %gather3A_808 = tpu.vector_load_idx %arg10[%add3A_807] : memref<512xf32, #tpu.memory_space<vmem>>[vector<16xi32>], vector<16xf32>,
    %sub3A_809 = arith.subf %add3A_348, %gather3A_803 : vector<16xf32>
    %mul3A_810 = arith.mulf %sub3A_809, %gather3A_808 : vector<16xf32>
    %mul3A_811 = arith.mulf %mul3A_810, %mul3A_810 : vector<16xf32>
    %broadcast_in_dim3A_812 = arith.constant 0 : i32
    %broadcast_in_dim3A_813 = vector.broadcast %broadcast_in_dim3A_812 : i32 to vector<16xi32>
    %sub3A_814 = arith.subf %add3A_354, %gather3A_803 : vector<16xf32>
    %mul3A_815 = arith.mulf %sub3A_814, %gather3A_808 : vector<16xf32>
    %mul3A_816 = arith.mulf %mul3A_815, %mul3A_815 : vector<16xf32>
    %lt3A_817 = arith.cmpf olt, %mul3A_816, %mul3A_811 : vector<16xf32>
    %select_n3A_818 = arith.select %lt3A_817, %mul3A_816, %mul3A_811 : vector<16xi1>, vector<16xf32>
    %broadcast_in_dim3A_819 = arith.constant 1 : i32
    %broadcast_in_dim3A_820 = vector.broadcast %broadcast_in_dim3A_819 : i32 to vector<16xi32>
    %select_n3A_821 = arith.select %lt3A_817, %broadcast_in_dim3A_820, %broadcast_in_dim3A_813 : vector<16xi1>, vector<16xi32>
    %sub3A_822 = arith.subf %add3A_360, %gather3A_803 : vector<16xf32>
    %mul3A_823 = arith.mulf %sub3A_822, %gather3A_808 : vector<16xf32>
    %mul3A_824 = arith.mulf %mul3A_823, %mul3A_823 : vector<16xf32>
    %lt3A_825 = arith.cmpf olt, %mul3A_824, %select_n3A_818 : vector<16xf32>
    %select_n3A_826 = arith.select %lt3A_825, %mul3A_824, %select_n3A_818 : vector<16xi1>, vector<16xf32>
    %broadcast_in_dim3A_827 = arith.constant 2 : i32
    %broadcast_in_dim3A_828 = vector.broadcast %broadcast_in_dim3A_827 : i32 to vector<16xi32>
    %select_n3A_829 = arith.select %lt3A_825, %broadcast_in_dim3A_828, %select_n3A_821 : vector<16xi1>, vector<16xi32>
    %sub3A_830 = arith.subf %add3A_366, %gather3A_803 : vector<16xf32>
    %mul3A_831 = arith.mulf %sub3A_830, %gather3A_808 : vector<16xf32>
    %mul3A_832 = arith.mulf %mul3A_831, %mul3A_831 : vector<16xf32>
    %lt3A_833 = arith.cmpf olt, %mul3A_832, %select_n3A_826 : vector<16xf32>
    %select_n3A_834 = arith.select %lt3A_833, %mul3A_832, %select_n3A_826 : vector<16xi1>, vector<16xf32>
    %broadcast_in_dim3A_835 = arith.constant 3 : i32
    %broadcast_in_dim3A_836 = vector.broadcast %broadcast_in_dim3A_835 : i32 to vector<16xi32>
    %select_n3A_837 = arith.select %lt3A_833, %broadcast_in_dim3A_836, %select_n3A_829 : vector<16xi1>, vector<16xi32>
    %sub3A_838 = arith.subf %add3A_372, %gather3A_803 : vector<16xf32>
    %mul3A_839 = arith.mulf %sub3A_838, %gather3A_808 : vector<16xf32>
    %mul3A_840 = arith.mulf %mul3A_839, %mul3A_839 : vector<16xf32>
    %lt3A_841 = arith.cmpf olt, %mul3A_840, %select_n3A_834 : vector<16xf32>
    %select_n3A_842 = arith.select %lt3A_841, %mul3A_840, %select_n3A_834 : vector<16xi1>, vector<16xf32>
    %broadcast_in_dim3A_843 = arith.constant 4 : i32
    %broadcast_in_dim3A_844 = vector.broadcast %broadcast_in_dim3A_843 : i32 to vector<16xi32>
    %select_n3A_845 = arith.select %lt3A_841, %broadcast_in_dim3A_844, %select_n3A_837 : vector<16xi1>, vector<16xi32>
    %sub3A_846 = arith.subf %add3A_378, %gather3A_803 : vector<16xf32>
    %mul3A_847 = arith.mulf %sub3A_846, %gather3A_808 : vector<16xf32>
    %mul3A_848 = arith.mulf %mul3A_847, %mul3A_847 : vector<16xf32>
    %lt3A_849 = arith.cmpf olt, %mul3A_848, %select_n3A_842 : vector<16xf32>
    %select_n3A_850 = arith.select %lt3A_849, %mul3A_848, %select_n3A_842 : vector<16xi1>, vector<16xf32>
    %broadcast_in_dim3A_851 = arith.constant 5 : i32
    %broadcast_in_dim3A_852 = vector.broadcast %broadcast_in_dim3A_851 : i32 to vector<16xi32>
    %select_n3A_853 = arith.select %lt3A_849, %broadcast_in_dim3A_852, %select_n3A_845 : vector<16xi1>, vector<16xi32>
    %sub3A_854 = arith.subf %add3A_384, %gather3A_803 : vector<16xf32>
    %mul3A_855 = arith.mulf %sub3A_854, %gather3A_808 : vector<16xf32>
    %mul3A_856 = arith.mulf %mul3A_855, %mul3A_855 : vector<16xf32>
    %lt3A_857 = arith.cmpf olt, %mul3A_856, %select_n3A_850 : vector<16xf32>
    %select_n3A_858 = arith.select %lt3A_857, %mul3A_856, %select_n3A_850 : vector<16xi1>, vector<16xf32>
    %broadcast_in_dim3A_859 = arith.constant 6 : i32
    %broadcast_in_dim3A_860 = vector.broadcast %broadcast_in_dim3A_859 : i32 to vector<16xi32>
    %select_n3A_861 = arith.select %lt3A_857, %broadcast_in_dim3A_860, %select_n3A_853 : vector<16xi1>, vector<16xi32>
    %sub3A_862 = arith.subf %add3A_390, %gather3A_803 : vector<16xf32>
    %mul3A_863 = arith.mulf %sub3A_862, %gather3A_808 : vector<16xf32>
    %mul3A_864 = arith.mulf %mul3A_863, %mul3A_863 : vector<16xf32>
    %lt3A_865 = arith.cmpf olt, %mul3A_864, %select_n3A_858 : vector<16xf32>
    %select_n3A_866 = arith.select %lt3A_865, %mul3A_864, %select_n3A_858 : vector<16xi1>, vector<16xf32>
    %broadcast_in_dim3A_867 = arith.constant 7 : i32
    %broadcast_in_dim3A_868 = vector.broadcast %broadcast_in_dim3A_867 : i32 to vector<16xi32>
    %select_n3A_869 = arith.select %lt3A_865, %broadcast_in_dim3A_868, %select_n3A_861 : vector<16xi1>, vector<16xi32>
    %reduce_min3A_870 = arith.constant true
    %reduce_min3A_871 = vector.broadcast %reduce_min3A_870 : i1 to vector<16xi1>
    %reduce_min3A_872 = tpu.scan <min>, %select_n3A_866 masked %reduce_min3A_871 : vector<16xf32>, vector<16xi1> -> vector<16xf32>
    %reduce_min3A_873 = vector.extract %reduce_min3A_872[15] : f32 from vector<16xf32>
    %eq3A_874 = vector.broadcast %reduce_min3A_873 : f32 to vector<16xf32>
    %eq3A_875 = arith.cmpf oeq, %select_n3A_866, %eq3A_874 : vector<16xf32>
    %mul3A_876 = arith.constant 16 : i32
    %mul3A_877 = vector.broadcast %mul3A_876 : i32 to vector<16xi32>
    %mul3A_878 = arith.muli %select_n3A_869, %mul3A_877 : vector<16xi32>
    %add3A_879 = arith.addi %mul3A_878, %iota3A : vector<16xi32>
    %broadcast_in_dim3A_880 = arith.constant 1073741824 : i32
    %broadcast_in_dim3A_881 = vector.broadcast %broadcast_in_dim3A_880 : i32 to vector<16xi32>
    %select_n3A_882 = arith.select %eq3A_875, %add3A_879, %broadcast_in_dim3A_881 : vector<16xi1>, vector<16xi32>
    %reduce_min3A_883 = arith.constant true
    %reduce_min3A_884 = vector.broadcast %reduce_min3A_883 : i1 to vector<16xi1>
    %reduce_min3A_885 = arith.constant -2147483648 : i32
    %reduce_min3A_886 = vector.broadcast %reduce_min3A_885 : i32 to vector<16xi32>
    %reduce_min3A_887 = arith.xori %select_n3A_882, %reduce_min3A_886 : vector<16xi32>
    %reduce_min3A_888 = tpu.scan <min>, %reduce_min3A_887 masked %reduce_min3A_884 : vector<16xi32>, vector<16xi1> -> vector<16xi32>
    %reduce_min3A_889 = arith.xori %reduce_min3A_888, %reduce_min3A_886 : vector<16xi32>
    %reduce_min3A_890 = vector.extract %reduce_min3A_889[15] : i32 from vector<16xi32>
    %broadcast_in_dim3A_891 = arith.constant 64 : i32
    %broadcast_in_dim3A_892 = vector.broadcast %broadcast_in_dim3A_891 : i32 to vector<16xi32>
    %add3A_893 = vector.broadcast %add3A_798 : i32 to vector<16xi32>
    %add3A_894 = arith.addi %broadcast_in_dim3A_892, %add3A_893 : vector<16xi32>
    %gather3A_895 = tpu.vector_load_idx %arg10[%add3A_894] : memref<512xf32, #tpu.memory_space<vmem>>[vector<16xi32>], vector<16xf32>,
    %broadcast_in_dim3A_896 = arith.constant 192 : i32
    %broadcast_in_dim3A_897 = vector.broadcast %broadcast_in_dim3A_896 : i32 to vector<16xi32>
    %add3A_898 = vector.broadcast %add3A_798 : i32 to vector<16xi32>
    %add3A_899 = arith.addi %broadcast_in_dim3A_897, %add3A_898 : vector<16xi32>
    %gather3A_900 = tpu.vector_load_idx %arg10[%add3A_899] : memref<512xf32, #tpu.memory_space<vmem>>[vector<16xi32>], vector<16xf32>,
    %sub3A_901 = arith.subf %add3A_348, %gather3A_895 : vector<16xf32>
    %mul3A_902 = arith.mulf %sub3A_901, %gather3A_900 : vector<16xf32>
    %mul3A_903 = arith.mulf %mul3A_902, %mul3A_902 : vector<16xf32>
    %broadcast_in_dim3A_904 = arith.constant 0 : i32
    %broadcast_in_dim3A_905 = vector.broadcast %broadcast_in_dim3A_904 : i32 to vector<16xi32>
    %sub3A_906 = arith.subf %add3A_354, %gather3A_895 : vector<16xf32>
    %mul3A_907 = arith.mulf %sub3A_906, %gather3A_900 : vector<16xf32>
    %mul3A_908 = arith.mulf %mul3A_907, %mul3A_907 : vector<16xf32>
    %lt3A_909 = arith.cmpf olt, %mul3A_908, %mul3A_903 : vector<16xf32>
    %select_n3A_910 = arith.select %lt3A_909, %mul3A_908, %mul3A_903 : vector<16xi1>, vector<16xf32>
    %broadcast_in_dim3A_911 = arith.constant 1 : i32
    %broadcast_in_dim3A_912 = vector.broadcast %broadcast_in_dim3A_911 : i32 to vector<16xi32>
    %select_n3A_913 = arith.select %lt3A_909, %broadcast_in_dim3A_912, %broadcast_in_dim3A_905 : vector<16xi1>, vector<16xi32>
    %sub3A_914 = arith.subf %add3A_360, %gather3A_895 : vector<16xf32>
    %mul3A_915 = arith.mulf %sub3A_914, %gather3A_900 : vector<16xf32>
    %mul3A_916 = arith.mulf %mul3A_915, %mul3A_915 : vector<16xf32>
    %lt3A_917 = arith.cmpf olt, %mul3A_916, %select_n3A_910 : vector<16xf32>
    %select_n3A_918 = arith.select %lt3A_917, %mul3A_916, %select_n3A_910 : vector<16xi1>, vector<16xf32>
    %broadcast_in_dim3A_919 = arith.constant 2 : i32
    %broadcast_in_dim3A_920 = vector.broadcast %broadcast_in_dim3A_919 : i32 to vector<16xi32>
    %select_n3A_921 = arith.select %lt3A_917, %broadcast_in_dim3A_920, %select_n3A_913 : vector<16xi1>, vector<16xi32>
    %sub3A_922 = arith.subf %add3A_366, %gather3A_895 : vector<16xf32>
    %mul3A_923 = arith.mulf %sub3A_922, %gather3A_900 : vector<16xf32>
    %mul3A_924 = arith.mulf %mul3A_923, %mul3A_923 : vector<16xf32>
    %lt3A_925 = arith.cmpf olt, %mul3A_924, %select_n3A_918 : vector<16xf32>
    %select_n3A_926 = arith.select %lt3A_925, %mul3A_924, %select_n3A_918 : vector<16xi1>, vector<16xf32>
    %broadcast_in_dim3A_927 = arith.constant 3 : i32
    %broadcast_in_dim3A_928 = vector.broadcast %broadcast_in_dim3A_927 : i32 to vector<16xi32>
    %select_n3A_929 = arith.select %lt3A_925, %broadcast_in_dim3A_928, %select_n3A_921 : vector<16xi1>, vector<16xi32>
    %sub3A_930 = arith.subf %add3A_372, %gather3A_895 : vector<16xf32>
    %mul3A_931 = arith.mulf %sub3A_930, %gather3A_900 : vector<16xf32>
    %mul3A_932 = arith.mulf %mul3A_931, %mul3A_931 : vector<16xf32>
    %lt3A_933 = arith.cmpf olt, %mul3A_932, %select_n3A_926 : vector<16xf32>
    %select_n3A_934 = arith.select %lt3A_933, %mul3A_932, %select_n3A_926 : vector<16xi1>, vector<16xf32>
    %broadcast_in_dim3A_935 = arith.constant 4 : i32
    %broadcast_in_dim3A_936 = vector.broadcast %broadcast_in_dim3A_935 : i32 to vector<16xi32>
    %select_n3A_937 = arith.select %lt3A_933, %broadcast_in_dim3A_936, %select_n3A_929 : vector<16xi1>, vector<16xi32>
    %sub3A_938 = arith.subf %add3A_378, %gather3A_895 : vector<16xf32>
    %mul3A_939 = arith.mulf %sub3A_938, %gather3A_900 : vector<16xf32>
    %mul3A_940 = arith.mulf %mul3A_939, %mul3A_939 : vector<16xf32>
    %lt3A_941 = arith.cmpf olt, %mul3A_940, %select_n3A_934 : vector<16xf32>
    %select_n3A_942 = arith.select %lt3A_941, %mul3A_940, %select_n3A_934 : vector<16xi1>, vector<16xf32>
    %broadcast_in_dim3A_943 = arith.constant 5 : i32
    %broadcast_in_dim3A_944 = vector.broadcast %broadcast_in_dim3A_943 : i32 to vector<16xi32>
    %select_n3A_945 = arith.select %lt3A_941, %broadcast_in_dim3A_944, %select_n3A_937 : vector<16xi1>, vector<16xi32>
    %sub3A_946 = arith.subf %add3A_384, %gather3A_895 : vector<16xf32>
    %mul3A_947 = arith.mulf %sub3A_946, %gather3A_900 : vector<16xf32>
    %mul3A_948 = arith.mulf %mul3A_947, %mul3A_947 : vector<16xf32>
    %lt3A_949 = arith.cmpf olt, %mul3A_948, %select_n3A_942 : vector<16xf32>
    %select_n3A_950 = arith.select %lt3A_949, %mul3A_948, %select_n3A_942 : vector<16xi1>, vector<16xf32>
    %broadcast_in_dim3A_951 = arith.constant 6 : i32
    %broadcast_in_dim3A_952 = vector.broadcast %broadcast_in_dim3A_951 : i32 to vector<16xi32>
    %select_n3A_953 = arith.select %lt3A_949, %broadcast_in_dim3A_952, %select_n3A_945 : vector<16xi1>, vector<16xi32>
    %sub3A_954 = arith.subf %add3A_390, %gather3A_895 : vector<16xf32>
    %mul3A_955 = arith.mulf %sub3A_954, %gather3A_900 : vector<16xf32>
    %mul3A_956 = arith.mulf %mul3A_955, %mul3A_955 : vector<16xf32>
    %lt3A_957 = arith.cmpf olt, %mul3A_956, %select_n3A_950 : vector<16xf32>
    %select_n3A_958 = arith.select %lt3A_957, %mul3A_956, %select_n3A_950 : vector<16xi1>, vector<16xf32>
    %broadcast_in_dim3A_959 = arith.constant 7 : i32
    %broadcast_in_dim3A_960 = vector.broadcast %broadcast_in_dim3A_959 : i32 to vector<16xi32>
    %select_n3A_961 = arith.select %lt3A_957, %broadcast_in_dim3A_960, %select_n3A_953 : vector<16xi1>, vector<16xi32>
    %reduce_min3A_962 = arith.constant true
    %reduce_min3A_963 = vector.broadcast %reduce_min3A_962 : i1 to vector<16xi1>
    %reduce_min3A_964 = tpu.scan <min>, %select_n3A_958 masked %reduce_min3A_963 : vector<16xf32>, vector<16xi1> -> vector<16xf32>
    %reduce_min3A_965 = vector.extract %reduce_min3A_964[15] : f32 from vector<16xf32>
    %eq3A_966 = vector.broadcast %reduce_min3A_965 : f32 to vector<16xf32>
    %eq3A_967 = arith.cmpf oeq, %select_n3A_958, %eq3A_966 : vector<16xf32>
    %mul3A_968 = arith.constant 16 : i32
    %mul3A_969 = vector.broadcast %mul3A_968 : i32 to vector<16xi32>
    %mul3A_970 = arith.muli %select_n3A_961, %mul3A_969 : vector<16xi32>
    %add3A_971 = arith.addi %mul3A_970, %iota3A : vector<16xi32>
    %broadcast_in_dim3A_972 = arith.constant 1073741824 : i32
    %broadcast_in_dim3A_973 = vector.broadcast %broadcast_in_dim3A_972 : i32 to vector<16xi32>
    %select_n3A_974 = arith.select %eq3A_967, %add3A_971, %broadcast_in_dim3A_973 : vector<16xi1>, vector<16xi32>
    %reduce_min3A_975 = arith.constant true
    %reduce_min3A_976 = vector.broadcast %reduce_min3A_975 : i1 to vector<16xi1>
    %reduce_min3A_977 = arith.constant -2147483648 : i32
    %reduce_min3A_978 = vector.broadcast %reduce_min3A_977 : i32 to vector<16xi32>
    %reduce_min3A_979 = arith.xori %select_n3A_974, %reduce_min3A_978 : vector<16xi32>
    %reduce_min3A_980 = tpu.scan <min>, %reduce_min3A_979 masked %reduce_min3A_976 : vector<16xi32>, vector<16xi1> -> vector<16xi32>
    %reduce_min3A_981 = arith.xori %reduce_min3A_980, %reduce_min3A_978 : vector<16xi32>
    %reduce_min3A_982 = vector.extract %reduce_min3A_981[15] : i32 from vector<16xi32>
    %add3A_983 = arith.addf %reduce_min3A_873, %reduce_min3A_965 : f32
    %mul3A_984 = arith.constant 128 : i32
    %mul3A_985 = arith.muli %reduce_min3A_890, %mul3A_984 : i32
    %add3A_986 = arith.addi %mul3A_985, %reduce_min3A_982 : i32
    %eq3A_987 = arith.constant 2 : i32
    %eq3A_988 = vector.broadcast %eq3A_987 : i32 to vector<16xi32>
    %eq3A_989 = arith.cmpi eq, %iota3A, %eq3A_988 : vector<16xi32>
    %broadcast_in_dim3A_990 = vector.broadcast %add3A_983 : f32 to vector<16xf32>
    %select_n3A_991 = arith.select %eq3A_989, %broadcast_in_dim3A_990, %select_n3A_789 : vector<16xi1>, vector<16xf32>
    %eq3A_992 = arith.constant 2 : i32
    %eq3A_993 = vector.broadcast %eq3A_992 : i32 to vector<16xi32>
    %eq3A_994 = arith.cmpi eq, %iota3A, %eq3A_993 : vector<16xi32>
    %broadcast_in_dim3A_995 = vector.broadcast %add3A_986 : i32 to vector<16xi32>
    %select_n3A_996 = arith.select %eq3A_994, %broadcast_in_dim3A_995, %select_n3A_794 : vector<16xi1>, vector<16xi32>
    %mul3A_997 = arith.constant 4 : i32
    %mul3A_998 = arith.muli %arg1, %mul3A_997 : i32
    %add3A_999 = arith.constant 3 : i32
    %add3A_1000 = arith.addi %mul3A_998, %add3A_999 : i32
    %broadcast_in_dim3A_1001 = arith.constant 0 : i32
    %broadcast_in_dim3A_1002 = vector.broadcast %broadcast_in_dim3A_1001 : i32 to vector<16xi32>
    %add3A_1003 = vector.broadcast %add3A_1000 : i32 to vector<16xi32>
    %add3A_1004 = arith.addi %broadcast_in_dim3A_1002, %add3A_1003 : vector<16xi32>
    %gather3A_1005 = tpu.vector_load_idx %arg10[%add3A_1004] : memref<512xf32, #tpu.memory_space<vmem>>[vector<16xi32>], vector<16xf32>,
    %broadcast_in_dim3A_1006 = arith.constant 128 : i32
    %broadcast_in_dim3A_1007 = vector.broadcast %broadcast_in_dim3A_1006 : i32 to vector<16xi32>
    %add3A_1008 = vector.broadcast %add3A_1000 : i32 to vector<16xi32>
    %add3A_1009 = arith.addi %broadcast_in_dim3A_1007, %add3A_1008 : vector<16xi32>
    %gather3A_1010 = tpu.vector_load_idx %arg10[%add3A_1009] : memref<512xf32, #tpu.memory_space<vmem>>[vector<16xi32>], vector<16xf32>,
    %sub3A_1011 = arith.subf %add3A_348, %gather3A_1005 : vector<16xf32>
    %mul3A_1012 = arith.mulf %sub3A_1011, %gather3A_1010 : vector<16xf32>
    %mul3A_1013 = arith.mulf %mul3A_1012, %mul3A_1012 : vector<16xf32>
    %broadcast_in_dim3A_1014 = arith.constant 0 : i32
    %broadcast_in_dim3A_1015 = vector.broadcast %broadcast_in_dim3A_1014 : i32 to vector<16xi32>
    %sub3A_1016 = arith.subf %add3A_354, %gather3A_1005 : vector<16xf32>
    %mul3A_1017 = arith.mulf %sub3A_1016, %gather3A_1010 : vector<16xf32>
    %mul3A_1018 = arith.mulf %mul3A_1017, %mul3A_1017 : vector<16xf32>
    %lt3A_1019 = arith.cmpf olt, %mul3A_1018, %mul3A_1013 : vector<16xf32>
    %select_n3A_1020 = arith.select %lt3A_1019, %mul3A_1018, %mul3A_1013 : vector<16xi1>, vector<16xf32>
    %broadcast_in_dim3A_1021 = arith.constant 1 : i32
    %broadcast_in_dim3A_1022 = vector.broadcast %broadcast_in_dim3A_1021 : i32 to vector<16xi32>
    %select_n3A_1023 = arith.select %lt3A_1019, %broadcast_in_dim3A_1022, %broadcast_in_dim3A_1015 : vector<16xi1>, vector<16xi32>
    %sub3A_1024 = arith.subf %add3A_360, %gather3A_1005 : vector<16xf32>
    %mul3A_1025 = arith.mulf %sub3A_1024, %gather3A_1010 : vector<16xf32>
    %mul3A_1026 = arith.mulf %mul3A_1025, %mul3A_1025 : vector<16xf32>
    %lt3A_1027 = arith.cmpf olt, %mul3A_1026, %select_n3A_1020 : vector<16xf32>
    %select_n3A_1028 = arith.select %lt3A_1027, %mul3A_1026, %select_n3A_1020 : vector<16xi1>, vector<16xf32>
    %broadcast_in_dim3A_1029 = arith.constant 2 : i32
    %broadcast_in_dim3A_1030 = vector.broadcast %broadcast_in_dim3A_1029 : i32 to vector<16xi32>
    %select_n3A_1031 = arith.select %lt3A_1027, %broadcast_in_dim3A_1030, %select_n3A_1023 : vector<16xi1>, vector<16xi32>
    %sub3A_1032 = arith.subf %add3A_366, %gather3A_1005 : vector<16xf32>
    %mul3A_1033 = arith.mulf %sub3A_1032, %gather3A_1010 : vector<16xf32>
    %mul3A_1034 = arith.mulf %mul3A_1033, %mul3A_1033 : vector<16xf32>
    %lt3A_1035 = arith.cmpf olt, %mul3A_1034, %select_n3A_1028 : vector<16xf32>
    %select_n3A_1036 = arith.select %lt3A_1035, %mul3A_1034, %select_n3A_1028 : vector<16xi1>, vector<16xf32>
    %broadcast_in_dim3A_1037 = arith.constant 3 : i32
    %broadcast_in_dim3A_1038 = vector.broadcast %broadcast_in_dim3A_1037 : i32 to vector<16xi32>
    %select_n3A_1039 = arith.select %lt3A_1035, %broadcast_in_dim3A_1038, %select_n3A_1031 : vector<16xi1>, vector<16xi32>
    %sub3A_1040 = arith.subf %add3A_372, %gather3A_1005 : vector<16xf32>
    %mul3A_1041 = arith.mulf %sub3A_1040, %gather3A_1010 : vector<16xf32>
    %mul3A_1042 = arith.mulf %mul3A_1041, %mul3A_1041 : vector<16xf32>
    %lt3A_1043 = arith.cmpf olt, %mul3A_1042, %select_n3A_1036 : vector<16xf32>
    %select_n3A_1044 = arith.select %lt3A_1043, %mul3A_1042, %select_n3A_1036 : vector<16xi1>, vector<16xf32>
    %broadcast_in_dim3A_1045 = arith.constant 4 : i32
    %broadcast_in_dim3A_1046 = vector.broadcast %broadcast_in_dim3A_1045 : i32 to vector<16xi32>
    %select_n3A_1047 = arith.select %lt3A_1043, %broadcast_in_dim3A_1046, %select_n3A_1039 : vector<16xi1>, vector<16xi32>
    %sub3A_1048 = arith.subf %add3A_378, %gather3A_1005 : vector<16xf32>
    %mul3A_1049 = arith.mulf %sub3A_1048, %gather3A_1010 : vector<16xf32>
    %mul3A_1050 = arith.mulf %mul3A_1049, %mul3A_1049 : vector<16xf32>
    %lt3A_1051 = arith.cmpf olt, %mul3A_1050, %select_n3A_1044 : vector<16xf32>
    %select_n3A_1052 = arith.select %lt3A_1051, %mul3A_1050, %select_n3A_1044 : vector<16xi1>, vector<16xf32>
    %broadcast_in_dim3A_1053 = arith.constant 5 : i32
    %broadcast_in_dim3A_1054 = vector.broadcast %broadcast_in_dim3A_1053 : i32 to vector<16xi32>
    %select_n3A_1055 = arith.select %lt3A_1051, %broadcast_in_dim3A_1054, %select_n3A_1047 : vector<16xi1>, vector<16xi32>
    %sub3A_1056 = arith.subf %add3A_384, %gather3A_1005 : vector<16xf32>
    %mul3A_1057 = arith.mulf %sub3A_1056, %gather3A_1010 : vector<16xf32>
    %mul3A_1058 = arith.mulf %mul3A_1057, %mul3A_1057 : vector<16xf32>
    %lt3A_1059 = arith.cmpf olt, %mul3A_1058, %select_n3A_1052 : vector<16xf32>
    %select_n3A_1060 = arith.select %lt3A_1059, %mul3A_1058, %select_n3A_1052 : vector<16xi1>, vector<16xf32>
    %broadcast_in_dim3A_1061 = arith.constant 6 : i32
    %broadcast_in_dim3A_1062 = vector.broadcast %broadcast_in_dim3A_1061 : i32 to vector<16xi32>
    %select_n3A_1063 = arith.select %lt3A_1059, %broadcast_in_dim3A_1062, %select_n3A_1055 : vector<16xi1>, vector<16xi32>
    %sub3A_1064 = arith.subf %add3A_390, %gather3A_1005 : vector<16xf32>
    %mul3A_1065 = arith.mulf %sub3A_1064, %gather3A_1010 : vector<16xf32>
    %mul3A_1066 = arith.mulf %mul3A_1065, %mul3A_1065 : vector<16xf32>
    %lt3A_1067 = arith.cmpf olt, %mul3A_1066, %select_n3A_1060 : vector<16xf32>
    %select_n3A_1068 = arith.select %lt3A_1067, %mul3A_1066, %select_n3A_1060 : vector<16xi1>, vector<16xf32>
    %broadcast_in_dim3A_1069 = arith.constant 7 : i32
    %broadcast_in_dim3A_1070 = vector.broadcast %broadcast_in_dim3A_1069 : i32 to vector<16xi32>
    %select_n3A_1071 = arith.select %lt3A_1067, %broadcast_in_dim3A_1070, %select_n3A_1063 : vector<16xi1>, vector<16xi32>
    %reduce_min3A_1072 = arith.constant true
    %reduce_min3A_1073 = vector.broadcast %reduce_min3A_1072 : i1 to vector<16xi1>
    %reduce_min3A_1074 = tpu.scan <min>, %select_n3A_1068 masked %reduce_min3A_1073 : vector<16xf32>, vector<16xi1> -> vector<16xf32>
    %reduce_min3A_1075 = vector.extract %reduce_min3A_1074[15] : f32 from vector<16xf32>
    %eq3A_1076 = vector.broadcast %reduce_min3A_1075 : f32 to vector<16xf32>
    %eq3A_1077 = arith.cmpf oeq, %select_n3A_1068, %eq3A_1076 : vector<16xf32>
    %mul3A_1078 = arith.constant 16 : i32
    %mul3A_1079 = vector.broadcast %mul3A_1078 : i32 to vector<16xi32>
    %mul3A_1080 = arith.muli %select_n3A_1071, %mul3A_1079 : vector<16xi32>
    %add3A_1081 = arith.addi %mul3A_1080, %iota3A : vector<16xi32>
    %broadcast_in_dim3A_1082 = arith.constant 1073741824 : i32
    %broadcast_in_dim3A_1083 = vector.broadcast %broadcast_in_dim3A_1082 : i32 to vector<16xi32>
    %select_n3A_1084 = arith.select %eq3A_1077, %add3A_1081, %broadcast_in_dim3A_1083 : vector<16xi1>, vector<16xi32>
    %reduce_min3A_1085 = arith.constant true
    %reduce_min3A_1086 = vector.broadcast %reduce_min3A_1085 : i1 to vector<16xi1>
    %reduce_min3A_1087 = arith.constant -2147483648 : i32
    %reduce_min3A_1088 = vector.broadcast %reduce_min3A_1087 : i32 to vector<16xi32>
    %reduce_min3A_1089 = arith.xori %select_n3A_1084, %reduce_min3A_1088 : vector<16xi32>
    %reduce_min3A_1090 = tpu.scan <min>, %reduce_min3A_1089 masked %reduce_min3A_1086 : vector<16xi32>, vector<16xi1> -> vector<16xi32>
    %reduce_min3A_1091 = arith.xori %reduce_min3A_1090, %reduce_min3A_1088 : vector<16xi32>
    %reduce_min3A_1092 = vector.extract %reduce_min3A_1091[15] : i32 from vector<16xi32>
    %broadcast_in_dim3A_1093 = arith.constant 64 : i32
    %broadcast_in_dim3A_1094 = vector.broadcast %broadcast_in_dim3A_1093 : i32 to vector<16xi32>
    %add3A_1095 = vector.broadcast %add3A_1000 : i32 to vector<16xi32>
    %add3A_1096 = arith.addi %broadcast_in_dim3A_1094, %add3A_1095 : vector<16xi32>
    %gather3A_1097 = tpu.vector_load_idx %arg10[%add3A_1096] : memref<512xf32, #tpu.memory_space<vmem>>[vector<16xi32>], vector<16xf32>,
    %broadcast_in_dim3A_1098 = arith.constant 192 : i32
    %broadcast_in_dim3A_1099 = vector.broadcast %broadcast_in_dim3A_1098 : i32 to vector<16xi32>
    %add3A_1100 = vector.broadcast %add3A_1000 : i32 to vector<16xi32>
    %add3A_1101 = arith.addi %broadcast_in_dim3A_1099, %add3A_1100 : vector<16xi32>
    %gather3A_1102 = tpu.vector_load_idx %arg10[%add3A_1101] : memref<512xf32, #tpu.memory_space<vmem>>[vector<16xi32>], vector<16xf32>,
    %sub3A_1103 = arith.subf %add3A_348, %gather3A_1097 : vector<16xf32>
    %mul3A_1104 = arith.mulf %sub3A_1103, %gather3A_1102 : vector<16xf32>
    %mul3A_1105 = arith.mulf %mul3A_1104, %mul3A_1104 : vector<16xf32>
    %broadcast_in_dim3A_1106 = arith.constant 0 : i32
    %broadcast_in_dim3A_1107 = vector.broadcast %broadcast_in_dim3A_1106 : i32 to vector<16xi32>
    %sub3A_1108 = arith.subf %add3A_354, %gather3A_1097 : vector<16xf32>
    %mul3A_1109 = arith.mulf %sub3A_1108, %gather3A_1102 : vector<16xf32>
    %mul3A_1110 = arith.mulf %mul3A_1109, %mul3A_1109 : vector<16xf32>
    %lt3A_1111 = arith.cmpf olt, %mul3A_1110, %mul3A_1105 : vector<16xf32>
    %select_n3A_1112 = arith.select %lt3A_1111, %mul3A_1110, %mul3A_1105 : vector<16xi1>, vector<16xf32>
    %broadcast_in_dim3A_1113 = arith.constant 1 : i32
    %broadcast_in_dim3A_1114 = vector.broadcast %broadcast_in_dim3A_1113 : i32 to vector<16xi32>
    %select_n3A_1115 = arith.select %lt3A_1111, %broadcast_in_dim3A_1114, %broadcast_in_dim3A_1107 : vector<16xi1>, vector<16xi32>
    %sub3A_1116 = arith.subf %add3A_360, %gather3A_1097 : vector<16xf32>
    %mul3A_1117 = arith.mulf %sub3A_1116, %gather3A_1102 : vector<16xf32>
    %mul3A_1118 = arith.mulf %mul3A_1117, %mul3A_1117 : vector<16xf32>
    %lt3A_1119 = arith.cmpf olt, %mul3A_1118, %select_n3A_1112 : vector<16xf32>
    %select_n3A_1120 = arith.select %lt3A_1119, %mul3A_1118, %select_n3A_1112 : vector<16xi1>, vector<16xf32>
    %broadcast_in_dim3A_1121 = arith.constant 2 : i32
    %broadcast_in_dim3A_1122 = vector.broadcast %broadcast_in_dim3A_1121 : i32 to vector<16xi32>
    %select_n3A_1123 = arith.select %lt3A_1119, %broadcast_in_dim3A_1122, %select_n3A_1115 : vector<16xi1>, vector<16xi32>
    %sub3A_1124 = arith.subf %add3A_366, %gather3A_1097 : vector<16xf32>
    %mul3A_1125 = arith.mulf %sub3A_1124, %gather3A_1102 : vector<16xf32>
    %mul3A_1126 = arith.mulf %mul3A_1125, %mul3A_1125 : vector<16xf32>
    %lt3A_1127 = arith.cmpf olt, %mul3A_1126, %select_n3A_1120 : vector<16xf32>
    %select_n3A_1128 = arith.select %lt3A_1127, %mul3A_1126, %select_n3A_1120 : vector<16xi1>, vector<16xf32>
    %broadcast_in_dim3A_1129 = arith.constant 3 : i32
    %broadcast_in_dim3A_1130 = vector.broadcast %broadcast_in_dim3A_1129 : i32 to vector<16xi32>
    %select_n3A_1131 = arith.select %lt3A_1127, %broadcast_in_dim3A_1130, %select_n3A_1123 : vector<16xi1>, vector<16xi32>
    %sub3A_1132 = arith.subf %add3A_372, %gather3A_1097 : vector<16xf32>
    %mul3A_1133 = arith.mulf %sub3A_1132, %gather3A_1102 : vector<16xf32>
    %mul3A_1134 = arith.mulf %mul3A_1133, %mul3A_1133 : vector<16xf32>
    %lt3A_1135 = arith.cmpf olt, %mul3A_1134, %select_n3A_1128 : vector<16xf32>
    %select_n3A_1136 = arith.select %lt3A_1135, %mul3A_1134, %select_n3A_1128 : vector<16xi1>, vector<16xf32>
    %broadcast_in_dim3A_1137 = arith.constant 4 : i32
    %broadcast_in_dim3A_1138 = vector.broadcast %broadcast_in_dim3A_1137 : i32 to vector<16xi32>
    %select_n3A_1139 = arith.select %lt3A_1135, %broadcast_in_dim3A_1138, %select_n3A_1131 : vector<16xi1>, vector<16xi32>
    %sub3A_1140 = arith.subf %add3A_378, %gather3A_1097 : vector<16xf32>
    %mul3A_1141 = arith.mulf %sub3A_1140, %gather3A_1102 : vector<16xf32>
    %mul3A_1142 = arith.mulf %mul3A_1141, %mul3A_1141 : vector<16xf32>
    %lt3A_1143 = arith.cmpf olt, %mul3A_1142, %select_n3A_1136 : vector<16xf32>
    %select_n3A_1144 = arith.select %lt3A_1143, %mul3A_1142, %select_n3A_1136 : vector<16xi1>, vector<16xf32>
    %broadcast_in_dim3A_1145 = arith.constant 5 : i32
    %broadcast_in_dim3A_1146 = vector.broadcast %broadcast_in_dim3A_1145 : i32 to vector<16xi32>
    %select_n3A_1147 = arith.select %lt3A_1143, %broadcast_in_dim3A_1146, %select_n3A_1139 : vector<16xi1>, vector<16xi32>
    %sub3A_1148 = arith.subf %add3A_384, %gather3A_1097 : vector<16xf32>
    %mul3A_1149 = arith.mulf %sub3A_1148, %gather3A_1102 : vector<16xf32>
    %mul3A_1150 = arith.mulf %mul3A_1149, %mul3A_1149 : vector<16xf32>
    %lt3A_1151 = arith.cmpf olt, %mul3A_1150, %select_n3A_1144 : vector<16xf32>
    %select_n3A_1152 = arith.select %lt3A_1151, %mul3A_1150, %select_n3A_1144 : vector<16xi1>, vector<16xf32>
    %broadcast_in_dim3A_1153 = arith.constant 6 : i32
    %broadcast_in_dim3A_1154 = vector.broadcast %broadcast_in_dim3A_1153 : i32 to vector<16xi32>
    %select_n3A_1155 = arith.select %lt3A_1151, %broadcast_in_dim3A_1154, %select_n3A_1147 : vector<16xi1>, vector<16xi32>
    %sub3A_1156 = arith.subf %add3A_390, %gather3A_1097 : vector<16xf32>
    %mul3A_1157 = arith.mulf %sub3A_1156, %gather3A_1102 : vector<16xf32>
    %mul3A_1158 = arith.mulf %mul3A_1157, %mul3A_1157 : vector<16xf32>
    %lt3A_1159 = arith.cmpf olt, %mul3A_1158, %select_n3A_1152 : vector<16xf32>
    %select_n3A_1160 = arith.select %lt3A_1159, %mul3A_1158, %select_n3A_1152 : vector<16xi1>, vector<16xf32>
    %broadcast_in_dim3A_1161 = arith.constant 7 : i32
    %broadcast_in_dim3A_1162 = vector.broadcast %broadcast_in_dim3A_1161 : i32 to vector<16xi32>
    %select_n3A_1163 = arith.select %lt3A_1159, %broadcast_in_dim3A_1162, %select_n3A_1155 : vector<16xi1>, vector<16xi32>
    %reduce_min3A_1164 = arith.constant true
    %reduce_min3A_1165 = vector.broadcast %reduce_min3A_1164 : i1 to vector<16xi1>
    %reduce_min3A_1166 = tpu.scan <min>, %select_n3A_1160 masked %reduce_min3A_1165 : vector<16xf32>, vector<16xi1> -> vector<16xf32>
    %reduce_min3A_1167 = vector.extract %reduce_min3A_1166[15] : f32 from vector<16xf32>
    %eq3A_1168 = vector.broadcast %reduce_min3A_1167 : f32 to vector<16xf32>
    %eq3A_1169 = arith.cmpf oeq, %select_n3A_1160, %eq3A_1168 : vector<16xf32>
    %mul3A_1170 = arith.constant 16 : i32
    %mul3A_1171 = vector.broadcast %mul3A_1170 : i32 to vector<16xi32>
    %mul3A_1172 = arith.muli %select_n3A_1163, %mul3A_1171 : vector<16xi32>
    %add3A_1173 = arith.addi %mul3A_1172, %iota3A : vector<16xi32>
    %broadcast_in_dim3A_1174 = arith.constant 1073741824 : i32
    %broadcast_in_dim3A_1175 = vector.broadcast %broadcast_in_dim3A_1174 : i32 to vector<16xi32>
    %select_n3A_1176 = arith.select %eq3A_1169, %add3A_1173, %broadcast_in_dim3A_1175 : vector<16xi1>, vector<16xi32>
    %reduce_min3A_1177 = arith.constant true
    %reduce_min3A_1178 = vector.broadcast %reduce_min3A_1177 : i1 to vector<16xi1>
    %reduce_min3A_1179 = arith.constant -2147483648 : i32
    %reduce_min3A_1180 = vector.broadcast %reduce_min3A_1179 : i32 to vector<16xi32>
    %reduce_min3A_1181 = arith.xori %select_n3A_1176, %reduce_min3A_1180 : vector<16xi32>
    %reduce_min3A_1182 = tpu.scan <min>, %reduce_min3A_1181 masked %reduce_min3A_1178 : vector<16xi32>, vector<16xi1> -> vector<16xi32>
    %reduce_min3A_1183 = arith.xori %reduce_min3A_1182, %reduce_min3A_1180 : vector<16xi32>
    %reduce_min3A_1184 = vector.extract %reduce_min3A_1183[15] : i32 from vector<16xi32>
    %add3A_1185 = arith.addf %reduce_min3A_1075, %reduce_min3A_1167 : f32
    %mul3A_1186 = arith.constant 128 : i32
    %mul3A_1187 = arith.muli %reduce_min3A_1092, %mul3A_1186 : i32
    %add3A_1188 = arith.addi %mul3A_1187, %reduce_min3A_1184 : i32
    %eq3A_1189 = arith.constant 3 : i32
    %eq3A_1190 = vector.broadcast %eq3A_1189 : i32 to vector<16xi32>
    %eq3A_1191 = arith.cmpi eq, %iota3A, %eq3A_1190 : vector<16xi32>
    %broadcast_in_dim3A_1192 = vector.broadcast %add3A_1185 : f32 to vector<16xf32>
    %select_n3A_1193 = arith.select %eq3A_1191, %broadcast_in_dim3A_1192, %select_n3A_991 : vector<16xi1>, vector<16xf32>
    %eq3A_1194 = arith.constant 3 : i32
    %eq3A_1195 = vector.broadcast %eq3A_1194 : i32 to vector<16xi32>
    %eq3A_1196 = arith.cmpi eq, %iota3A, %eq3A_1195 : vector<16xi32>
    %broadcast_in_dim3A_1197 = vector.broadcast %add3A_1188 : i32 to vector<16xi32>
    %select_n3A_1198 = arith.select %eq3A_1196, %broadcast_in_dim3A_1197, %select_n3A_996 : vector<16xi1>, vector<16xi32>
    %swap3A_1199 = arith.constant 0 : index
    %swap3A_1200 = tpu.vector_load %arg11[%swap3A_1199] {strides = array<i32>} : memref<32xf32, #tpu.memory_space<vmem>>, vector<16xf32>,
    tpu.vector_store %arg11[%swap3A_1199], %select_n3A_1193 {strides = array<i32>} : memref<32xf32, #tpu.memory_space<vmem>>, vector<16xf32>,
    %bitcast3A = vector.bitcast %select_n3A_1198 : vector<16xi32> to vector<16xf32>
    %swap3A_1201 = arith.constant 16 : index
    %swap3A_1202 = tpu.vector_load %arg11[%swap3A_1201] {strides = array<i32>} : memref<32xf32, #tpu.memory_space<vmem>>, vector<16xf32>,
    tpu.vector_store %arg11[%swap3A_1201], %bitcast3A {strides = array<i32>} : memref<32xf32, #tpu.memory_space<vmem>>, vector<16xf32>,
    %mul3A_1203 = arith.constant 32 : i32
    %mul3A_1204 = arith.muli %arg1, %mul3A_1203 : i32
    "tpu.region"() ({
      %run_scoped3A = tpu.sem_alloc : memref<!tpu.dma_semaphore, #tpu.memory_space<semaphore_mem>>
      %dma_start3A = tpu.memref_slice %arg12[%mul3A_1204] : memref<512xf32, #tpu.memory_space<vmem_shared>> -> memref<32xf32, #tpu.memory_space<vmem_shared>>
      %dma_start3A_1209 = tpu.memref_slice %arg12[%mul3A_1204] : memref<512xf32, #tpu.memory_space<vmem_shared>> -> memref<32xf32, #tpu.memory_space<vmem_shared>>
      tpu.enqueue_dma source(%arg11 : memref<32xf32, #tpu.memory_space<vmem>>) target(%dma_start3A_1209 : memref<32xf32, #tpu.memory_space<vmem_shared>>) target_semaphore(%run_scoped3A : memref<!tpu.dma_semaphore, #tpu.memory_space<semaphore_mem>>)
      %dma_wait3A = tpu.memref_slice %arg12[%mul3A_1204] : memref<512xf32, #tpu.memory_space<vmem_shared>> -> memref<32xf32, #tpu.memory_space<vmem_shared>>
      %dma_wait3A_1210 = tpu.memref_slice %arg12[%mul3A_1204] : memref<512xf32, #tpu.memory_space<vmem_shared>> -> memref<32xf32, #tpu.memory_space<vmem_shared>>
      tpu.wait_dma2 semaphore(%run_scoped3A : memref<!tpu.dma_semaphore, #tpu.memory_space<semaphore_mem>>) src(%arg11 : memref<32xf32, #tpu.memory_space<vmem>>) dst(%dma_wait3A_1210 : memref<32xf32, #tpu.memory_space<vmem_shared>>)
      tpu.yield
    }) : () -> ()
    %barrier3A = arith.constant 0 : index
    tpu.barrier barrier_id(%barrier3A)
    %lt3A_1205 = arith.constant 4 : i32
    %lt3A_1206 = arith.cmpi slt, %arg1, %lt3A_1205 : i32
    %convert_element_type3A_1207 = arith.extui %lt3A_1206 : i1 to i32
    %cond3A = arith.constant 0 : i32
    %cond3A_1208 = arith.cmpi ne, %convert_element_type3A_1207, %cond3A : i32
    scf.if %cond3A_1208 {
      "tpu.region"() ({
        %run_scoped3A = tpu.sem_alloc : memref<!tpu.dma_semaphore, #tpu.memory_space<semaphore_mem>>
        tpu.enqueue_dma source(%arg12 : memref<512xf32, #tpu.memory_space<vmem_shared>>) target(%arg13 : memref<512xf32, #tpu.memory_space<vmem>>) target_semaphore(%run_scoped3A : memref<!tpu.dma_semaphore, #tpu.memory_space<semaphore_mem>>)
        tpu.wait_dma2 semaphore(%run_scoped3A : memref<!tpu.dma_semaphore, #tpu.memory_space<semaphore_mem>>) src(%arg12 : memref<512xf32, #tpu.memory_space<vmem_shared>>) dst(%arg13 : memref<512xf32, #tpu.memory_space<vmem>>)
        tpu.yield
      }) : () -> ()
      %add3A_1209 = arith.constant 0 : i32
      %add3A_1210 = vector.broadcast %add3A_1209 : i32 to vector<16xi32>
      %add3A_1211 = arith.addi %add3A_1210, %iota3A : vector<16xi32>
      %shift_right_arithmetic3A = arith.constant 2 : i32
      %shift_right_arithmetic3A_1212 = vector.broadcast %shift_right_arithmetic3A : i32 to vector<16xi32>
      %shift_right_arithmetic3A_1213 = arith.shrsi %add3A_1211, %shift_right_arithmetic3A_1212 : vector<16xi32>
      %shift_left3A = arith.constant 5 : i32
      %shift_left3A_1214 = vector.broadcast %shift_left3A : i32 to vector<16xi32>
      %shift_left3A_1215 = arith.shli %shift_right_arithmetic3A_1213, %shift_left3A_1214 : vector<16xi32>
      %and3A = arith.constant 3 : i32
      %and3A_1216 = vector.broadcast %and3A : i32 to vector<16xi32>
      %and3A_1217 = arith.andi %add3A_1211, %and3A_1216 : vector<16xi32>
      %add3A_1218 = arith.addi %shift_left3A_1215, %and3A_1217 : vector<16xi32>
      %gather3A_1219 = tpu.vector_load_idx %arg13[%add3A_1218] : memref<512xf32, #tpu.memory_space<vmem>>[vector<16xi32>], vector<16xf32>,
      %swap3A_1220 = arith.constant 0 : index
      %swap3A_1221 = tpu.vector_load %arg14[%swap3A_1220] {strides = array<i32>} : memref<64xf32, #tpu.memory_space<vmem>>, vector<16xf32>,
      tpu.vector_store %arg14[%swap3A_1220], %gather3A_1219 {strides = array<i32>} : memref<64xf32, #tpu.memory_space<vmem>>, vector<16xf32>,
      %add3A_1222 = arith.constant 16 : i32
      %add3A_1223 = vector.broadcast %add3A_1222 : i32 to vector<16xi32>
      %add3A_1224 = arith.addi %add3A_1218, %add3A_1223 : vector<16xi32>
      %gather3A_1225 = tpu.vector_load_idx %arg13[%add3A_1224] : memref<512xf32, #tpu.memory_space<vmem>>[vector<16xi32>], vector<16xf32>,
      %bitcast3A_1226 = vector.bitcast %gather3A_1225 : vector<16xf32> to vector<16xi32>
      %swap3A_1227 = arith.constant 0 : index
      %swap3A_1228 = tpu.vector_load %arg15[%swap3A_1227] {strides = array<i32>} : memref<64xi32, #tpu.memory_space<vmem>>, vector<16xi32>,
      tpu.vector_store %arg15[%swap3A_1227], %bitcast3A_1226 {strides = array<i32>} : memref<64xi32, #tpu.memory_space<vmem>>, vector<16xi32>,
      %add3A_1229 = arith.constant 16 : i32
      %add3A_1230 = vector.broadcast %add3A_1229 : i32 to vector<16xi32>
      %add3A_1231 = arith.addi %add3A_1230, %iota3A : vector<16xi32>
      %shift_right_arithmetic3A_1232 = arith.constant 2 : i32
      %shift_right_arithmetic3A_1233 = vector.broadcast %shift_right_arithmetic3A_1232 : i32 to vector<16xi32>
      %shift_right_arithmetic3A_1234 = arith.shrsi %add3A_1231, %shift_right_arithmetic3A_1233 : vector<16xi32>
      %shift_left3A_1235 = arith.constant 5 : i32
      %shift_left3A_1236 = vector.broadcast %shift_left3A_1235 : i32 to vector<16xi32>
      %shift_left3A_1237 = arith.shli %shift_right_arithmetic3A_1234, %shift_left3A_1236 : vector<16xi32>
      %and3A_1238 = arith.constant 3 : i32
      %and3A_1239 = vector.broadcast %and3A_1238 : i32 to vector<16xi32>
      %and3A_1240 = arith.andi %add3A_1231, %and3A_1239 : vector<16xi32>
      %add3A_1241 = arith.addi %shift_left3A_1237, %and3A_1240 : vector<16xi32>
      %gather3A_1242 = tpu.vector_load_idx %arg13[%add3A_1241] : memref<512xf32, #tpu.memory_space<vmem>>[vector<16xi32>], vector<16xf32>,
      %swap3A_1243 = arith.constant 16 : index
      %swap3A_1244 = tpu.vector_load %arg14[%swap3A_1243] {strides = array<i32>} : memref<64xf32, #tpu.memory_space<vmem>>, vector<16xf32>,
      tpu.vector_store %arg14[%swap3A_1243], %gather3A_1242 {strides = array<i32>} : memref<64xf32, #tpu.memory_space<vmem>>, vector<16xf32>,
      %add3A_1245 = arith.constant 16 : i32
      %add3A_1246 = vector.broadcast %add3A_1245 : i32 to vector<16xi32>
      %add3A_1247 = arith.addi %add3A_1241, %add3A_1246 : vector<16xi32>
      %gather3A_1248 = tpu.vector_load_idx %arg13[%add3A_1247] : memref<512xf32, #tpu.memory_space<vmem>>[vector<16xi32>], vector<16xf32>,
      %bitcast3A_1249 = vector.bitcast %gather3A_1248 : vector<16xf32> to vector<16xi32>
      %swap3A_1250 = arith.constant 16 : index
      %swap3A_1251 = tpu.vector_load %arg15[%swap3A_1250] {strides = array<i32>} : memref<64xi32, #tpu.memory_space<vmem>>, vector<16xi32>,
      tpu.vector_store %arg15[%swap3A_1250], %bitcast3A_1249 {strides = array<i32>} : memref<64xi32, #tpu.memory_space<vmem>>, vector<16xi32>,
      %add3A_1252 = arith.constant 32 : i32
      %add3A_1253 = vector.broadcast %add3A_1252 : i32 to vector<16xi32>
      %add3A_1254 = arith.addi %add3A_1253, %iota3A : vector<16xi32>
      %shift_right_arithmetic3A_1255 = arith.constant 2 : i32
      %shift_right_arithmetic3A_1256 = vector.broadcast %shift_right_arithmetic3A_1255 : i32 to vector<16xi32>
      %shift_right_arithmetic3A_1257 = arith.shrsi %add3A_1254, %shift_right_arithmetic3A_1256 : vector<16xi32>
      %shift_left3A_1258 = arith.constant 5 : i32
      %shift_left3A_1259 = vector.broadcast %shift_left3A_1258 : i32 to vector<16xi32>
      %shift_left3A_1260 = arith.shli %shift_right_arithmetic3A_1257, %shift_left3A_1259 : vector<16xi32>
      %and3A_1261 = arith.constant 3 : i32
      %and3A_1262 = vector.broadcast %and3A_1261 : i32 to vector<16xi32>
      %and3A_1263 = arith.andi %add3A_1254, %and3A_1262 : vector<16xi32>
      %add3A_1264 = arith.addi %shift_left3A_1260, %and3A_1263 : vector<16xi32>
      %gather3A_1265 = tpu.vector_load_idx %arg13[%add3A_1264] : memref<512xf32, #tpu.memory_space<vmem>>[vector<16xi32>], vector<16xf32>,
      %swap3A_1266 = arith.constant 32 : index
      %swap3A_1267 = tpu.vector_load %arg14[%swap3A_1266] {strides = array<i32>} : memref<64xf32, #tpu.memory_space<vmem>>, vector<16xf32>,
      tpu.vector_store %arg14[%swap3A_1266], %gather3A_1265 {strides = array<i32>} : memref<64xf32, #tpu.memory_space<vmem>>, vector<16xf32>,
      %add3A_1268 = arith.constant 16 : i32
      %add3A_1269 = vector.broadcast %add3A_1268 : i32 to vector<16xi32>
      %add3A_1270 = arith.addi %add3A_1264, %add3A_1269 : vector<16xi32>
      %gather3A_1271 = tpu.vector_load_idx %arg13[%add3A_1270] : memref<512xf32, #tpu.memory_space<vmem>>[vector<16xi32>], vector<16xf32>,
      %bitcast3A_1272 = vector.bitcast %gather3A_1271 : vector<16xf32> to vector<16xi32>
      %swap3A_1273 = arith.constant 32 : index
      %swap3A_1274 = tpu.vector_load %arg15[%swap3A_1273] {strides = array<i32>} : memref<64xi32, #tpu.memory_space<vmem>>, vector<16xi32>,
      tpu.vector_store %arg15[%swap3A_1273], %bitcast3A_1272 {strides = array<i32>} : memref<64xi32, #tpu.memory_space<vmem>>, vector<16xi32>,
      %add3A_1275 = arith.constant 48 : i32
      %add3A_1276 = vector.broadcast %add3A_1275 : i32 to vector<16xi32>
      %add3A_1277 = arith.addi %add3A_1276, %iota3A : vector<16xi32>
      %shift_right_arithmetic3A_1278 = arith.constant 2 : i32
      %shift_right_arithmetic3A_1279 = vector.broadcast %shift_right_arithmetic3A_1278 : i32 to vector<16xi32>
      %shift_right_arithmetic3A_1280 = arith.shrsi %add3A_1277, %shift_right_arithmetic3A_1279 : vector<16xi32>
      %shift_left3A_1281 = arith.constant 5 : i32
      %shift_left3A_1282 = vector.broadcast %shift_left3A_1281 : i32 to vector<16xi32>
      %shift_left3A_1283 = arith.shli %shift_right_arithmetic3A_1280, %shift_left3A_1282 : vector<16xi32>
      %and3A_1284 = arith.constant 3 : i32
      %and3A_1285 = vector.broadcast %and3A_1284 : i32 to vector<16xi32>
      %and3A_1286 = arith.andi %add3A_1277, %and3A_1285 : vector<16xi32>
      %add3A_1287 = arith.addi %shift_left3A_1283, %and3A_1286 : vector<16xi32>
      %gather3A_1288 = tpu.vector_load_idx %arg13[%add3A_1287] : memref<512xf32, #tpu.memory_space<vmem>>[vector<16xi32>], vector<16xf32>,
      %swap3A_1289 = arith.constant 48 : index
      %swap3A_1290 = tpu.vector_load %arg14[%swap3A_1289] {strides = array<i32>} : memref<64xf32, #tpu.memory_space<vmem>>, vector<16xf32>,
      tpu.vector_store %arg14[%swap3A_1289], %gather3A_1288 {strides = array<i32>} : memref<64xf32, #tpu.memory_space<vmem>>, vector<16xf32>,
      %add3A_1291 = arith.constant 16 : i32
      %add3A_1292 = vector.broadcast %add3A_1291 : i32 to vector<16xi32>
      %add3A_1293 = arith.addi %add3A_1287, %add3A_1292 : vector<16xi32>
      %gather3A_1294 = tpu.vector_load_idx %arg13[%add3A_1293] : memref<512xf32, #tpu.memory_space<vmem>>[vector<16xi32>], vector<16xf32>,
      %bitcast3A_1295 = vector.bitcast %gather3A_1294 : vector<16xf32> to vector<16xi32>
      %swap3A_1296 = arith.constant 48 : index
      %swap3A_1297 = tpu.vector_load %arg15[%swap3A_1296] {strides = array<i32>} : memref<64xi32, #tpu.memory_space<vmem>>, vector<16xi32>,
      tpu.vector_store %arg15[%swap3A_1296], %bitcast3A_1295 {strides = array<i32>} : memref<64xi32, #tpu.memory_space<vmem>>, vector<16xi32>,
      %mul3A_1298 = arith.constant 16 : i32
      %mul3A_1299 = arith.muli %arg1, %mul3A_1298 : i32
      %get3A = arith.index_cast %mul3A_1299 : i32 to index
      %get3A_1300 = tpu.vector_load %arg14[%get3A] {strides = array<i32>} : memref<64xf32, #tpu.memory_space<vmem>>, vector<16xf32>,
      %get3A_1301 = arith.index_cast %mul3A_1299 : i32 to index
      %get3A_1302 = tpu.vector_load %arg15[%get3A_1301] {strides = array<i32>} : memref<64xi32, #tpu.memory_space<vmem>>, vector<16xi32>,
      %add3A_1303 = arith.constant 0 : i32
      %add3A_1304 = vector.broadcast %add3A_1303 : i32 to vector<16xi32>
      %add3A_1305 = arith.addi %get3A_1302, %add3A_1304 : vector<16xi32>
      %swap3A_1306 = arith.constant 0 : index
      %swap3A_1307 = tpu.vector_load %arg16[%swap3A_1306] {strides = array<i32>} : memref<288xi32, #tpu.memory_space<vmem>>, vector<16xi32>,
      tpu.vector_store %arg16[%swap3A_1306], %add3A_1305 {strides = array<i32>} : memref<288xi32, #tpu.memory_space<vmem>>, vector<16xi32>,
      %add3A_1308 = arith.constant 16384 : i32
      %add3A_1309 = vector.broadcast %add3A_1308 : i32 to vector<16xi32>
      %add3A_1310 = arith.addi %get3A_1302, %add3A_1309 : vector<16xi32>
      %swap3A_1311 = arith.constant 16 : index
      %swap3A_1312 = tpu.vector_load %arg16[%swap3A_1311] {strides = array<i32>} : memref<288xi32, #tpu.memory_space<vmem>>, vector<16xi32>,
      tpu.vector_store %arg16[%swap3A_1311], %add3A_1310 {strides = array<i32>} : memref<288xi32, #tpu.memory_space<vmem>>, vector<16xi32>,
      %add3A_1313 = arith.constant 32768 : i32
      %add3A_1314 = vector.broadcast %add3A_1313 : i32 to vector<16xi32>
      %add3A_1315 = arith.addi %get3A_1302, %add3A_1314 : vector<16xi32>
      %swap3A_1316 = arith.constant 32 : index
      %swap3A_1317 = tpu.vector_load %arg16[%swap3A_1316] {strides = array<i32>} : memref<288xi32, #tpu.memory_space<vmem>>, vector<16xi32>,
      tpu.vector_store %arg16[%swap3A_1316], %add3A_1315 {strides = array<i32>} : memref<288xi32, #tpu.memory_space<vmem>>, vector<16xi32>,
      %add3A_1318 = arith.constant 49152 : i32
      %add3A_1319 = vector.broadcast %add3A_1318 : i32 to vector<16xi32>
      %add3A_1320 = arith.addi %get3A_1302, %add3A_1319 : vector<16xi32>
      %swap3A_1321 = arith.constant 48 : index
      %swap3A_1322 = tpu.vector_load %arg16[%swap3A_1321] {strides = array<i32>} : memref<288xi32, #tpu.memory_space<vmem>>, vector<16xi32>,
      tpu.vector_store %arg16[%swap3A_1321], %add3A_1320 {strides = array<i32>} : memref<288xi32, #tpu.memory_space<vmem>>, vector<16xi32>,
      %add3A_1323 = arith.constant 65536 : i32
      %add3A_1324 = vector.broadcast %add3A_1323 : i32 to vector<16xi32>
      %add3A_1325 = arith.addi %get3A_1302, %add3A_1324 : vector<16xi32>
      %swap3A_1326 = arith.constant 64 : index
      %swap3A_1327 = tpu.vector_load %arg16[%swap3A_1326] {strides = array<i32>} : memref<288xi32, #tpu.memory_space<vmem>>, vector<16xi32>,
      tpu.vector_store %arg16[%swap3A_1326], %add3A_1325 {strides = array<i32>} : memref<288xi32, #tpu.memory_space<vmem>>, vector<16xi32>,
      %add3A_1328 = arith.constant 81920 : i32
      %add3A_1329 = vector.broadcast %add3A_1328 : i32 to vector<16xi32>
      %add3A_1330 = arith.addi %get3A_1302, %add3A_1329 : vector<16xi32>
      %swap3A_1331 = arith.constant 80 : index
      %swap3A_1332 = tpu.vector_load %arg16[%swap3A_1331] {strides = array<i32>} : memref<288xi32, #tpu.memory_space<vmem>>, vector<16xi32>,
      tpu.vector_store %arg16[%swap3A_1331], %add3A_1330 {strides = array<i32>} : memref<288xi32, #tpu.memory_space<vmem>>, vector<16xi32>,
      %add3A_1333 = arith.constant 98304 : i32
      %add3A_1334 = vector.broadcast %add3A_1333 : i32 to vector<16xi32>
      %add3A_1335 = arith.addi %get3A_1302, %add3A_1334 : vector<16xi32>
      %swap3A_1336 = arith.constant 96 : index
      %swap3A_1337 = tpu.vector_load %arg16[%swap3A_1336] {strides = array<i32>} : memref<288xi32, #tpu.memory_space<vmem>>, vector<16xi32>,
      tpu.vector_store %arg16[%swap3A_1336], %add3A_1335 {strides = array<i32>} : memref<288xi32, #tpu.memory_space<vmem>>, vector<16xi32>,
      %add3A_1338 = arith.constant 114688 : i32
      %add3A_1339 = vector.broadcast %add3A_1338 : i32 to vector<16xi32>
      %add3A_1340 = arith.addi %get3A_1302, %add3A_1339 : vector<16xi32>
      %swap3A_1341 = arith.constant 112 : index
      %swap3A_1342 = tpu.vector_load %arg16[%swap3A_1341] {strides = array<i32>} : memref<288xi32, #tpu.memory_space<vmem>>, vector<16xi32>,
      tpu.vector_store %arg16[%swap3A_1341], %add3A_1340 {strides = array<i32>} : memref<288xi32, #tpu.memory_space<vmem>>, vector<16xi32>,
      %add3A_1343 = arith.constant 131072 : i32
      %add3A_1344 = vector.broadcast %add3A_1343 : i32 to vector<16xi32>
      %add3A_1345 = arith.addi %get3A_1302, %add3A_1344 : vector<16xi32>
      %swap3A_1346 = arith.constant 128 : index
      %swap3A_1347 = tpu.vector_load %arg16[%swap3A_1346] {strides = array<i32>} : memref<288xi32, #tpu.memory_space<vmem>>, vector<16xi32>,
      tpu.vector_store %arg16[%swap3A_1346], %add3A_1345 {strides = array<i32>} : memref<288xi32, #tpu.memory_space<vmem>>, vector<16xi32>,
      %add3A_1348 = arith.constant 147456 : i32
      %add3A_1349 = vector.broadcast %add3A_1348 : i32 to vector<16xi32>
      %add3A_1350 = arith.addi %get3A_1302, %add3A_1349 : vector<16xi32>
      %swap3A_1351 = arith.constant 144 : index
      %swap3A_1352 = tpu.vector_load %arg16[%swap3A_1351] {strides = array<i32>} : memref<288xi32, #tpu.memory_space<vmem>>, vector<16xi32>,
      tpu.vector_store %arg16[%swap3A_1351], %add3A_1350 {strides = array<i32>} : memref<288xi32, #tpu.memory_space<vmem>>, vector<16xi32>,
      %add3A_1353 = arith.constant 163840 : i32
      %add3A_1354 = vector.broadcast %add3A_1353 : i32 to vector<16xi32>
      %add3A_1355 = arith.addi %get3A_1302, %add3A_1354 : vector<16xi32>
      %swap3A_1356 = arith.constant 160 : index
      %swap3A_1357 = tpu.vector_load %arg16[%swap3A_1356] {strides = array<i32>} : memref<288xi32, #tpu.memory_space<vmem>>, vector<16xi32>,
      tpu.vector_store %arg16[%swap3A_1356], %add3A_1355 {strides = array<i32>} : memref<288xi32, #tpu.memory_space<vmem>>, vector<16xi32>,
      %add3A_1358 = arith.constant 180224 : i32
      %add3A_1359 = vector.broadcast %add3A_1358 : i32 to vector<16xi32>
      %add3A_1360 = arith.addi %get3A_1302, %add3A_1359 : vector<16xi32>
      %swap3A_1361 = arith.constant 176 : index
      %swap3A_1362 = tpu.vector_load %arg16[%swap3A_1361] {strides = array<i32>} : memref<288xi32, #tpu.memory_space<vmem>>, vector<16xi32>,
      tpu.vector_store %arg16[%swap3A_1361], %add3A_1360 {strides = array<i32>} : memref<288xi32, #tpu.memory_space<vmem>>, vector<16xi32>,
      %add3A_1363 = arith.constant 196608 : i32
      %add3A_1364 = vector.broadcast %add3A_1363 : i32 to vector<16xi32>
      %add3A_1365 = arith.addi %get3A_1302, %add3A_1364 : vector<16xi32>
      %swap3A_1366 = arith.constant 192 : index
      %swap3A_1367 = tpu.vector_load %arg16[%swap3A_1366] {strides = array<i32>} : memref<288xi32, #tpu.memory_space<vmem>>, vector<16xi32>,
      tpu.vector_store %arg16[%swap3A_1366], %add3A_1365 {strides = array<i32>} : memref<288xi32, #tpu.memory_space<vmem>>, vector<16xi32>,
      %add3A_1368 = arith.constant 212992 : i32
      %add3A_1369 = vector.broadcast %add3A_1368 : i32 to vector<16xi32>
      %add3A_1370 = arith.addi %get3A_1302, %add3A_1369 : vector<16xi32>
      %swap3A_1371 = arith.constant 208 : index
      %swap3A_1372 = tpu.vector_load %arg16[%swap3A_1371] {strides = array<i32>} : memref<288xi32, #tpu.memory_space<vmem>>, vector<16xi32>,
      tpu.vector_store %arg16[%swap3A_1371], %add3A_1370 {strides = array<i32>} : memref<288xi32, #tpu.memory_space<vmem>>, vector<16xi32>,
      %add3A_1373 = arith.constant 229376 : i32
      %add3A_1374 = vector.broadcast %add3A_1373 : i32 to vector<16xi32>
      %add3A_1375 = arith.addi %get3A_1302, %add3A_1374 : vector<16xi32>
      %swap3A_1376 = arith.constant 224 : index
      %swap3A_1377 = tpu.vector_load %arg16[%swap3A_1376] {strides = array<i32>} : memref<288xi32, #tpu.memory_space<vmem>>, vector<16xi32>,
      tpu.vector_store %arg16[%swap3A_1376], %add3A_1375 {strides = array<i32>} : memref<288xi32, #tpu.memory_space<vmem>>, vector<16xi32>,
      %add3A_1378 = arith.constant 245760 : i32
      %add3A_1379 = vector.broadcast %add3A_1378 : i32 to vector<16xi32>
      %add3A_1380 = arith.addi %get3A_1302, %add3A_1379 : vector<16xi32>
      %swap3A_1381 = arith.constant 240 : index
      %swap3A_1382 = tpu.vector_load %arg16[%swap3A_1381] {strides = array<i32>} : memref<288xi32, #tpu.memory_space<vmem>>, vector<16xi32>,
      tpu.vector_store %arg16[%swap3A_1381], %add3A_1380 {strides = array<i32>} : memref<288xi32, #tpu.memory_space<vmem>>, vector<16xi32>,
      %add3A_1383 = arith.constant 262144 : i32
      %add3A_1384 = vector.broadcast %add3A_1383 : i32 to vector<16xi32>
      %add3A_1385 = arith.addi %get3A_1302, %add3A_1384 : vector<16xi32>
      %swap3A_1386 = arith.constant 256 : index
      %swap3A_1387 = tpu.vector_load %arg16[%swap3A_1386] {strides = array<i32>} : memref<288xi32, #tpu.memory_space<vmem>>, vector<16xi32>,
      tpu.vector_store %arg16[%swap3A_1386], %add3A_1385 {strides = array<i32>} : memref<288xi32, #tpu.memory_space<vmem>>, vector<16xi32>,
      %add3A_1388 = arith.constant 278528 : i32
      %add3A_1389 = vector.broadcast %add3A_1388 : i32 to vector<16xi32>
      %add3A_1390 = arith.addi %get3A_1302, %add3A_1389 : vector<16xi32>
      %swap3A_1391 = arith.constant 272 : index
      %swap3A_1392 = tpu.vector_load %arg16[%swap3A_1391] {strides = array<i32>} : memref<288xi32, #tpu.memory_space<vmem>>, vector<16xi32>,
      tpu.vector_store %arg16[%swap3A_1391], %add3A_1390 {strides = array<i32>} : memref<288xi32, #tpu.memory_space<vmem>>, vector<16xi32>,
      %get3A_1393 = arith.index_cast %mul3A_1299 : i32 to index
      %get3A_1394 = tpu.vector_load %arg9[%get3A_1393] {strides = array<i32>} : memref<64xi32, #tpu.memory_space<vmem>>, vector<16xi32>,
      %mul3A_1395 = arith.constant 16384 : i32
      %mul3A_1396 = vector.broadcast %mul3A_1395 : i32 to vector<16xi32>
      %mul3A_1397 = arith.muli %get3A_1394, %mul3A_1396 : vector<16xi32>
      %add3A_1398 = arith.addi %mul3A_1397, %get3A_1302 : vector<16xi32>
      %swap3A_1399 = arith.constant 0 : index
      %swap3A_1400 = tpu.vector_load %arg17[%swap3A_1399] {strides = array<i32>} : memref<16xi32, #tpu.memory_space<vmem>>, vector<16xi32>,
      tpu.vector_store %arg17[%swap3A_1399], %add3A_1398 {strides = array<i32>} : memref<16xi32, #tpu.memory_space<vmem>>, vector<16xi32>,
      %dma_start3A = arith.constant 0 : i32
      %dma_start3A_1401 = tpu.memref_slice %arg18[%dma_start3A] : memref<288xf32, #tpu.memory_space<vmem>> -> memref<96xf32, #tpu.memory_space<vmem>>
      %dma_start3A_1402 = arith.constant 0 : i32
      %dma_start3A_1403 = tpu.memref_slice %arg16[%dma_start3A_1402] : memref<288xi32, #tpu.memory_space<vmem>> -> memref<96xi32, #tpu.memory_space<vmem>>
      %dma_start3A_1404 = arith.constant 0 : i32
      %dma_start3A_1405 = tpu.memref_slice %arg5[%dma_start3A_1404] : memref<589824xf32, #tpu.memory_space<hbm>> -> memref<589824xf32, #tpu.memory_space<hbm>>
      tpu.enqueue_indirect_dma source(%dma_start3A_1405 : memref<589824xf32, #tpu.memory_space<hbm>>) target(%dma_start3A_1401 : memref<96xf32, #tpu.memory_space<vmem>>) offsets(%dma_start3A_1403 : memref<96xi32, #tpu.memory_space<vmem>>) semaphore(%arg22 : memref<!tpu.dma_semaphore, #tpu.memory_space<semaphore_mem>>)
      %dma_start3A_1406 = arith.constant 0 : i32
      %dma_start3A_1407 = tpu.memref_slice %arg19[%dma_start3A_1406] : memref<288xf32, #tpu.memory_space<vmem>> -> memref<96xf32, #tpu.memory_space<vmem>>
      %dma_start3A_1408 = arith.constant 0 : i32
      %dma_start3A_1409 = tpu.memref_slice %arg16[%dma_start3A_1408] : memref<288xi32, #tpu.memory_space<vmem>> -> memref<96xi32, #tpu.memory_space<vmem>>
      %dma_start3A_1410 = arith.constant 0 : i32
      %dma_start3A_1411 = tpu.memref_slice %arg6[%dma_start3A_1410] : memref<589824xf32, #tpu.memory_space<hbm>> -> memref<589824xf32, #tpu.memory_space<hbm>>
      tpu.enqueue_indirect_dma source(%dma_start3A_1411 : memref<589824xf32, #tpu.memory_space<hbm>>) target(%dma_start3A_1407 : memref<96xf32, #tpu.memory_space<vmem>>) offsets(%dma_start3A_1409 : memref<96xi32, #tpu.memory_space<vmem>>) semaphore(%arg23 : memref<!tpu.dma_semaphore, #tpu.memory_space<semaphore_mem>>)
      %dma_start3A_1412 = arith.constant 96 : i32
      %dma_start3A_1413 = tpu.memref_slice %arg18[%dma_start3A_1412] : memref<288xf32, #tpu.memory_space<vmem>> -> memref<96xf32, #tpu.memory_space<vmem>>
      %dma_start3A_1414 = arith.constant 96 : i32
      %dma_start3A_1415 = tpu.memref_slice %arg16[%dma_start3A_1414] : memref<288xi32, #tpu.memory_space<vmem>> -> memref<96xi32, #tpu.memory_space<vmem>>
      %dma_start3A_1416 = arith.constant 0 : i32
      %dma_start3A_1417 = tpu.memref_slice %arg5[%dma_start3A_1416] : memref<589824xf32, #tpu.memory_space<hbm>> -> memref<589824xf32, #tpu.memory_space<hbm>>
      tpu.enqueue_indirect_dma source(%dma_start3A_1417 : memref<589824xf32, #tpu.memory_space<hbm>>) target(%dma_start3A_1413 : memref<96xf32, #tpu.memory_space<vmem>>) offsets(%dma_start3A_1415 : memref<96xi32, #tpu.memory_space<vmem>>) semaphore(%arg22 : memref<!tpu.dma_semaphore, #tpu.memory_space<semaphore_mem>>)
      %dma_start3A_1418 = arith.constant 96 : i32
      %dma_start3A_1419 = tpu.memref_slice %arg19[%dma_start3A_1418] : memref<288xf32, #tpu.memory_space<vmem>> -> memref<96xf32, #tpu.memory_space<vmem>>
      %dma_start3A_1420 = arith.constant 96 : i32
      %dma_start3A_1421 = tpu.memref_slice %arg16[%dma_start3A_1420] : memref<288xi32, #tpu.memory_space<vmem>> -> memref<96xi32, #tpu.memory_space<vmem>>
      %dma_start3A_1422 = arith.constant 0 : i32
      %dma_start3A_1423 = tpu.memref_slice %arg6[%dma_start3A_1422] : memref<589824xf32, #tpu.memory_space<hbm>> -> memref<589824xf32, #tpu.memory_space<hbm>>
      tpu.enqueue_indirect_dma source(%dma_start3A_1423 : memref<589824xf32, #tpu.memory_space<hbm>>) target(%dma_start3A_1419 : memref<96xf32, #tpu.memory_space<vmem>>) offsets(%dma_start3A_1421 : memref<96xi32, #tpu.memory_space<vmem>>) semaphore(%arg23 : memref<!tpu.dma_semaphore, #tpu.memory_space<semaphore_mem>>)
      %dma_start3A_1424 = arith.constant 192 : i32
      %dma_start3A_1425 = tpu.memref_slice %arg18[%dma_start3A_1424] : memref<288xf32, #tpu.memory_space<vmem>> -> memref<96xf32, #tpu.memory_space<vmem>>
      %dma_start3A_1426 = arith.constant 192 : i32
      %dma_start3A_1427 = tpu.memref_slice %arg16[%dma_start3A_1426] : memref<288xi32, #tpu.memory_space<vmem>> -> memref<96xi32, #tpu.memory_space<vmem>>
      %dma_start3A_1428 = arith.constant 0 : i32
      %dma_start3A_1429 = tpu.memref_slice %arg5[%dma_start3A_1428] : memref<589824xf32, #tpu.memory_space<hbm>> -> memref<589824xf32, #tpu.memory_space<hbm>>
      tpu.enqueue_indirect_dma source(%dma_start3A_1429 : memref<589824xf32, #tpu.memory_space<hbm>>) target(%dma_start3A_1425 : memref<96xf32, #tpu.memory_space<vmem>>) offsets(%dma_start3A_1427 : memref<96xi32, #tpu.memory_space<vmem>>) semaphore(%arg22 : memref<!tpu.dma_semaphore, #tpu.memory_space<semaphore_mem>>)
      %dma_start3A_1430 = arith.constant 192 : i32
      %dma_start3A_1431 = tpu.memref_slice %arg19[%dma_start3A_1430] : memref<288xf32, #tpu.memory_space<vmem>> -> memref<96xf32, #tpu.memory_space<vmem>>
      %dma_start3A_1432 = arith.constant 192 : i32
      %dma_start3A_1433 = tpu.memref_slice %arg16[%dma_start3A_1432] : memref<288xi32, #tpu.memory_space<vmem>> -> memref<96xi32, #tpu.memory_space<vmem>>
      %dma_start3A_1434 = arith.constant 0 : i32
      %dma_start3A_1435 = tpu.memref_slice %arg6[%dma_start3A_1434] : memref<589824xf32, #tpu.memory_space<hbm>> -> memref<589824xf32, #tpu.memory_space<hbm>>
      tpu.enqueue_indirect_dma source(%dma_start3A_1435 : memref<589824xf32, #tpu.memory_space<hbm>>) target(%dma_start3A_1431 : memref<96xf32, #tpu.memory_space<vmem>>) offsets(%dma_start3A_1433 : memref<96xi32, #tpu.memory_space<vmem>>) semaphore(%arg23 : memref<!tpu.dma_semaphore, #tpu.memory_space<semaphore_mem>>)
      %dma_start3A_1436 = arith.constant 0 : i32
      %dma_start3A_1437 = tpu.memref_slice %arg4[%dma_start3A_1436] : memref<491520xf32, #tpu.memory_space<hbm>> -> memref<491520xf32, #tpu.memory_space<hbm>>
      tpu.enqueue_indirect_dma source(%dma_start3A_1437 : memref<491520xf32, #tpu.memory_space<hbm>>) target(%arg20 : memref<16xf32, #tpu.memory_space<vmem>>) offsets(%arg17 : memref<16xi32, #tpu.memory_space<vmem>>) semaphore(%arg24 : memref<!tpu.dma_semaphore, #tpu.memory_space<semaphore_mem>>)
      %mul3A_1438 = arith.constant 16 : i32
      %mul3A_1439 = arith.muli %arg1, %mul3A_1438 : i32
      %add3A_1440 = vector.broadcast %mul3A_1439 : i32 to vector<16xi32>
      %add3A_1441 = arith.addi %add3A_1440, %iota3A : vector<16xi32>
      %broadcast_in_dim3A_1442 = arith.constant false
      %broadcast_in_dim3A_1443 = vector.broadcast %broadcast_in_dim3A_1442 : i1 to vector<16xi1>
      %scan3A = arith.constant 0 : i32
      %scan3A_1444 = arith.constant 16 : i32
      %scan3A_1445 = arith.addi %scan3A, %scan3A_1444 : i32
      %scan3A_1446 = arith.constant 1 : i32
      %scan3A_1447 = scf.for %scan3A_2334 = %scan3A to %scan3A_1445 step %scan3A_1446 iter_args(%scan3A_2335 = %broadcast_in_dim3A_1443) -> (vector<16xi1>)  : i32 {
        %mul3A_2336 = arith.constant 4 : i32
        %mul3A_2337 = arith.muli %scan3A_2334, %mul3A_2336 : i32
        %add3A_2338 = arith.constant 0 : i32
        %add3A_2339 = arith.addi %mul3A_2337, %add3A_2338 : i32
        %broadcast_in_dim3A_2340 = vector.broadcast %add3A_2339 : i32 to vector<16xi32>
        %gather3A_2341 = tpu.vector_load_idx %arg14[%broadcast_in_dim3A_2340] : memref<64xf32, #tpu.memory_space<vmem>>[vector<16xi32>], vector<16xf32>,
        %gather3A_2342 = tpu.vector_load_idx %arg15[%broadcast_in_dim3A_2340] : memref<64xi32, #tpu.memory_space<vmem>>[vector<16xi32>], vector<16xi32>,
        %eq3A_2343 = arith.cmpi eq, %gather3A_2342, %get3A_1302 : vector<16xi32>
        %lt3A_2344 = arith.cmpf olt, %gather3A_2341, %get3A_1300 : vector<16xf32>
        %eq3A_2345 = arith.cmpf oeq, %gather3A_2341, %get3A_1300 : vector<16xf32>
        %lt3A_2346 = arith.cmpi slt, %broadcast_in_dim3A_2340, %add3A_1441 : vector<16xi32>
        %and3A_2347 = arith.andi %eq3A_2345, %lt3A_2346 : vector<16xi1>
        %or3A = arith.ori %lt3A_2344, %and3A_2347 : vector<16xi1>
        %and3A_2348 = arith.andi %eq3A_2343, %or3A : vector<16xi1>
        %or3A_2349 = arith.ori %scan3A_2335, %and3A_2348 : vector<16xi1>
        %mul3A_2350 = arith.constant 4 : i32
        %mul3A_2351 = arith.muli %scan3A_2334, %mul3A_2350 : i32
        %add3A_2352 = arith.constant 1 : i32
        %add3A_2353 = arith.addi %mul3A_2351, %add3A_2352 : i32
        %broadcast_in_dim3A_2354 = vector.broadcast %add3A_2353 : i32 to vector<16xi32>
        %gather3A_2355 = tpu.vector_load_idx %arg14[%broadcast_in_dim3A_2354] : memref<64xf32, #tpu.memory_space<vmem>>[vector<16xi32>], vector<16xf32>,
        %gather3A_2356 = tpu.vector_load_idx %arg15[%broadcast_in_dim3A_2354] : memref<64xi32, #tpu.memory_space<vmem>>[vector<16xi32>], vector<16xi32>,
        %eq3A_2357 = arith.cmpi eq, %gather3A_2356, %get3A_1302 : vector<16xi32>
        %lt3A_2358 = arith.cmpf olt, %gather3A_2355, %get3A_1300 : vector<16xf32>
        %eq3A_2359 = arith.cmpf oeq, %gather3A_2355, %get3A_1300 : vector<16xf32>
        %lt3A_2360 = arith.cmpi slt, %broadcast_in_dim3A_2354, %add3A_1441 : vector<16xi32>
        %and3A_2361 = arith.andi %eq3A_2359, %lt3A_2360 : vector<16xi1>
        %or3A_2362 = arith.ori %lt3A_2358, %and3A_2361 : vector<16xi1>
        %and3A_2363 = arith.andi %eq3A_2357, %or3A_2362 : vector<16xi1>
        %or3A_2364 = arith.ori %or3A_2349, %and3A_2363 : vector<16xi1>
        %mul3A_2365 = arith.constant 4 : i32
        %mul3A_2366 = arith.muli %scan3A_2334, %mul3A_2365 : i32
        %add3A_2367 = arith.constant 2 : i32
        %add3A_2368 = arith.addi %mul3A_2366, %add3A_2367 : i32
        %broadcast_in_dim3A_2369 = vector.broadcast %add3A_2368 : i32 to vector<16xi32>
        %gather3A_2370 = tpu.vector_load_idx %arg14[%broadcast_in_dim3A_2369] : memref<64xf32, #tpu.memory_space<vmem>>[vector<16xi32>], vector<16xf32>,
        %gather3A_2371 = tpu.vector_load_idx %arg15[%broadcast_in_dim3A_2369] : memref<64xi32, #tpu.memory_space<vmem>>[vector<16xi32>], vector<16xi32>,
        %eq3A_2372 = arith.cmpi eq, %gather3A_2371, %get3A_1302 : vector<16xi32>
        %lt3A_2373 = arith.cmpf olt, %gather3A_2370, %get3A_1300 : vector<16xf32>
        %eq3A_2374 = arith.cmpf oeq, %gather3A_2370, %get3A_1300 : vector<16xf32>
        %lt3A_2375 = arith.cmpi slt, %broadcast_in_dim3A_2369, %add3A_1441 : vector<16xi32>
        %and3A_2376 = arith.andi %eq3A_2374, %lt3A_2375 : vector<16xi1>
        %or3A_2377 = arith.ori %lt3A_2373, %and3A_2376 : vector<16xi1>
        %and3A_2378 = arith.andi %eq3A_2372, %or3A_2377 : vector<16xi1>
        %or3A_2379 = arith.ori %or3A_2364, %and3A_2378 : vector<16xi1>
        %mul3A_2380 = arith.constant 4 : i32
        %mul3A_2381 = arith.muli %scan3A_2334, %mul3A_2380 : i32
        %add3A_2382 = arith.constant 3 : i32
        %add3A_2383 = arith.addi %mul3A_2381, %add3A_2382 : i32
        %broadcast_in_dim3A_2384 = vector.broadcast %add3A_2383 : i32 to vector<16xi32>
        %gather3A_2385 = tpu.vector_load_idx %arg14[%broadcast_in_dim3A_2384] : memref<64xf32, #tpu.memory_space<vmem>>[vector<16xi32>], vector<16xf32>,
        %gather3A_2386 = tpu.vector_load_idx %arg15[%broadcast_in_dim3A_2384] : memref<64xi32, #tpu.memory_space<vmem>>[vector<16xi32>], vector<16xi32>,
        %eq3A_2387 = arith.cmpi eq, %gather3A_2386, %get3A_1302 : vector<16xi32>
        %lt3A_2388 = arith.cmpf olt, %gather3A_2385, %get3A_1300 : vector<16xf32>
        %eq3A_2389 = arith.cmpf oeq, %gather3A_2385, %get3A_1300 : vector<16xf32>
        %lt3A_2390 = arith.cmpi slt, %broadcast_in_dim3A_2384, %add3A_1441 : vector<16xi32>
        %and3A_2391 = arith.andi %eq3A_2389, %lt3A_2390 : vector<16xi1>
        %or3A_2392 = arith.ori %lt3A_2388, %and3A_2391 : vector<16xi1>
        %and3A_2393 = arith.andi %eq3A_2387, %or3A_2392 : vector<16xi1>
        %or3A_2394 = arith.ori %or3A_2379, %and3A_2393 : vector<16xi1>
        scf.yield %or3A_2394 : vector<16xi1>
      }
      %scan3A_1448 = arith.constant 16 : i32
      %not3A = arith.constant dense<true> : vector<16xi1>
      %not3A_1449 = arith.xori %scan3A_1447, %not3A : vector<16xi1>
      %jit3A = arith.constant 1.000000e+00 : f32
      %jit3A_1450 = arith.constant 0.000000e+00 : f32
      %broadcast_in_dim3A_1451 = vector.broadcast %jit3A : f32 to vector<16xf32>
      %broadcast_in_dim3A_1452 = vector.broadcast %jit3A_1450 : f32 to vector<16xf32>
      %select_n3A_1453 = arith.select %not3A_1449, %broadcast_in_dim3A_1451, %broadcast_in_dim3A_1452 : vector<16xi1>, vector<16xf32>
      %reduce_sum3A = arith.constant true
      %reduce_sum3A_1454 = vector.broadcast %reduce_sum3A : i1 to vector<16xi1>
      %reduce_sum3A_1455 = tpu.scan <sum>, %select_n3A_1453 masked %reduce_sum3A_1454 : vector<16xf32>, vector<16xi1> -> vector<16xf32>
      %reduce_sum3A_1456 = vector.extract %reduce_sum3A_1455[15] : f32 from vector<16xf32>
      %dma_wait3A = arith.constant 0 : i32
      %dma_wait3A_1457 = tpu.memref_slice %arg18[%dma_wait3A] : memref<288xf32, #tpu.memory_space<vmem>> -> memref<96xf32, #tpu.memory_space<vmem>>
      %dma_wait3A_1458 = arith.constant 0 : i32
      %dma_wait3A_1459 = tpu.memref_slice %arg16[%dma_wait3A_1458] : memref<288xi32, #tpu.memory_space<vmem>> -> memref<96xi32, #tpu.memory_space<vmem>>
      %dma_wait3A_1460 = arith.constant 0 : i32
      %dma_wait3A_1461 = tpu.memref_slice %arg5[%dma_wait3A_1460] : memref<589824xf32, #tpu.memory_space<hbm>> -> memref<589824xf32, #tpu.memory_space<hbm>>
      tpu.wait_indirect_dma semaphore(%arg22 : memref<!tpu.dma_semaphore, #tpu.memory_space<semaphore_mem>>) src(%dma_wait3A_1461 : memref<589824xf32, #tpu.memory_space<hbm>>) dst(%dma_wait3A_1457 : memref<96xf32, #tpu.memory_space<vmem>>)
      %dma_wait3A_1462 = arith.constant 0 : i32
      %dma_wait3A_1463 = tpu.memref_slice %arg19[%dma_wait3A_1462] : memref<288xf32, #tpu.memory_space<vmem>> -> memref<96xf32, #tpu.memory_space<vmem>>
      %dma_wait3A_1464 = arith.constant 0 : i32
      %dma_wait3A_1465 = tpu.memref_slice %arg16[%dma_wait3A_1464] : memref<288xi32, #tpu.memory_space<vmem>> -> memref<96xi32, #tpu.memory_space<vmem>>
      %dma_wait3A_1466 = arith.constant 0 : i32
      %dma_wait3A_1467 = tpu.memref_slice %arg6[%dma_wait3A_1466] : memref<589824xf32, #tpu.memory_space<hbm>> -> memref<589824xf32, #tpu.memory_space<hbm>>
      tpu.wait_indirect_dma semaphore(%arg23 : memref<!tpu.dma_semaphore, #tpu.memory_space<semaphore_mem>>) src(%dma_wait3A_1467 : memref<589824xf32, #tpu.memory_space<hbm>>) dst(%dma_wait3A_1463 : memref<96xf32, #tpu.memory_space<vmem>>)
      %dma_wait3A_1468 = arith.constant 96 : i32
      %dma_wait3A_1469 = tpu.memref_slice %arg18[%dma_wait3A_1468] : memref<288xf32, #tpu.memory_space<vmem>> -> memref<96xf32, #tpu.memory_space<vmem>>
      %dma_wait3A_1470 = arith.constant 96 : i32
      %dma_wait3A_1471 = tpu.memref_slice %arg16[%dma_wait3A_1470] : memref<288xi32, #tpu.memory_space<vmem>> -> memref<96xi32, #tpu.memory_space<vmem>>
      %dma_wait3A_1472 = arith.constant 0 : i32
      %dma_wait3A_1473 = tpu.memref_slice %arg5[%dma_wait3A_1472] : memref<589824xf32, #tpu.memory_space<hbm>> -> memref<589824xf32, #tpu.memory_space<hbm>>
      tpu.wait_indirect_dma semaphore(%arg22 : memref<!tpu.dma_semaphore, #tpu.memory_space<semaphore_mem>>) src(%dma_wait3A_1473 : memref<589824xf32, #tpu.memory_space<hbm>>) dst(%dma_wait3A_1469 : memref<96xf32, #tpu.memory_space<vmem>>)
      %dma_wait3A_1474 = arith.constant 96 : i32
      %dma_wait3A_1475 = tpu.memref_slice %arg19[%dma_wait3A_1474] : memref<288xf32, #tpu.memory_space<vmem>> -> memref<96xf32, #tpu.memory_space<vmem>>
      %dma_wait3A_1476 = arith.constant 96 : i32
      %dma_wait3A_1477 = tpu.memref_slice %arg16[%dma_wait3A_1476] : memref<288xi32, #tpu.memory_space<vmem>> -> memref<96xi32, #tpu.memory_space<vmem>>
      %dma_wait3A_1478 = arith.constant 0 : i32
      %dma_wait3A_1479 = tpu.memref_slice %arg6[%dma_wait3A_1478] : memref<589824xf32, #tpu.memory_space<hbm>> -> memref<589824xf32, #tpu.memory_space<hbm>>
      tpu.wait_indirect_dma semaphore(%arg23 : memref<!tpu.dma_semaphore, #tpu.memory_space<semaphore_mem>>) src(%dma_wait3A_1479 : memref<589824xf32, #tpu.memory_space<hbm>>) dst(%dma_wait3A_1475 : memref<96xf32, #tpu.memory_space<vmem>>)
      %dma_wait3A_1480 = arith.constant 192 : i32
      %dma_wait3A_1481 = tpu.memref_slice %arg18[%dma_wait3A_1480] : memref<288xf32, #tpu.memory_space<vmem>> -> memref<96xf32, #tpu.memory_space<vmem>>
      %dma_wait3A_1482 = arith.constant 192 : i32
      %dma_wait3A_1483 = tpu.memref_slice %arg16[%dma_wait3A_1482] : memref<288xi32, #tpu.memory_space<vmem>> -> memref<96xi32, #tpu.memory_space<vmem>>
      %dma_wait3A_1484 = arith.constant 0 : i32
      %dma_wait3A_1485 = tpu.memref_slice %arg5[%dma_wait3A_1484] : memref<589824xf32, #tpu.memory_space<hbm>> -> memref<589824xf32, #tpu.memory_space<hbm>>
      tpu.wait_indirect_dma semaphore(%arg22 : memref<!tpu.dma_semaphore, #tpu.memory_space<semaphore_mem>>) src(%dma_wait3A_1485 : memref<589824xf32, #tpu.memory_space<hbm>>) dst(%dma_wait3A_1481 : memref<96xf32, #tpu.memory_space<vmem>>)
      %dma_wait3A_1486 = arith.constant 192 : i32
      %dma_wait3A_1487 = tpu.memref_slice %arg19[%dma_wait3A_1486] : memref<288xf32, #tpu.memory_space<vmem>> -> memref<96xf32, #tpu.memory_space<vmem>>
      %dma_wait3A_1488 = arith.constant 192 : i32
      %dma_wait3A_1489 = tpu.memref_slice %arg16[%dma_wait3A_1488] : memref<288xi32, #tpu.memory_space<vmem>> -> memref<96xi32, #tpu.memory_space<vmem>>
      %dma_wait3A_1490 = arith.constant 0 : i32
      %dma_wait3A_1491 = tpu.memref_slice %arg6[%dma_wait3A_1490] : memref<589824xf32, #tpu.memory_space<hbm>> -> memref<589824xf32, #tpu.memory_space<hbm>>
      tpu.wait_indirect_dma semaphore(%arg23 : memref<!tpu.dma_semaphore, #tpu.memory_space<semaphore_mem>>) src(%dma_wait3A_1491 : memref<589824xf32, #tpu.memory_space<hbm>>) dst(%dma_wait3A_1487 : memref<96xf32, #tpu.memory_space<vmem>>)
      %dma_wait3A_1492 = arith.constant 0 : i32
      %dma_wait3A_1493 = tpu.memref_slice %arg4[%dma_wait3A_1492] : memref<491520xf32, #tpu.memory_space<hbm>> -> memref<491520xf32, #tpu.memory_space<hbm>>
      tpu.wait_indirect_dma semaphore(%arg24 : memref<!tpu.dma_semaphore, #tpu.memory_space<semaphore_mem>>) src(%dma_wait3A_1493 : memref<491520xf32, #tpu.memory_space<hbm>>) dst(%arg20 : memref<16xf32, #tpu.memory_space<vmem>>)
      %shift_right_arithmetic3A_1494 = arith.constant 7 : i32
      %shift_right_arithmetic3A_1495 = vector.broadcast %shift_right_arithmetic3A_1494 : i32 to vector<16xi32>
      %shift_right_arithmetic3A_1496 = arith.shrsi %get3A_1302, %shift_right_arithmetic3A_1495 : vector<16xi32>
      %convert_element_type3A_1497 = arith.sitofp %shift_right_arithmetic3A_1496 : vector<16xi32> to vector<16xf32>
      %mul3A_1498 = arith.constant 8.000000e+00 : f32
      %mul3A_1499 = vector.broadcast %mul3A_1498 : f32 to vector<16xf32>
      %mul3A_1500 = arith.mulf %convert_element_type3A_1497, %mul3A_1499 : vector<16xf32>
      %and3A_1501 = arith.constant 127 : i32
      %and3A_1502 = vector.broadcast %and3A_1501 : i32 to vector<16xi32>
      %and3A_1503 = arith.andi %get3A_1302, %and3A_1502 : vector<16xi32>
      %convert_element_type3A_1504 = arith.sitofp %and3A_1503 : vector<16xi32> to vector<16xf32>
      %mul3A_1505 = arith.constant 8.000000e+00 : f32
      %mul3A_1506 = vector.broadcast %mul3A_1505 : f32 to vector<16xf32>
      %mul3A_1507 = arith.mulf %convert_element_type3A_1504, %mul3A_1506 : vector<16xf32>
      %mul3A_1508 = arith.constant 16 : i32
      %mul3A_1509 = arith.muli %arg1, %mul3A_1508 : i32
      %add3A_1510 = arith.constant 256 : i32
      %add3A_1511 = arith.addi %add3A_1510, %mul3A_1509 : i32
      %get3A_1512 = arith.index_cast %add3A_1511 : i32 to index
      %get3A_1513 = tpu.vector_load %arg10[%get3A_1512] {strides = array<i32>} : memref<512xf32, #tpu.memory_space<vmem>>, vector<16xf32>,
      %mul3A_1514 = arith.constant 16 : i32
      %mul3A_1515 = arith.muli %arg1, %mul3A_1514 : i32
      %add3A_1516 = arith.constant 320 : i32
      %add3A_1517 = arith.addi %add3A_1516, %mul3A_1515 : i32
      %get3A_1518 = arith.index_cast %add3A_1517 : i32 to index
      %get3A_1519 = tpu.vector_load %arg10[%get3A_1518] {strides = array<i32>} : memref<512xf32, #tpu.memory_space<vmem>>, vector<16xf32>,
      %mul3A_1520 = arith.constant 16 : i32
      %mul3A_1521 = arith.muli %arg1, %mul3A_1520 : i32
      %add3A_1522 = arith.constant 384 : i32
      %add3A_1523 = arith.addi %add3A_1522, %mul3A_1521 : i32
      %get3A_1524 = arith.index_cast %add3A_1523 : i32 to index
      %get3A_1525 = tpu.vector_load %arg10[%get3A_1524] {strides = array<i32>} : memref<512xf32, #tpu.memory_space<vmem>>, vector<16xf32>,
      %mul3A_1526 = arith.constant 16 : i32
      %mul3A_1527 = arith.muli %arg1, %mul3A_1526 : i32
      %add3A_1528 = arith.constant 448 : i32
      %add3A_1529 = arith.addi %add3A_1528, %mul3A_1527 : i32
      %get3A_1530 = arith.index_cast %add3A_1529 : i32 to index
      %get3A_1531 = tpu.vector_load %arg10[%get3A_1530] {strides = array<i32>} : memref<512xf32, #tpu.memory_space<vmem>>, vector<16xf32>,
      %broadcast_in_dim3A_1532 = arith.constant 0.000000e+00 : f32
      %broadcast_in_dim3A_1533 = vector.broadcast %broadcast_in_dim3A_1532 : f32 to vector<16xf32>
      %get3A_1534 = arith.constant 0 : index
      %get3A_1535 = tpu.vector_load %arg18[%get3A_1534] {strides = array<i32>} : memref<288xf32, #tpu.memory_space<vmem>>, vector<16xf32>,
      %mul3A_1536 = arith.constant 8.000000e+00 : f32
      %mul3A_1537 = vector.broadcast %mul3A_1536 : f32 to vector<16xf32>
      %mul3A_1538 = arith.mulf %get3A_1535, %mul3A_1537 : vector<16xf32>
      %add3A_1539 = arith.addf %mul3A_1538, %mul3A_1500 : vector<16xf32>
      %get3A_1540 = arith.constant 16 : index
      %get3A_1541 = tpu.vector_load %arg18[%get3A_1540] {strides = array<i32>} : memref<288xf32, #tpu.memory_space<vmem>>, vector<16xf32>,
      %mul3A_1542 = arith.constant 8.000000e+00 : f32
      %mul3A_1543 = vector.broadcast %mul3A_1542 : f32 to vector<16xf32>
      %mul3A_1544 = arith.mulf %get3A_1541, %mul3A_1543 : vector<16xf32>
      %add3A_1545 = arith.addf %mul3A_1544, %mul3A_1507 : vector<16xf32>
      %sub3A_1546 = arith.subf %get3A_1513, %add3A_1539 : vector<16xf32>
      %max3A_1547 = arith.constant 0.000000e+00 : f32
      %max3A_1548 = vector.broadcast %max3A_1547 : f32 to vector<16xf32>
      %max3A_1549 = arith.maximumf %sub3A_1546, %max3A_1548 : vector<16xf32>
      %add3A_1550 = arith.addf %broadcast_in_dim3A_1533, %max3A_1549 : vector<16xf32>
      %sub3A_1551 = arith.subf %add3A_1539, %get3A_1525 : vector<16xf32>
      %max3A_1552 = arith.constant 0.000000e+00 : f32
      %max3A_1553 = vector.broadcast %max3A_1552 : f32 to vector<16xf32>
      %max3A_1554 = arith.maximumf %sub3A_1551, %max3A_1553 : vector<16xf32>
      %add3A_1555 = arith.addf %add3A_1550, %max3A_1554 : vector<16xf32>
      %sub3A_1556 = arith.subf %get3A_1519, %add3A_1545 : vector<16xf32>
      %max3A_1557 = arith.constant 0.000000e+00 : f32
      %max3A_1558 = vector.broadcast %max3A_1557 : f32 to vector<16xf32>
      %max3A_1559 = arith.maximumf %sub3A_1556, %max3A_1558 : vector<16xf32>
      %add3A_1560 = arith.addf %add3A_1555, %max3A_1559 : vector<16xf32>
      %sub3A_1561 = arith.subf %add3A_1545, %get3A_1531 : vector<16xf32>
      %max3A_1562 = arith.constant 0.000000e+00 : f32
      %max3A_1563 = vector.broadcast %max3A_1562 : f32 to vector<16xf32>
      %max3A_1564 = arith.maximumf %sub3A_1561, %max3A_1563 : vector<16xf32>
      %add3A_1565 = arith.addf %add3A_1560, %max3A_1564 : vector<16xf32>
      %get3A_1566 = arith.constant 32 : index
      %get3A_1567 = tpu.vector_load %arg18[%get3A_1566] {strides = array<i32>} : memref<288xf32, #tpu.memory_space<vmem>>, vector<16xf32>,
      %mul3A_1568 = arith.constant 8.000000e+00 : f32
      %mul3A_1569 = vector.broadcast %mul3A_1568 : f32 to vector<16xf32>
      %mul3A_1570 = arith.mulf %get3A_1567, %mul3A_1569 : vector<16xf32>
      %add3A_1571 = arith.addf %mul3A_1570, %mul3A_1500 : vector<16xf32>
      %get3A_1572 = arith.constant 48 : index
      %get3A_1573 = tpu.vector_load %arg18[%get3A_1572] {strides = array<i32>} : memref<288xf32, #tpu.memory_space<vmem>>, vector<16xf32>,
      %mul3A_1574 = arith.constant 8.000000e+00 : f32
      %mul3A_1575 = vector.broadcast %mul3A_1574 : f32 to vector<16xf32>
      %mul3A_1576 = arith.mulf %get3A_1573, %mul3A_1575 : vector<16xf32>
      %add3A_1577 = arith.addf %mul3A_1576, %mul3A_1507 : vector<16xf32>
      %min3A_1578 = arith.minimumf %add3A_1539, %add3A_1571 : vector<16xf32>
      %max3A_1579 = arith.maximumf %add3A_1539, %add3A_1571 : vector<16xf32>
      %min3A_1580 = arith.minimumf %add3A_1545, %add3A_1577 : vector<16xf32>
      %max3A_1581 = arith.maximumf %add3A_1545, %add3A_1577 : vector<16xf32>
      %sub3A_1582 = arith.subf %get3A_1513, %add3A_1571 : vector<16xf32>
      %max3A_1583 = arith.constant 0.000000e+00 : f32
      %max3A_1584 = vector.broadcast %max3A_1583 : f32 to vector<16xf32>
      %max3A_1585 = arith.maximumf %sub3A_1582, %max3A_1584 : vector<16xf32>
      %add3A_1586 = arith.addf %add3A_1565, %max3A_1585 : vector<16xf32>
      %sub3A_1587 = arith.subf %add3A_1571, %get3A_1525 : vector<16xf32>
      %max3A_1588 = arith.constant 0.000000e+00 : f32
      %max3A_1589 = vector.broadcast %max3A_1588 : f32 to vector<16xf32>
      %max3A_1590 = arith.maximumf %sub3A_1587, %max3A_1589 : vector<16xf32>
      %add3A_1591 = arith.addf %add3A_1586, %max3A_1590 : vector<16xf32>
      %sub3A_1592 = arith.subf %get3A_1519, %add3A_1577 : vector<16xf32>
      %max3A_1593 = arith.constant 0.000000e+00 : f32
      %max3A_1594 = vector.broadcast %max3A_1593 : f32 to vector<16xf32>
      %max3A_1595 = arith.maximumf %sub3A_1592, %max3A_1594 : vector<16xf32>
      %add3A_1596 = arith.addf %add3A_1591, %max3A_1595 : vector<16xf32>
      %sub3A_1597 = arith.subf %add3A_1577, %get3A_1531 : vector<16xf32>
      %max3A_1598 = arith.constant 0.000000e+00 : f32
      %max3A_1599 = vector.broadcast %max3A_1598 : f32 to vector<16xf32>
      %max3A_1600 = arith.maximumf %sub3A_1597, %max3A_1599 : vector<16xf32>
      %add3A_1601 = arith.addf %add3A_1596, %max3A_1600 : vector<16xf32>
      %get3A_1602 = arith.constant 64 : index
      %get3A_1603 = tpu.vector_load %arg18[%get3A_1602] {strides = array<i32>} : memref<288xf32, #tpu.memory_space<vmem>>, vector<16xf32>,
      %mul3A_1604 = arith.constant 8.000000e+00 : f32
      %mul3A_1605 = vector.broadcast %mul3A_1604 : f32 to vector<16xf32>
      %mul3A_1606 = arith.mulf %get3A_1603, %mul3A_1605 : vector<16xf32>
      %add3A_1607 = arith.addf %mul3A_1606, %mul3A_1500 : vector<16xf32>
      %get3A_1608 = arith.constant 80 : index
      %get3A_1609 = tpu.vector_load %arg18[%get3A_1608] {strides = array<i32>} : memref<288xf32, #tpu.memory_space<vmem>>, vector<16xf32>,
      %mul3A_1610 = arith.constant 8.000000e+00 : f32
      %mul3A_1611 = vector.broadcast %mul3A_1610 : f32 to vector<16xf32>
      %mul3A_1612 = arith.mulf %get3A_1609, %mul3A_1611 : vector<16xf32>
      %add3A_1613 = arith.addf %mul3A_1612, %mul3A_1507 : vector<16xf32>
      %min3A_1614 = arith.minimumf %min3A_1578, %add3A_1607 : vector<16xf32>
      %max3A_1615 = arith.maximumf %max3A_1579, %add3A_1607 : vector<16xf32>
      %min3A_1616 = arith.minimumf %min3A_1580, %add3A_1613 : vector<16xf32>
      %max3A_1617 = arith.maximumf %max3A_1581, %add3A_1613 : vector<16xf32>
      %sub3A_1618 = arith.subf %get3A_1513, %add3A_1607 : vector<16xf32>
      %max3A_1619 = arith.constant 0.000000e+00 : f32
      %max3A_1620 = vector.broadcast %max3A_1619 : f32 to vector<16xf32>
      %max3A_1621 = arith.maximumf %sub3A_1618, %max3A_1620 : vector<16xf32>
      %add3A_1622 = arith.addf %add3A_1601, %max3A_1621 : vector<16xf32>
      %sub3A_1623 = arith.subf %add3A_1607, %get3A_1525 : vector<16xf32>
      %max3A_1624 = arith.constant 0.000000e+00 : f32
      %max3A_1625 = vector.broadcast %max3A_1624 : f32 to vector<16xf32>
      %max3A_1626 = arith.maximumf %sub3A_1623, %max3A_1625 : vector<16xf32>
      %add3A_1627 = arith.addf %add3A_1622, %max3A_1626 : vector<16xf32>
      %sub3A_1628 = arith.subf %get3A_1519, %add3A_1613 : vector<16xf32>
      %max3A_1629 = arith.constant 0.000000e+00 : f32
      %max3A_1630 = vector.broadcast %max3A_1629 : f32 to vector<16xf32>
      %max3A_1631 = arith.maximumf %sub3A_1628, %max3A_1630 : vector<16xf32>
      %add3A_1632 = arith.addf %add3A_1627, %max3A_1631 : vector<16xf32>
      %sub3A_1633 = arith.subf %add3A_1613, %get3A_1531 : vector<16xf32>
      %max3A_1634 = arith.constant 0.000000e+00 : f32
      %max3A_1635 = vector.broadcast %max3A_1634 : f32 to vector<16xf32>
      %max3A_1636 = arith.maximumf %sub3A_1633, %max3A_1635 : vector<16xf32>
      %add3A_1637 = arith.addf %add3A_1632, %max3A_1636 : vector<16xf32>
      %get3A_1638 = arith.constant 96 : index
      %get3A_1639 = tpu.vector_load %arg18[%get3A_1638] {strides = array<i32>} : memref<288xf32, #tpu.memory_space<vmem>>, vector<16xf32>,
      %mul3A_1640 = arith.constant 8.000000e+00 : f32
      %mul3A_1641 = vector.broadcast %mul3A_1640 : f32 to vector<16xf32>
      %mul3A_1642 = arith.mulf %get3A_1639, %mul3A_1641 : vector<16xf32>
      %add3A_1643 = arith.addf %mul3A_1642, %mul3A_1500 : vector<16xf32>
      %get3A_1644 = arith.constant 112 : index
      %get3A_1645 = tpu.vector_load %arg18[%get3A_1644] {strides = array<i32>} : memref<288xf32, #tpu.memory_space<vmem>>, vector<16xf32>,
      %mul3A_1646 = arith.constant 8.000000e+00 : f32
      %mul3A_1647 = vector.broadcast %mul3A_1646 : f32 to vector<16xf32>
      %mul3A_1648 = arith.mulf %get3A_1645, %mul3A_1647 : vector<16xf32>
      %add3A_1649 = arith.addf %mul3A_1648, %mul3A_1507 : vector<16xf32>
      %min3A_1650 = arith.minimumf %min3A_1614, %add3A_1643 : vector<16xf32>
      %max3A_1651 = arith.maximumf %max3A_1615, %add3A_1643 : vector<16xf32>
      %min3A_1652 = arith.minimumf %min3A_1616, %add3A_1649 : vector<16xf32>
      %max3A_1653 = arith.maximumf %max3A_1617, %add3A_1649 : vector<16xf32>
      %sub3A_1654 = arith.subf %get3A_1513, %add3A_1643 : vector<16xf32>
      %max3A_1655 = arith.constant 0.000000e+00 : f32
      %max3A_1656 = vector.broadcast %max3A_1655 : f32 to vector<16xf32>
      %max3A_1657 = arith.maximumf %sub3A_1654, %max3A_1656 : vector<16xf32>
      %add3A_1658 = arith.addf %add3A_1637, %max3A_1657 : vector<16xf32>
      %sub3A_1659 = arith.subf %add3A_1643, %get3A_1525 : vector<16xf32>
      %max3A_1660 = arith.constant 0.000000e+00 : f32
      %max3A_1661 = vector.broadcast %max3A_1660 : f32 to vector<16xf32>
      %max3A_1662 = arith.maximumf %sub3A_1659, %max3A_1661 : vector<16xf32>
      %add3A_1663 = arith.addf %add3A_1658, %max3A_1662 : vector<16xf32>
      %sub3A_1664 = arith.subf %get3A_1519, %add3A_1649 : vector<16xf32>
      %max3A_1665 = arith.constant 0.000000e+00 : f32
      %max3A_1666 = vector.broadcast %max3A_1665 : f32 to vector<16xf32>
      %max3A_1667 = arith.maximumf %sub3A_1664, %max3A_1666 : vector<16xf32>
      %add3A_1668 = arith.addf %add3A_1663, %max3A_1667 : vector<16xf32>
      %sub3A_1669 = arith.subf %add3A_1649, %get3A_1531 : vector<16xf32>
      %max3A_1670 = arith.constant 0.000000e+00 : f32
      %max3A_1671 = vector.broadcast %max3A_1670 : f32 to vector<16xf32>
      %max3A_1672 = arith.maximumf %sub3A_1669, %max3A_1671 : vector<16xf32>
      %add3A_1673 = arith.addf %add3A_1668, %max3A_1672 : vector<16xf32>
      %get3A_1674 = arith.constant 128 : index
      %get3A_1675 = tpu.vector_load %arg18[%get3A_1674] {strides = array<i32>} : memref<288xf32, #tpu.memory_space<vmem>>, vector<16xf32>,
      %mul3A_1676 = arith.constant 8.000000e+00 : f32
      %mul3A_1677 = vector.broadcast %mul3A_1676 : f32 to vector<16xf32>
      %mul3A_1678 = arith.mulf %get3A_1675, %mul3A_1677 : vector<16xf32>
      %add3A_1679 = arith.addf %mul3A_1678, %mul3A_1500 : vector<16xf32>
      %get3A_1680 = arith.constant 144 : index
      %get3A_1681 = tpu.vector_load %arg18[%get3A_1680] {strides = array<i32>} : memref<288xf32, #tpu.memory_space<vmem>>, vector<16xf32>,
      %mul3A_1682 = arith.constant 8.000000e+00 : f32
      %mul3A_1683 = vector.broadcast %mul3A_1682 : f32 to vector<16xf32>
      %mul3A_1684 = arith.mulf %get3A_1681, %mul3A_1683 : vector<16xf32>
      %add3A_1685 = arith.addf %mul3A_1684, %mul3A_1507 : vector<16xf32>
      %min3A_1686 = arith.minimumf %min3A_1650, %add3A_1679 : vector<16xf32>
      %max3A_1687 = arith.maximumf %max3A_1651, %add3A_1679 : vector<16xf32>
      %min3A_1688 = arith.minimumf %min3A_1652, %add3A_1685 : vector<16xf32>
      %max3A_1689 = arith.maximumf %max3A_1653, %add3A_1685 : vector<16xf32>
      %sub3A_1690 = arith.subf %get3A_1513, %add3A_1679 : vector<16xf32>
      %max3A_1691 = arith.constant 0.000000e+00 : f32
      %max3A_1692 = vector.broadcast %max3A_1691 : f32 to vector<16xf32>
      %max3A_1693 = arith.maximumf %sub3A_1690, %max3A_1692 : vector<16xf32>
      %add3A_1694 = arith.addf %add3A_1673, %max3A_1693 : vector<16xf32>
      %sub3A_1695 = arith.subf %add3A_1679, %get3A_1525 : vector<16xf32>
      %max3A_1696 = arith.constant 0.000000e+00 : f32
      %max3A_1697 = vector.broadcast %max3A_1696 : f32 to vector<16xf32>
      %max3A_1698 = arith.maximumf %sub3A_1695, %max3A_1697 : vector<16xf32>
      %add3A_1699 = arith.addf %add3A_1694, %max3A_1698 : vector<16xf32>
      %sub3A_1700 = arith.subf %get3A_1519, %add3A_1685 : vector<16xf32>
      %max3A_1701 = arith.constant 0.000000e+00 : f32
      %max3A_1702 = vector.broadcast %max3A_1701 : f32 to vector<16xf32>
      %max3A_1703 = arith.maximumf %sub3A_1700, %max3A_1702 : vector<16xf32>
      %add3A_1704 = arith.addf %add3A_1699, %max3A_1703 : vector<16xf32>
      %sub3A_1705 = arith.subf %add3A_1685, %get3A_1531 : vector<16xf32>
      %max3A_1706 = arith.constant 0.000000e+00 : f32
      %max3A_1707 = vector.broadcast %max3A_1706 : f32 to vector<16xf32>
      %max3A_1708 = arith.maximumf %sub3A_1705, %max3A_1707 : vector<16xf32>
      %add3A_1709 = arith.addf %add3A_1704, %max3A_1708 : vector<16xf32>
      %get3A_1710 = arith.constant 160 : index
      %get3A_1711 = tpu.vector_load %arg18[%get3A_1710] {strides = array<i32>} : memref<288xf32, #tpu.memory_space<vmem>>, vector<16xf32>,
      %mul3A_1712 = arith.constant 8.000000e+00 : f32
      %mul3A_1713 = vector.broadcast %mul3A_1712 : f32 to vector<16xf32>
      %mul3A_1714 = arith.mulf %get3A_1711, %mul3A_1713 : vector<16xf32>
      %add3A_1715 = arith.addf %mul3A_1714, %mul3A_1500 : vector<16xf32>
      %get3A_1716 = arith.constant 176 : index
      %get3A_1717 = tpu.vector_load %arg18[%get3A_1716] {strides = array<i32>} : memref<288xf32, #tpu.memory_space<vmem>>, vector<16xf32>,
      %mul3A_1718 = arith.constant 8.000000e+00 : f32
      %mul3A_1719 = vector.broadcast %mul3A_1718 : f32 to vector<16xf32>
      %mul3A_1720 = arith.mulf %get3A_1717, %mul3A_1719 : vector<16xf32>
      %add3A_1721 = arith.addf %mul3A_1720, %mul3A_1507 : vector<16xf32>
      %min3A_1722 = arith.minimumf %min3A_1686, %add3A_1715 : vector<16xf32>
      %max3A_1723 = arith.maximumf %max3A_1687, %add3A_1715 : vector<16xf32>
      %min3A_1724 = arith.minimumf %min3A_1688, %add3A_1721 : vector<16xf32>
      %max3A_1725 = arith.maximumf %max3A_1689, %add3A_1721 : vector<16xf32>
      %sub3A_1726 = arith.subf %get3A_1513, %add3A_1715 : vector<16xf32>
      %max3A_1727 = arith.constant 0.000000e+00 : f32
      %max3A_1728 = vector.broadcast %max3A_1727 : f32 to vector<16xf32>
      %max3A_1729 = arith.maximumf %sub3A_1726, %max3A_1728 : vector<16xf32>
      %add3A_1730 = arith.addf %add3A_1709, %max3A_1729 : vector<16xf32>
      %sub3A_1731 = arith.subf %add3A_1715, %get3A_1525 : vector<16xf32>
      %max3A_1732 = arith.constant 0.000000e+00 : f32
      %max3A_1733 = vector.broadcast %max3A_1732 : f32 to vector<16xf32>
      %max3A_1734 = arith.maximumf %sub3A_1731, %max3A_1733 : vector<16xf32>
      %add3A_1735 = arith.addf %add3A_1730, %max3A_1734 : vector<16xf32>
      %sub3A_1736 = arith.subf %get3A_1519, %add3A_1721 : vector<16xf32>
      %max3A_1737 = arith.constant 0.000000e+00 : f32
      %max3A_1738 = vector.broadcast %max3A_1737 : f32 to vector<16xf32>
      %max3A_1739 = arith.maximumf %sub3A_1736, %max3A_1738 : vector<16xf32>
      %add3A_1740 = arith.addf %add3A_1735, %max3A_1739 : vector<16xf32>
      %sub3A_1741 = arith.subf %add3A_1721, %get3A_1531 : vector<16xf32>
      %max3A_1742 = arith.constant 0.000000e+00 : f32
      %max3A_1743 = vector.broadcast %max3A_1742 : f32 to vector<16xf32>
      %max3A_1744 = arith.maximumf %sub3A_1741, %max3A_1743 : vector<16xf32>
      %add3A_1745 = arith.addf %add3A_1740, %max3A_1744 : vector<16xf32>
      %get3A_1746 = arith.constant 192 : index
      %get3A_1747 = tpu.vector_load %arg18[%get3A_1746] {strides = array<i32>} : memref<288xf32, #tpu.memory_space<vmem>>, vector<16xf32>,
      %mul3A_1748 = arith.constant 8.000000e+00 : f32
      %mul3A_1749 = vector.broadcast %mul3A_1748 : f32 to vector<16xf32>
      %mul3A_1750 = arith.mulf %get3A_1747, %mul3A_1749 : vector<16xf32>
      %add3A_1751 = arith.addf %mul3A_1750, %mul3A_1500 : vector<16xf32>
      %get3A_1752 = arith.constant 208 : index
      %get3A_1753 = tpu.vector_load %arg18[%get3A_1752] {strides = array<i32>} : memref<288xf32, #tpu.memory_space<vmem>>, vector<16xf32>,
      %mul3A_1754 = arith.constant 8.000000e+00 : f32
      %mul3A_1755 = vector.broadcast %mul3A_1754 : f32 to vector<16xf32>
      %mul3A_1756 = arith.mulf %get3A_1753, %mul3A_1755 : vector<16xf32>
      %add3A_1757 = arith.addf %mul3A_1756, %mul3A_1507 : vector<16xf32>
      %min3A_1758 = arith.minimumf %min3A_1722, %add3A_1751 : vector<16xf32>
      %max3A_1759 = arith.maximumf %max3A_1723, %add3A_1751 : vector<16xf32>
      %min3A_1760 = arith.minimumf %min3A_1724, %add3A_1757 : vector<16xf32>
      %max3A_1761 = arith.maximumf %max3A_1725, %add3A_1757 : vector<16xf32>
      %sub3A_1762 = arith.subf %get3A_1513, %add3A_1751 : vector<16xf32>
      %max3A_1763 = arith.constant 0.000000e+00 : f32
      %max3A_1764 = vector.broadcast %max3A_1763 : f32 to vector<16xf32>
      %max3A_1765 = arith.maximumf %sub3A_1762, %max3A_1764 : vector<16xf32>
      %add3A_1766 = arith.addf %add3A_1745, %max3A_1765 : vector<16xf32>
      %sub3A_1767 = arith.subf %add3A_1751, %get3A_1525 : vector<16xf32>
      %max3A_1768 = arith.constant 0.000000e+00 : f32
      %max3A_1769 = vector.broadcast %max3A_1768 : f32 to vector<16xf32>
      %max3A_1770 = arith.maximumf %sub3A_1767, %max3A_1769 : vector<16xf32>
      %add3A_1771 = arith.addf %add3A_1766, %max3A_1770 : vector<16xf32>
      %sub3A_1772 = arith.subf %get3A_1519, %add3A_1757 : vector<16xf32>
      %max3A_1773 = arith.constant 0.000000e+00 : f32
      %max3A_1774 = vector.broadcast %max3A_1773 : f32 to vector<16xf32>
      %max3A_1775 = arith.maximumf %sub3A_1772, %max3A_1774 : vector<16xf32>
      %add3A_1776 = arith.addf %add3A_1771, %max3A_1775 : vector<16xf32>
      %sub3A_1777 = arith.subf %add3A_1757, %get3A_1531 : vector<16xf32>
      %max3A_1778 = arith.constant 0.000000e+00 : f32
      %max3A_1779 = vector.broadcast %max3A_1778 : f32 to vector<16xf32>
      %max3A_1780 = arith.maximumf %sub3A_1777, %max3A_1779 : vector<16xf32>
      %add3A_1781 = arith.addf %add3A_1776, %max3A_1780 : vector<16xf32>
      %get3A_1782 = arith.constant 224 : index
      %get3A_1783 = tpu.vector_load %arg18[%get3A_1782] {strides = array<i32>} : memref<288xf32, #tpu.memory_space<vmem>>, vector<16xf32>,
      %mul3A_1784 = arith.constant 8.000000e+00 : f32
      %mul3A_1785 = vector.broadcast %mul3A_1784 : f32 to vector<16xf32>
      %mul3A_1786 = arith.mulf %get3A_1783, %mul3A_1785 : vector<16xf32>
      %add3A_1787 = arith.addf %mul3A_1786, %mul3A_1500 : vector<16xf32>
      %get3A_1788 = arith.constant 240 : index
      %get3A_1789 = tpu.vector_load %arg18[%get3A_1788] {strides = array<i32>} : memref<288xf32, #tpu.memory_space<vmem>>, vector<16xf32>,
      %mul3A_1790 = arith.constant 8.000000e+00 : f32
      %mul3A_1791 = vector.broadcast %mul3A_1790 : f32 to vector<16xf32>
      %mul3A_1792 = arith.mulf %get3A_1789, %mul3A_1791 : vector<16xf32>
      %add3A_1793 = arith.addf %mul3A_1792, %mul3A_1507 : vector<16xf32>
      %min3A_1794 = arith.minimumf %min3A_1758, %add3A_1787 : vector<16xf32>
      %max3A_1795 = arith.maximumf %max3A_1759, %add3A_1787 : vector<16xf32>
      %min3A_1796 = arith.minimumf %min3A_1760, %add3A_1793 : vector<16xf32>
      %max3A_1797 = arith.maximumf %max3A_1761, %add3A_1793 : vector<16xf32>
      %sub3A_1798 = arith.subf %get3A_1513, %add3A_1787 : vector<16xf32>
      %max3A_1799 = arith.constant 0.000000e+00 : f32
      %max3A_1800 = vector.broadcast %max3A_1799 : f32 to vector<16xf32>
      %max3A_1801 = arith.maximumf %sub3A_1798, %max3A_1800 : vector<16xf32>
      %add3A_1802 = arith.addf %add3A_1781, %max3A_1801 : vector<16xf32>
      %sub3A_1803 = arith.subf %add3A_1787, %get3A_1525 : vector<16xf32>
      %max3A_1804 = arith.constant 0.000000e+00 : f32
      %max3A_1805 = vector.broadcast %max3A_1804 : f32 to vector<16xf32>
      %max3A_1806 = arith.maximumf %sub3A_1803, %max3A_1805 : vector<16xf32>
      %add3A_1807 = arith.addf %add3A_1802, %max3A_1806 : vector<16xf32>
      %sub3A_1808 = arith.subf %get3A_1519, %add3A_1793 : vector<16xf32>
      %max3A_1809 = arith.constant 0.000000e+00 : f32
      %max3A_1810 = vector.broadcast %max3A_1809 : f32 to vector<16xf32>
      %max3A_1811 = arith.maximumf %sub3A_1808, %max3A_1810 : vector<16xf32>
      %add3A_1812 = arith.addf %add3A_1807, %max3A_1811 : vector<16xf32>
      %sub3A_1813 = arith.subf %add3A_1793, %get3A_1531 : vector<16xf32>
      %max3A_1814 = arith.constant 0.000000e+00 : f32
      %max3A_1815 = vector.broadcast %max3A_1814 : f32 to vector<16xf32>
      %max3A_1816 = arith.maximumf %sub3A_1813, %max3A_1815 : vector<16xf32>
      %add3A_1817 = arith.addf %add3A_1812, %max3A_1816 : vector<16xf32>
      %get3A_1818 = arith.constant 256 : index
      %get3A_1819 = tpu.vector_load %arg18[%get3A_1818] {strides = array<i32>} : memref<288xf32, #tpu.memory_space<vmem>>, vector<16xf32>,
      %mul3A_1820 = arith.constant 8.000000e+00 : f32
      %mul3A_1821 = vector.broadcast %mul3A_1820 : f32 to vector<16xf32>
      %mul3A_1822 = arith.mulf %get3A_1819, %mul3A_1821 : vector<16xf32>
      %add3A_1823 = arith.addf %mul3A_1822, %mul3A_1500 : vector<16xf32>
      %get3A_1824 = arith.constant 272 : index
      %get3A_1825 = tpu.vector_load %arg18[%get3A_1824] {strides = array<i32>} : memref<288xf32, #tpu.memory_space<vmem>>, vector<16xf32>,
      %mul3A_1826 = arith.constant 8.000000e+00 : f32
      %mul3A_1827 = vector.broadcast %mul3A_1826 : f32 to vector<16xf32>
      %mul3A_1828 = arith.mulf %get3A_1825, %mul3A_1827 : vector<16xf32>
      %add3A_1829 = arith.addf %mul3A_1828, %mul3A_1507 : vector<16xf32>
      %min3A_1830 = arith.minimumf %min3A_1794, %add3A_1823 : vector<16xf32>
      %max3A_1831 = arith.maximumf %max3A_1795, %add3A_1823 : vector<16xf32>
      %min3A_1832 = arith.minimumf %min3A_1796, %add3A_1829 : vector<16xf32>
      %max3A_1833 = arith.maximumf %max3A_1797, %add3A_1829 : vector<16xf32>
      %sub3A_1834 = arith.subf %get3A_1513, %add3A_1823 : vector<16xf32>
      %max3A_1835 = arith.constant 0.000000e+00 : f32
      %max3A_1836 = vector.broadcast %max3A_1835 : f32 to vector<16xf32>
      %max3A_1837 = arith.maximumf %sub3A_1834, %max3A_1836 : vector<16xf32>
      %add3A_1838 = arith.addf %add3A_1817, %max3A_1837 : vector<16xf32>
      %sub3A_1839 = arith.subf %add3A_1823, %get3A_1525 : vector<16xf32>
      %max3A_1840 = arith.constant 0.000000e+00 : f32
      %max3A_1841 = vector.broadcast %max3A_1840 : f32 to vector<16xf32>
      %max3A_1842 = arith.maximumf %sub3A_1839, %max3A_1841 : vector<16xf32>
      %add3A_1843 = arith.addf %add3A_1838, %max3A_1842 : vector<16xf32>
      %sub3A_1844 = arith.subf %get3A_1519, %add3A_1829 : vector<16xf32>
      %max3A_1845 = arith.constant 0.000000e+00 : f32
      %max3A_1846 = vector.broadcast %max3A_1845 : f32 to vector<16xf32>
      %max3A_1847 = arith.maximumf %sub3A_1844, %max3A_1846 : vector<16xf32>
      %add3A_1848 = arith.addf %add3A_1843, %max3A_1847 : vector<16xf32>
      %sub3A_1849 = arith.subf %add3A_1829, %get3A_1531 : vector<16xf32>
      %max3A_1850 = arith.constant 0.000000e+00 : f32
      %max3A_1851 = vector.broadcast %max3A_1850 : f32 to vector<16xf32>
      %max3A_1852 = arith.maximumf %sub3A_1849, %max3A_1851 : vector<16xf32>
      %add3A_1853 = arith.addf %add3A_1848, %max3A_1852 : vector<16xf32>
      %sub3A_1854 = arith.subf %min3A_1830, %get3A_1513 : vector<16xf32>
      %abs3A = math.absf %sub3A_1854 : vector<16xf32>
      %sub3A_1855 = arith.subf %min3A_1832, %get3A_1519 : vector<16xf32>
      %abs3A_1856 = math.absf %sub3A_1855 : vector<16xf32>
      %add3A_1857 = arith.addf %abs3A, %abs3A_1856 : vector<16xf32>
      %sub3A_1858 = arith.subf %max3A_1831, %get3A_1525 : vector<16xf32>
      %abs3A_1859 = math.absf %sub3A_1858 : vector<16xf32>
      %add3A_1860 = arith.addf %add3A_1857, %abs3A_1859 : vector<16xf32>
      %sub3A_1861 = arith.subf %max3A_1833, %get3A_1531 : vector<16xf32>
      %abs3A_1862 = math.absf %sub3A_1861 : vector<16xf32>
      %add3A_1863 = arith.addf %add3A_1860, %abs3A_1862 : vector<16xf32>
      %jit3A_1864 = arith.constant 0.000000e+00 : f32
      %broadcast_in_dim3A_1865 = vector.broadcast %jit3A_1864 : f32 to vector<16xf32>
      %select_n3A_1866 = arith.select %not3A_1449, %add3A_1863, %broadcast_in_dim3A_1865 : vector<16xi1>, vector<16xf32>
      %reduce_sum3A_1867 = arith.constant true
      %reduce_sum3A_1868 = vector.broadcast %reduce_sum3A_1867 : i1 to vector<16xi1>
      %reduce_sum3A_1869 = tpu.scan <sum>, %select_n3A_1866 masked %reduce_sum3A_1868 : vector<16xf32>, vector<16xi1> -> vector<16xf32>
      %reduce_sum3A_1870 = vector.extract %reduce_sum3A_1869[15] : f32 from vector<16xf32>
      %div3A_1871 = arith.constant 9.000000e+00 : f32
      %div3A_1872 = vector.broadcast %div3A_1871 : f32 to vector<16xf32>
      %div3A_1873 = arith.divf %add3A_1853, %div3A_1872 : vector<16xf32>
      %jit3A_1874 = arith.constant 0.000000e+00 : f32
      %broadcast_in_dim3A_1875 = vector.broadcast %jit3A_1874 : f32 to vector<16xf32>
      %select_n3A_1876 = arith.select %not3A_1449, %div3A_1873, %broadcast_in_dim3A_1875 : vector<16xi1>, vector<16xf32>
      %reduce_sum3A_1877 = arith.constant true
      %reduce_sum3A_1878 = vector.broadcast %reduce_sum3A_1877 : i1 to vector<16xi1>
      %reduce_sum3A_1879 = tpu.scan <sum>, %select_n3A_1876 masked %reduce_sum3A_1878 : vector<16xf32>, vector<16xi1> -> vector<16xf32>
      %reduce_sum3A_1880 = vector.extract %reduce_sum3A_1879[15] : f32 from vector<16xf32>
      %broadcast_in_dim3A_1881 = arith.constant 0.000000e+00 : f32
      %broadcast_in_dim3A_1882 = vector.broadcast %broadcast_in_dim3A_1881 : f32 to vector<16xf32>
      %get3A_1883 = arith.constant 0 : index
      %get3A_1884 = tpu.vector_load %arg19[%get3A_1883] {strides = array<i32>} : memref<288xf32, #tpu.memory_space<vmem>>, vector<16xf32>,
      %mul3A_1885 = arith.constant 8.000000e+00 : f32
      %mul3A_1886 = vector.broadcast %mul3A_1885 : f32 to vector<16xf32>
      %mul3A_1887 = arith.mulf %get3A_1884, %mul3A_1886 : vector<16xf32>
      %add3A_1888 = arith.addf %mul3A_1887, %mul3A_1500 : vector<16xf32>
      %get3A_1889 = arith.constant 16 : index
      %get3A_1890 = tpu.vector_load %arg19[%get3A_1889] {strides = array<i32>} : memref<288xf32, #tpu.memory_space<vmem>>, vector<16xf32>,
      %mul3A_1891 = arith.constant 8.000000e+00 : f32
      %mul3A_1892 = vector.broadcast %mul3A_1891 : f32 to vector<16xf32>
      %mul3A_1893 = arith.mulf %get3A_1890, %mul3A_1892 : vector<16xf32>
      %add3A_1894 = arith.addf %mul3A_1893, %mul3A_1507 : vector<16xf32>
      %sub3A_1895 = arith.subf %get3A_1513, %add3A_1888 : vector<16xf32>
      %max3A_1896 = arith.constant 0.000000e+00 : f32
      %max3A_1897 = vector.broadcast %max3A_1896 : f32 to vector<16xf32>
      %max3A_1898 = arith.maximumf %sub3A_1895, %max3A_1897 : vector<16xf32>
      %add3A_1899 = arith.addf %broadcast_in_dim3A_1882, %max3A_1898 : vector<16xf32>
      %sub3A_1900 = arith.subf %add3A_1888, %get3A_1525 : vector<16xf32>
      %max3A_1901 = arith.constant 0.000000e+00 : f32
      %max3A_1902 = vector.broadcast %max3A_1901 : f32 to vector<16xf32>
      %max3A_1903 = arith.maximumf %sub3A_1900, %max3A_1902 : vector<16xf32>
      %add3A_1904 = arith.addf %add3A_1899, %max3A_1903 : vector<16xf32>
      %sub3A_1905 = arith.subf %get3A_1519, %add3A_1894 : vector<16xf32>
      %max3A_1906 = arith.constant 0.000000e+00 : f32
      %max3A_1907 = vector.broadcast %max3A_1906 : f32 to vector<16xf32>
      %max3A_1908 = arith.maximumf %sub3A_1905, %max3A_1907 : vector<16xf32>
      %add3A_1909 = arith.addf %add3A_1904, %max3A_1908 : vector<16xf32>
      %sub3A_1910 = arith.subf %add3A_1894, %get3A_1531 : vector<16xf32>
      %max3A_1911 = arith.constant 0.000000e+00 : f32
      %max3A_1912 = vector.broadcast %max3A_1911 : f32 to vector<16xf32>
      %max3A_1913 = arith.maximumf %sub3A_1910, %max3A_1912 : vector<16xf32>
      %add3A_1914 = arith.addf %add3A_1909, %max3A_1913 : vector<16xf32>
      %get3A_1915 = arith.constant 32 : index
      %get3A_1916 = tpu.vector_load %arg19[%get3A_1915] {strides = array<i32>} : memref<288xf32, #tpu.memory_space<vmem>>, vector<16xf32>,
      %mul3A_1917 = arith.constant 8.000000e+00 : f32
      %mul3A_1918 = vector.broadcast %mul3A_1917 : f32 to vector<16xf32>
      %mul3A_1919 = arith.mulf %get3A_1916, %mul3A_1918 : vector<16xf32>
      %add3A_1920 = arith.addf %mul3A_1919, %mul3A_1500 : vector<16xf32>
      %get3A_1921 = arith.constant 48 : index
      %get3A_1922 = tpu.vector_load %arg19[%get3A_1921] {strides = array<i32>} : memref<288xf32, #tpu.memory_space<vmem>>, vector<16xf32>,
      %mul3A_1923 = arith.constant 8.000000e+00 : f32
      %mul3A_1924 = vector.broadcast %mul3A_1923 : f32 to vector<16xf32>
      %mul3A_1925 = arith.mulf %get3A_1922, %mul3A_1924 : vector<16xf32>
      %add3A_1926 = arith.addf %mul3A_1925, %mul3A_1507 : vector<16xf32>
      %min3A_1927 = arith.minimumf %add3A_1888, %add3A_1920 : vector<16xf32>
      %max3A_1928 = arith.maximumf %add3A_1888, %add3A_1920 : vector<16xf32>
      %min3A_1929 = arith.minimumf %add3A_1894, %add3A_1926 : vector<16xf32>
      %max3A_1930 = arith.maximumf %add3A_1894, %add3A_1926 : vector<16xf32>
      %sub3A_1931 = arith.subf %get3A_1513, %add3A_1920 : vector<16xf32>
      %max3A_1932 = arith.constant 0.000000e+00 : f32
      %max3A_1933 = vector.broadcast %max3A_1932 : f32 to vector<16xf32>
      %max3A_1934 = arith.maximumf %sub3A_1931, %max3A_1933 : vector<16xf32>
      %add3A_1935 = arith.addf %add3A_1914, %max3A_1934 : vector<16xf32>
      %sub3A_1936 = arith.subf %add3A_1920, %get3A_1525 : vector<16xf32>
      %max3A_1937 = arith.constant 0.000000e+00 : f32
      %max3A_1938 = vector.broadcast %max3A_1937 : f32 to vector<16xf32>
      %max3A_1939 = arith.maximumf %sub3A_1936, %max3A_1938 : vector<16xf32>
      %add3A_1940 = arith.addf %add3A_1935, %max3A_1939 : vector<16xf32>
      %sub3A_1941 = arith.subf %get3A_1519, %add3A_1926 : vector<16xf32>
      %max3A_1942 = arith.constant 0.000000e+00 : f32
      %max3A_1943 = vector.broadcast %max3A_1942 : f32 to vector<16xf32>
      %max3A_1944 = arith.maximumf %sub3A_1941, %max3A_1943 : vector<16xf32>
      %add3A_1945 = arith.addf %add3A_1940, %max3A_1944 : vector<16xf32>
      %sub3A_1946 = arith.subf %add3A_1926, %get3A_1531 : vector<16xf32>
      %max3A_1947 = arith.constant 0.000000e+00 : f32
      %max3A_1948 = vector.broadcast %max3A_1947 : f32 to vector<16xf32>
      %max3A_1949 = arith.maximumf %sub3A_1946, %max3A_1948 : vector<16xf32>
      %add3A_1950 = arith.addf %add3A_1945, %max3A_1949 : vector<16xf32>
      %get3A_1951 = arith.constant 64 : index
      %get3A_1952 = tpu.vector_load %arg19[%get3A_1951] {strides = array<i32>} : memref<288xf32, #tpu.memory_space<vmem>>, vector<16xf32>,
      %mul3A_1953 = arith.constant 8.000000e+00 : f32
      %mul3A_1954 = vector.broadcast %mul3A_1953 : f32 to vector<16xf32>
      %mul3A_1955 = arith.mulf %get3A_1952, %mul3A_1954 : vector<16xf32>
      %add3A_1956 = arith.addf %mul3A_1955, %mul3A_1500 : vector<16xf32>
      %get3A_1957 = arith.constant 80 : index
      %get3A_1958 = tpu.vector_load %arg19[%get3A_1957] {strides = array<i32>} : memref<288xf32, #tpu.memory_space<vmem>>, vector<16xf32>,
      %mul3A_1959 = arith.constant 8.000000e+00 : f32
      %mul3A_1960 = vector.broadcast %mul3A_1959 : f32 to vector<16xf32>
      %mul3A_1961 = arith.mulf %get3A_1958, %mul3A_1960 : vector<16xf32>
      %add3A_1962 = arith.addf %mul3A_1961, %mul3A_1507 : vector<16xf32>
      %min3A_1963 = arith.minimumf %min3A_1927, %add3A_1956 : vector<16xf32>
      %max3A_1964 = arith.maximumf %max3A_1928, %add3A_1956 : vector<16xf32>
      %min3A_1965 = arith.minimumf %min3A_1929, %add3A_1962 : vector<16xf32>
      %max3A_1966 = arith.maximumf %max3A_1930, %add3A_1962 : vector<16xf32>
      %sub3A_1967 = arith.subf %get3A_1513, %add3A_1956 : vector<16xf32>
      %max3A_1968 = arith.constant 0.000000e+00 : f32
      %max3A_1969 = vector.broadcast %max3A_1968 : f32 to vector<16xf32>
      %max3A_1970 = arith.maximumf %sub3A_1967, %max3A_1969 : vector<16xf32>
      %add3A_1971 = arith.addf %add3A_1950, %max3A_1970 : vector<16xf32>
      %sub3A_1972 = arith.subf %add3A_1956, %get3A_1525 : vector<16xf32>
      %max3A_1973 = arith.constant 0.000000e+00 : f32
      %max3A_1974 = vector.broadcast %max3A_1973 : f32 to vector<16xf32>
      %max3A_1975 = arith.maximumf %sub3A_1972, %max3A_1974 : vector<16xf32>
      %add3A_1976 = arith.addf %add3A_1971, %max3A_1975 : vector<16xf32>
      %sub3A_1977 = arith.subf %get3A_1519, %add3A_1962 : vector<16xf32>
      %max3A_1978 = arith.constant 0.000000e+00 : f32
      %max3A_1979 = vector.broadcast %max3A_1978 : f32 to vector<16xf32>
      %max3A_1980 = arith.maximumf %sub3A_1977, %max3A_1979 : vector<16xf32>
      %add3A_1981 = arith.addf %add3A_1976, %max3A_1980 : vector<16xf32>
      %sub3A_1982 = arith.subf %add3A_1962, %get3A_1531 : vector<16xf32>
      %max3A_1983 = arith.constant 0.000000e+00 : f32
      %max3A_1984 = vector.broadcast %max3A_1983 : f32 to vector<16xf32>
      %max3A_1985 = arith.maximumf %sub3A_1982, %max3A_1984 : vector<16xf32>
      %add3A_1986 = arith.addf %add3A_1981, %max3A_1985 : vector<16xf32>
      %get3A_1987 = arith.constant 96 : index
      %get3A_1988 = tpu.vector_load %arg19[%get3A_1987] {strides = array<i32>} : memref<288xf32, #tpu.memory_space<vmem>>, vector<16xf32>,
      %mul3A_1989 = arith.constant 8.000000e+00 : f32
      %mul3A_1990 = vector.broadcast %mul3A_1989 : f32 to vector<16xf32>
      %mul3A_1991 = arith.mulf %get3A_1988, %mul3A_1990 : vector<16xf32>
      %add3A_1992 = arith.addf %mul3A_1991, %mul3A_1500 : vector<16xf32>
      %get3A_1993 = arith.constant 112 : index
      %get3A_1994 = tpu.vector_load %arg19[%get3A_1993] {strides = array<i32>} : memref<288xf32, #tpu.memory_space<vmem>>, vector<16xf32>,
      %mul3A_1995 = arith.constant 8.000000e+00 : f32
      %mul3A_1996 = vector.broadcast %mul3A_1995 : f32 to vector<16xf32>
      %mul3A_1997 = arith.mulf %get3A_1994, %mul3A_1996 : vector<16xf32>
      %add3A_1998 = arith.addf %mul3A_1997, %mul3A_1507 : vector<16xf32>
      %min3A_1999 = arith.minimumf %min3A_1963, %add3A_1992 : vector<16xf32>
      %max3A_2000 = arith.maximumf %max3A_1964, %add3A_1992 : vector<16xf32>
      %min3A_2001 = arith.minimumf %min3A_1965, %add3A_1998 : vector<16xf32>
      %max3A_2002 = arith.maximumf %max3A_1966, %add3A_1998 : vector<16xf32>
      %sub3A_2003 = arith.subf %get3A_1513, %add3A_1992 : vector<16xf32>
      %max3A_2004 = arith.constant 0.000000e+00 : f32
      %max3A_2005 = vector.broadcast %max3A_2004 : f32 to vector<16xf32>
      %max3A_2006 = arith.maximumf %sub3A_2003, %max3A_2005 : vector<16xf32>
      %add3A_2007 = arith.addf %add3A_1986, %max3A_2006 : vector<16xf32>
      %sub3A_2008 = arith.subf %add3A_1992, %get3A_1525 : vector<16xf32>
      %max3A_2009 = arith.constant 0.000000e+00 : f32
      %max3A_2010 = vector.broadcast %max3A_2009 : f32 to vector<16xf32>
      %max3A_2011 = arith.maximumf %sub3A_2008, %max3A_2010 : vector<16xf32>
      %add3A_2012 = arith.addf %add3A_2007, %max3A_2011 : vector<16xf32>
      %sub3A_2013 = arith.subf %get3A_1519, %add3A_1998 : vector<16xf32>
      %max3A_2014 = arith.constant 0.000000e+00 : f32
      %max3A_2015 = vector.broadcast %max3A_2014 : f32 to vector<16xf32>
      %max3A_2016 = arith.maximumf %sub3A_2013, %max3A_2015 : vector<16xf32>
      %add3A_2017 = arith.addf %add3A_2012, %max3A_2016 : vector<16xf32>
      %sub3A_2018 = arith.subf %add3A_1998, %get3A_1531 : vector<16xf32>
      %max3A_2019 = arith.constant 0.000000e+00 : f32
      %max3A_2020 = vector.broadcast %max3A_2019 : f32 to vector<16xf32>
      %max3A_2021 = arith.maximumf %sub3A_2018, %max3A_2020 : vector<16xf32>
      %add3A_2022 = arith.addf %add3A_2017, %max3A_2021 : vector<16xf32>
      %get3A_2023 = arith.constant 128 : index
      %get3A_2024 = tpu.vector_load %arg19[%get3A_2023] {strides = array<i32>} : memref<288xf32, #tpu.memory_space<vmem>>, vector<16xf32>,
      %mul3A_2025 = arith.constant 8.000000e+00 : f32
      %mul3A_2026 = vector.broadcast %mul3A_2025 : f32 to vector<16xf32>
      %mul3A_2027 = arith.mulf %get3A_2024, %mul3A_2026 : vector<16xf32>
      %add3A_2028 = arith.addf %mul3A_2027, %mul3A_1500 : vector<16xf32>
      %get3A_2029 = arith.constant 144 : index
      %get3A_2030 = tpu.vector_load %arg19[%get3A_2029] {strides = array<i32>} : memref<288xf32, #tpu.memory_space<vmem>>, vector<16xf32>,
      %mul3A_2031 = arith.constant 8.000000e+00 : f32
      %mul3A_2032 = vector.broadcast %mul3A_2031 : f32 to vector<16xf32>
      %mul3A_2033 = arith.mulf %get3A_2030, %mul3A_2032 : vector<16xf32>
      %add3A_2034 = arith.addf %mul3A_2033, %mul3A_1507 : vector<16xf32>
      %min3A_2035 = arith.minimumf %min3A_1999, %add3A_2028 : vector<16xf32>
      %max3A_2036 = arith.maximumf %max3A_2000, %add3A_2028 : vector<16xf32>
      %min3A_2037 = arith.minimumf %min3A_2001, %add3A_2034 : vector<16xf32>
      %max3A_2038 = arith.maximumf %max3A_2002, %add3A_2034 : vector<16xf32>
      %sub3A_2039 = arith.subf %get3A_1513, %add3A_2028 : vector<16xf32>
      %max3A_2040 = arith.constant 0.000000e+00 : f32
      %max3A_2041 = vector.broadcast %max3A_2040 : f32 to vector<16xf32>
      %max3A_2042 = arith.maximumf %sub3A_2039, %max3A_2041 : vector<16xf32>
      %add3A_2043 = arith.addf %add3A_2022, %max3A_2042 : vector<16xf32>
      %sub3A_2044 = arith.subf %add3A_2028, %get3A_1525 : vector<16xf32>
      %max3A_2045 = arith.constant 0.000000e+00 : f32
      %max3A_2046 = vector.broadcast %max3A_2045 : f32 to vector<16xf32>
      %max3A_2047 = arith.maximumf %sub3A_2044, %max3A_2046 : vector<16xf32>
      %add3A_2048 = arith.addf %add3A_2043, %max3A_2047 : vector<16xf32>
      %sub3A_2049 = arith.subf %get3A_1519, %add3A_2034 : vector<16xf32>
      %max3A_2050 = arith.constant 0.000000e+00 : f32
      %max3A_2051 = vector.broadcast %max3A_2050 : f32 to vector<16xf32>
      %max3A_2052 = arith.maximumf %sub3A_2049, %max3A_2051 : vector<16xf32>
      %add3A_2053 = arith.addf %add3A_2048, %max3A_2052 : vector<16xf32>
      %sub3A_2054 = arith.subf %add3A_2034, %get3A_1531 : vector<16xf32>
      %max3A_2055 = arith.constant 0.000000e+00 : f32
      %max3A_2056 = vector.broadcast %max3A_2055 : f32 to vector<16xf32>
      %max3A_2057 = arith.maximumf %sub3A_2054, %max3A_2056 : vector<16xf32>
      %add3A_2058 = arith.addf %add3A_2053, %max3A_2057 : vector<16xf32>
      %get3A_2059 = arith.constant 160 : index
      %get3A_2060 = tpu.vector_load %arg19[%get3A_2059] {strides = array<i32>} : memref<288xf32, #tpu.memory_space<vmem>>, vector<16xf32>,
      %mul3A_2061 = arith.constant 8.000000e+00 : f32
      %mul3A_2062 = vector.broadcast %mul3A_2061 : f32 to vector<16xf32>
      %mul3A_2063 = arith.mulf %get3A_2060, %mul3A_2062 : vector<16xf32>
      %add3A_2064 = arith.addf %mul3A_2063, %mul3A_1500 : vector<16xf32>
      %get3A_2065 = arith.constant 176 : index
      %get3A_2066 = tpu.vector_load %arg19[%get3A_2065] {strides = array<i32>} : memref<288xf32, #tpu.memory_space<vmem>>, vector<16xf32>,
      %mul3A_2067 = arith.constant 8.000000e+00 : f32
      %mul3A_2068 = vector.broadcast %mul3A_2067 : f32 to vector<16xf32>
      %mul3A_2069 = arith.mulf %get3A_2066, %mul3A_2068 : vector<16xf32>
      %add3A_2070 = arith.addf %mul3A_2069, %mul3A_1507 : vector<16xf32>
      %min3A_2071 = arith.minimumf %min3A_2035, %add3A_2064 : vector<16xf32>
      %max3A_2072 = arith.maximumf %max3A_2036, %add3A_2064 : vector<16xf32>
      %min3A_2073 = arith.minimumf %min3A_2037, %add3A_2070 : vector<16xf32>
      %max3A_2074 = arith.maximumf %max3A_2038, %add3A_2070 : vector<16xf32>
      %sub3A_2075 = arith.subf %get3A_1513, %add3A_2064 : vector<16xf32>
      %max3A_2076 = arith.constant 0.000000e+00 : f32
      %max3A_2077 = vector.broadcast %max3A_2076 : f32 to vector<16xf32>
      %max3A_2078 = arith.maximumf %sub3A_2075, %max3A_2077 : vector<16xf32>
      %add3A_2079 = arith.addf %add3A_2058, %max3A_2078 : vector<16xf32>
      %sub3A_2080 = arith.subf %add3A_2064, %get3A_1525 : vector<16xf32>
      %max3A_2081 = arith.constant 0.000000e+00 : f32
      %max3A_2082 = vector.broadcast %max3A_2081 : f32 to vector<16xf32>
      %max3A_2083 = arith.maximumf %sub3A_2080, %max3A_2082 : vector<16xf32>
      %add3A_2084 = arith.addf %add3A_2079, %max3A_2083 : vector<16xf32>
      %sub3A_2085 = arith.subf %get3A_1519, %add3A_2070 : vector<16xf32>
      %max3A_2086 = arith.constant 0.000000e+00 : f32
      %max3A_2087 = vector.broadcast %max3A_2086 : f32 to vector<16xf32>
      %max3A_2088 = arith.maximumf %sub3A_2085, %max3A_2087 : vector<16xf32>
      %add3A_2089 = arith.addf %add3A_2084, %max3A_2088 : vector<16xf32>
      %sub3A_2090 = arith.subf %add3A_2070, %get3A_1531 : vector<16xf32>
      %max3A_2091 = arith.constant 0.000000e+00 : f32
      %max3A_2092 = vector.broadcast %max3A_2091 : f32 to vector<16xf32>
      %max3A_2093 = arith.maximumf %sub3A_2090, %max3A_2092 : vector<16xf32>
      %add3A_2094 = arith.addf %add3A_2089, %max3A_2093 : vector<16xf32>
      %get3A_2095 = arith.constant 192 : index
      %get3A_2096 = tpu.vector_load %arg19[%get3A_2095] {strides = array<i32>} : memref<288xf32, #tpu.memory_space<vmem>>, vector<16xf32>,
      %mul3A_2097 = arith.constant 8.000000e+00 : f32
      %mul3A_2098 = vector.broadcast %mul3A_2097 : f32 to vector<16xf32>
      %mul3A_2099 = arith.mulf %get3A_2096, %mul3A_2098 : vector<16xf32>
      %add3A_2100 = arith.addf %mul3A_2099, %mul3A_1500 : vector<16xf32>
      %get3A_2101 = arith.constant 208 : index
      %get3A_2102 = tpu.vector_load %arg19[%get3A_2101] {strides = array<i32>} : memref<288xf32, #tpu.memory_space<vmem>>, vector<16xf32>,
      %mul3A_2103 = arith.constant 8.000000e+00 : f32
      %mul3A_2104 = vector.broadcast %mul3A_2103 : f32 to vector<16xf32>
      %mul3A_2105 = arith.mulf %get3A_2102, %mul3A_2104 : vector<16xf32>
      %add3A_2106 = arith.addf %mul3A_2105, %mul3A_1507 : vector<16xf32>
      %min3A_2107 = arith.minimumf %min3A_2071, %add3A_2100 : vector<16xf32>
      %max3A_2108 = arith.maximumf %max3A_2072, %add3A_2100 : vector<16xf32>
      %min3A_2109 = arith.minimumf %min3A_2073, %add3A_2106 : vector<16xf32>
      %max3A_2110 = arith.maximumf %max3A_2074, %add3A_2106 : vector<16xf32>
      %sub3A_2111 = arith.subf %get3A_1513, %add3A_2100 : vector<16xf32>
      %max3A_2112 = arith.constant 0.000000e+00 : f32
      %max3A_2113 = vector.broadcast %max3A_2112 : f32 to vector<16xf32>
      %max3A_2114 = arith.maximumf %sub3A_2111, %max3A_2113 : vector<16xf32>
      %add3A_2115 = arith.addf %add3A_2094, %max3A_2114 : vector<16xf32>
      %sub3A_2116 = arith.subf %add3A_2100, %get3A_1525 : vector<16xf32>
      %max3A_2117 = arith.constant 0.000000e+00 : f32
      %max3A_2118 = vector.broadcast %max3A_2117 : f32 to vector<16xf32>
      %max3A_2119 = arith.maximumf %sub3A_2116, %max3A_2118 : vector<16xf32>
      %add3A_2120 = arith.addf %add3A_2115, %max3A_2119 : vector<16xf32>
      %sub3A_2121 = arith.subf %get3A_1519, %add3A_2106 : vector<16xf32>
      %max3A_2122 = arith.constant 0.000000e+00 : f32
      %max3A_2123 = vector.broadcast %max3A_2122 : f32 to vector<16xf32>
      %max3A_2124 = arith.maximumf %sub3A_2121, %max3A_2123 : vector<16xf32>
      %add3A_2125 = arith.addf %add3A_2120, %max3A_2124 : vector<16xf32>
      %sub3A_2126 = arith.subf %add3A_2106, %get3A_1531 : vector<16xf32>
      %max3A_2127 = arith.constant 0.000000e+00 : f32
      %max3A_2128 = vector.broadcast %max3A_2127 : f32 to vector<16xf32>
      %max3A_2129 = arith.maximumf %sub3A_2126, %max3A_2128 : vector<16xf32>
      %add3A_2130 = arith.addf %add3A_2125, %max3A_2129 : vector<16xf32>
      %get3A_2131 = arith.constant 224 : index
      %get3A_2132 = tpu.vector_load %arg19[%get3A_2131] {strides = array<i32>} : memref<288xf32, #tpu.memory_space<vmem>>, vector<16xf32>,
      %mul3A_2133 = arith.constant 8.000000e+00 : f32
      %mul3A_2134 = vector.broadcast %mul3A_2133 : f32 to vector<16xf32>
      %mul3A_2135 = arith.mulf %get3A_2132, %mul3A_2134 : vector<16xf32>
      %add3A_2136 = arith.addf %mul3A_2135, %mul3A_1500 : vector<16xf32>
      %get3A_2137 = arith.constant 240 : index
      %get3A_2138 = tpu.vector_load %arg19[%get3A_2137] {strides = array<i32>} : memref<288xf32, #tpu.memory_space<vmem>>, vector<16xf32>,
      %mul3A_2139 = arith.constant 8.000000e+00 : f32
      %mul3A_2140 = vector.broadcast %mul3A_2139 : f32 to vector<16xf32>
      %mul3A_2141 = arith.mulf %get3A_2138, %mul3A_2140 : vector<16xf32>
      %add3A_2142 = arith.addf %mul3A_2141, %mul3A_1507 : vector<16xf32>
      %min3A_2143 = arith.minimumf %min3A_2107, %add3A_2136 : vector<16xf32>
      %max3A_2144 = arith.maximumf %max3A_2108, %add3A_2136 : vector<16xf32>
      %min3A_2145 = arith.minimumf %min3A_2109, %add3A_2142 : vector<16xf32>
      %max3A_2146 = arith.maximumf %max3A_2110, %add3A_2142 : vector<16xf32>
      %sub3A_2147 = arith.subf %get3A_1513, %add3A_2136 : vector<16xf32>
      %max3A_2148 = arith.constant 0.000000e+00 : f32
      %max3A_2149 = vector.broadcast %max3A_2148 : f32 to vector<16xf32>
      %max3A_2150 = arith.maximumf %sub3A_2147, %max3A_2149 : vector<16xf32>
      %add3A_2151 = arith.addf %add3A_2130, %max3A_2150 : vector<16xf32>
      %sub3A_2152 = arith.subf %add3A_2136, %get3A_1525 : vector<16xf32>
      %max3A_2153 = arith.constant 0.000000e+00 : f32
      %max3A_2154 = vector.broadcast %max3A_2153 : f32 to vector<16xf32>
      %max3A_2155 = arith.maximumf %sub3A_2152, %max3A_2154 : vector<16xf32>
      %add3A_2156 = arith.addf %add3A_2151, %max3A_2155 : vector<16xf32>
      %sub3A_2157 = arith.subf %get3A_1519, %add3A_2142 : vector<16xf32>
      %max3A_2158 = arith.constant 0.000000e+00 : f32
      %max3A_2159 = vector.broadcast %max3A_2158 : f32 to vector<16xf32>
      %max3A_2160 = arith.maximumf %sub3A_2157, %max3A_2159 : vector<16xf32>
      %add3A_2161 = arith.addf %add3A_2156, %max3A_2160 : vector<16xf32>
      %sub3A_2162 = arith.subf %add3A_2142, %get3A_1531 : vector<16xf32>
      %max3A_2163 = arith.constant 0.000000e+00 : f32
      %max3A_2164 = vector.broadcast %max3A_2163 : f32 to vector<16xf32>
      %max3A_2165 = arith.maximumf %sub3A_2162, %max3A_2164 : vector<16xf32>
      %add3A_2166 = arith.addf %add3A_2161, %max3A_2165 : vector<16xf32>
      %get3A_2167 = arith.constant 256 : index
      %get3A_2168 = tpu.vector_load %arg19[%get3A_2167] {strides = array<i32>} : memref<288xf32, #tpu.memory_space<vmem>>, vector<16xf32>,
      %mul3A_2169 = arith.constant 8.000000e+00 : f32
      %mul3A_2170 = vector.broadcast %mul3A_2169 : f32 to vector<16xf32>
      %mul3A_2171 = arith.mulf %get3A_2168, %mul3A_2170 : vector<16xf32>
      %add3A_2172 = arith.addf %mul3A_2171, %mul3A_1500 : vector<16xf32>
      %get3A_2173 = arith.constant 272 : index
      %get3A_2174 = tpu.vector_load %arg19[%get3A_2173] {strides = array<i32>} : memref<288xf32, #tpu.memory_space<vmem>>, vector<16xf32>,
      %mul3A_2175 = arith.constant 8.000000e+00 : f32
      %mul3A_2176 = vector.broadcast %mul3A_2175 : f32 to vector<16xf32>
      %mul3A_2177 = arith.mulf %get3A_2174, %mul3A_2176 : vector<16xf32>
      %add3A_2178 = arith.addf %mul3A_2177, %mul3A_1507 : vector<16xf32>
      %min3A_2179 = arith.minimumf %min3A_2143, %add3A_2172 : vector<16xf32>
      %max3A_2180 = arith.maximumf %max3A_2144, %add3A_2172 : vector<16xf32>
      %min3A_2181 = arith.minimumf %min3A_2145, %add3A_2178 : vector<16xf32>
      %max3A_2182 = arith.maximumf %max3A_2146, %add3A_2178 : vector<16xf32>
      %sub3A_2183 = arith.subf %get3A_1513, %add3A_2172 : vector<16xf32>
      %max3A_2184 = arith.constant 0.000000e+00 : f32
      %max3A_2185 = vector.broadcast %max3A_2184 : f32 to vector<16xf32>
      %max3A_2186 = arith.maximumf %sub3A_2183, %max3A_2185 : vector<16xf32>
      %add3A_2187 = arith.addf %add3A_2166, %max3A_2186 : vector<16xf32>
      %sub3A_2188 = arith.subf %add3A_2172, %get3A_1525 : vector<16xf32>
      %max3A_2189 = arith.constant 0.000000e+00 : f32
      %max3A_2190 = vector.broadcast %max3A_2189 : f32 to vector<16xf32>
      %max3A_2191 = arith.maximumf %sub3A_2188, %max3A_2190 : vector<16xf32>
      %add3A_2192 = arith.addf %add3A_2187, %max3A_2191 : vector<16xf32>
      %sub3A_2193 = arith.subf %get3A_1519, %add3A_2178 : vector<16xf32>
      %max3A_2194 = arith.constant 0.000000e+00 : f32
      %max3A_2195 = vector.broadcast %max3A_2194 : f32 to vector<16xf32>
      %max3A_2196 = arith.maximumf %sub3A_2193, %max3A_2195 : vector<16xf32>
      %add3A_2197 = arith.addf %add3A_2192, %max3A_2196 : vector<16xf32>
      %sub3A_2198 = arith.subf %add3A_2178, %get3A_1531 : vector<16xf32>
      %max3A_2199 = arith.constant 0.000000e+00 : f32
      %max3A_2200 = vector.broadcast %max3A_2199 : f32 to vector<16xf32>
      %max3A_2201 = arith.maximumf %sub3A_2198, %max3A_2200 : vector<16xf32>
      %add3A_2202 = arith.addf %add3A_2197, %max3A_2201 : vector<16xf32>
      %sub3A_2203 = arith.subf %min3A_2179, %get3A_1513 : vector<16xf32>
      %abs3A_2204 = math.absf %sub3A_2203 : vector<16xf32>
      %sub3A_2205 = arith.subf %min3A_2181, %get3A_1519 : vector<16xf32>
      %abs3A_2206 = math.absf %sub3A_2205 : vector<16xf32>
      %add3A_2207 = arith.addf %abs3A_2204, %abs3A_2206 : vector<16xf32>
      %sub3A_2208 = arith.subf %max3A_2180, %get3A_1525 : vector<16xf32>
      %abs3A_2209 = math.absf %sub3A_2208 : vector<16xf32>
      %add3A_2210 = arith.addf %add3A_2207, %abs3A_2209 : vector<16xf32>
      %sub3A_2211 = arith.subf %max3A_2182, %get3A_1531 : vector<16xf32>
      %abs3A_2212 = math.absf %sub3A_2211 : vector<16xf32>
      %add3A_2213 = arith.addf %add3A_2210, %abs3A_2212 : vector<16xf32>
      %jit3A_2214 = arith.constant 0.000000e+00 : f32
      %broadcast_in_dim3A_2215 = vector.broadcast %jit3A_2214 : f32 to vector<16xf32>
      %select_n3A_2216 = arith.select %not3A_1449, %add3A_2213, %broadcast_in_dim3A_2215 : vector<16xi1>, vector<16xf32>
      %reduce_sum3A_2217 = arith.constant true
      %reduce_sum3A_2218 = vector.broadcast %reduce_sum3A_2217 : i1 to vector<16xi1>
      %reduce_sum3A_2219 = tpu.scan <sum>, %select_n3A_2216 masked %reduce_sum3A_2218 : vector<16xf32>, vector<16xi1> -> vector<16xf32>
      %reduce_sum3A_2220 = vector.extract %reduce_sum3A_2219[15] : f32 from vector<16xf32>
      %div3A_2221 = arith.constant 9.000000e+00 : f32
      %div3A_2222 = vector.broadcast %div3A_2221 : f32 to vector<16xf32>
      %div3A_2223 = arith.divf %add3A_2202, %div3A_2222 : vector<16xf32>
      %jit3A_2224 = arith.constant 0.000000e+00 : f32
      %broadcast_in_dim3A_2225 = vector.broadcast %jit3A_2224 : f32 to vector<16xf32>
      %select_n3A_2226 = arith.select %not3A_1449, %div3A_2223, %broadcast_in_dim3A_2225 : vector<16xi1>, vector<16xf32>
      %reduce_sum3A_2227 = arith.constant true
      %reduce_sum3A_2228 = vector.broadcast %reduce_sum3A_2227 : i1 to vector<16xi1>
      %reduce_sum3A_2229 = tpu.scan <sum>, %select_n3A_2226 masked %reduce_sum3A_2228 : vector<16xf32>, vector<16xi1> -> vector<16xf32>
      %reduce_sum3A_2230 = vector.extract %reduce_sum3A_2229[15] : f32 from vector<16xf32>
      %eq3A_2231 = arith.constant 0 : i32
      %eq3A_2232 = vector.broadcast %eq3A_2231 : i32 to vector<16xi32>
      %eq3A_2233 = arith.cmpi eq, %iota3A, %eq3A_2232 : vector<16xi32>
      %jit3A_2234 = arith.constant 0.000000e+00 : f32
      %broadcast_in_dim3A_2235 = vector.broadcast %reduce_sum3A_1870 : f32 to vector<16xf32>
      %broadcast_in_dim3A_2236 = vector.broadcast %jit3A_2234 : f32 to vector<16xf32>
      %select_n3A_2237 = arith.select %eq3A_2233, %broadcast_in_dim3A_2235, %broadcast_in_dim3A_2236 : vector<16xi1>, vector<16xf32>
      %eq3A_2238 = arith.constant 1 : i32
      %eq3A_2239 = vector.broadcast %eq3A_2238 : i32 to vector<16xi32>
      %eq3A_2240 = arith.cmpi eq, %iota3A, %eq3A_2239 : vector<16xi32>
      %broadcast_in_dim3A_2241 = vector.broadcast %reduce_sum3A_1880 : f32 to vector<16xf32>
      %select_n3A_2242 = arith.select %eq3A_2240, %broadcast_in_dim3A_2241, %select_n3A_2237 : vector<16xi1>, vector<16xf32>
      %eq3A_2243 = arith.constant 2 : i32
      %eq3A_2244 = vector.broadcast %eq3A_2243 : i32 to vector<16xi32>
      %eq3A_2245 = arith.cmpi eq, %iota3A, %eq3A_2244 : vector<16xi32>
      %broadcast_in_dim3A_2246 = vector.broadcast %reduce_sum3A_2220 : f32 to vector<16xf32>
      %select_n3A_2247 = arith.select %eq3A_2245, %broadcast_in_dim3A_2246, %select_n3A_2242 : vector<16xi1>, vector<16xf32>
      %eq3A_2248 = arith.constant 3 : i32
      %eq3A_2249 = vector.broadcast %eq3A_2248 : i32 to vector<16xi32>
      %eq3A_2250 = arith.cmpi eq, %iota3A, %eq3A_2249 : vector<16xi32>
      %broadcast_in_dim3A_2251 = vector.broadcast %reduce_sum3A_2230 : f32 to vector<16xf32>
      %select_n3A_2252 = arith.select %eq3A_2250, %broadcast_in_dim3A_2251, %select_n3A_2247 : vector<16xi1>, vector<16xf32>
      %eq3A_2253 = arith.constant 4 : i32
      %eq3A_2254 = vector.broadcast %eq3A_2253 : i32 to vector<16xi32>
      %eq3A_2255 = arith.cmpi eq, %iota3A, %eq3A_2254 : vector<16xi32>
      %broadcast_in_dim3A_2256 = vector.broadcast %reduce_sum3A_1456 : f32 to vector<16xf32>
      %select_n3A_2257 = arith.select %eq3A_2255, %broadcast_in_dim3A_2256, %select_n3A_2252 : vector<16xi1>, vector<16xf32>
      %get3A_2258 = arith.constant 0 : index
      %get3A_2259 = tpu.vector_load %arg20[%get3A_2258] {strides = array<i32>} : memref<16xf32, #tpu.memory_space<vmem>>, vector<16xf32>,
      %swap3A_2260 = arith.constant 0 : index
      %swap3A_2261 = tpu.vector_load %arg21[%swap3A_2260] {strides = array<i32>} : memref<64xf32, #tpu.memory_space<vmem>>, vector<16xf32>,
      tpu.vector_store %arg21[%swap3A_2260], %get3A_2259 {strides = array<i32>} : memref<64xf32, #tpu.memory_space<vmem>>, vector<16xf32>,
      %swap3A_2262 = arith.constant 16 : index
      %swap3A_2263 = tpu.vector_load %arg21[%swap3A_2262] {strides = array<i32>} : memref<64xf32, #tpu.memory_space<vmem>>, vector<16xf32>,
      tpu.vector_store %arg21[%swap3A_2262], %select_n3A_1453 {strides = array<i32>} : memref<64xf32, #tpu.memory_space<vmem>>, vector<16xf32>,
      %swap3A_2264 = arith.constant 32 : index
      %swap3A_2265 = tpu.vector_load %arg21[%swap3A_2264] {strides = array<i32>} : memref<64xf32, #tpu.memory_space<vmem>>, vector<16xf32>,
      tpu.vector_store %arg21[%swap3A_2264], %select_n3A_2257 {strides = array<i32>} : memref<64xf32, #tpu.memory_space<vmem>>, vector<16xf32>,
      %broadcast_in_dim3A_2266 = arith.constant 0.000000e+00 : f32
      %broadcast_in_dim3A_2267 = vector.broadcast %broadcast_in_dim3A_2266 : f32 to vector<16xf32>
      %swap3A_2268 = arith.constant 48 : index
      %swap3A_2269 = tpu.vector_load %arg21[%swap3A_2268] {strides = array<i32>} : memref<64xf32, #tpu.memory_space<vmem>>, vector<16xf32>,
      tpu.vector_store %arg21[%swap3A_2268], %broadcast_in_dim3A_2267 {strides = array<i32>} : memref<64xf32, #tpu.memory_space<vmem>>, vector<16xf32>,
      %mul3A_2270 = arith.constant 16 : i32
      %mul3A_2271 = arith.muli %arg1, %mul3A_2270 : i32
      %add3A_2272 = arith.constant 0 : i32
      %add3A_2273 = arith.addi %add3A_2272, %mul3A_2271 : i32
      %dma_start3A_2274 = arith.constant 0 : i32
      %dma_start3A_2275 = tpu.memref_slice %arg21[%dma_start3A_2274] : memref<64xf32, #tpu.memory_space<vmem>> -> memref<16xf32, #tpu.memory_space<vmem>>
      %dma_start3A_2276 = tpu.memref_slice %arg7[%add3A_2273] : memref<256xf32, #tpu.memory_space<hbm>> -> memref<16xf32, #tpu.memory_space<hbm>>
      %dma_start3A_2277 = tpu.memref_slice %arg7[%add3A_2273] : memref<256xf32, #tpu.memory_space<hbm>> -> memref<16xf32, #tpu.memory_space<hbm>>
      %dma_start3A_2278 = arith.constant 0 : i32
      %dma_start3A_2279 = tpu.memref_slice %arg21[%dma_start3A_2278] : memref<64xf32, #tpu.memory_space<vmem>> -> memref<16xf32, #tpu.memory_space<vmem>>
      tpu.enqueue_dma source(%dma_start3A_2279 : memref<16xf32, #tpu.memory_space<vmem>>) target(%dma_start3A_2277 : memref<16xf32, #tpu.memory_space<hbm>>) target_semaphore(%arg24 : memref<!tpu.dma_semaphore, #tpu.memory_space<semaphore_mem>>)
      %mul3A_2280 = arith.constant 16 : i32
      %mul3A_2281 = arith.muli %arg1, %mul3A_2280 : i32
      %add3A_2282 = arith.constant 64 : i32
      %add3A_2283 = arith.addi %add3A_2282, %mul3A_2281 : i32
      %dma_start3A_2284 = arith.constant 16 : i32
      %dma_start3A_2285 = tpu.memref_slice %arg21[%dma_start3A_2284] : memref<64xf32, #tpu.memory_space<vmem>> -> memref<16xf32, #tpu.memory_space<vmem>>
      %dma_start3A_2286 = tpu.memref_slice %arg7[%add3A_2283] : memref<256xf32, #tpu.memory_space<hbm>> -> memref<16xf32, #tpu.memory_space<hbm>>
      %dma_start3A_2287 = tpu.memref_slice %arg7[%add3A_2283] : memref<256xf32, #tpu.memory_space<hbm>> -> memref<16xf32, #tpu.memory_space<hbm>>
      %dma_start3A_2288 = arith.constant 16 : i32
      %dma_start3A_2289 = tpu.memref_slice %arg21[%dma_start3A_2288] : memref<64xf32, #tpu.memory_space<vmem>> -> memref<16xf32, #tpu.memory_space<vmem>>
      tpu.enqueue_dma source(%dma_start3A_2289 : memref<16xf32, #tpu.memory_space<vmem>>) target(%dma_start3A_2287 : memref<16xf32, #tpu.memory_space<hbm>>) target_semaphore(%arg24 : memref<!tpu.dma_semaphore, #tpu.memory_space<semaphore_mem>>)
      %mul3A_2290 = arith.constant 16 : i32
      %mul3A_2291 = arith.muli %arg1, %mul3A_2290 : i32
      %add3A_2292 = arith.constant 128 : i32
      %add3A_2293 = arith.addi %add3A_2292, %mul3A_2291 : i32
      %dma_start3A_2294 = arith.constant 32 : i32
      %dma_start3A_2295 = tpu.memref_slice %arg21[%dma_start3A_2294] : memref<64xf32, #tpu.memory_space<vmem>> -> memref<16xf32, #tpu.memory_space<vmem>>
      %dma_start3A_2296 = tpu.memref_slice %arg7[%add3A_2293] : memref<256xf32, #tpu.memory_space<hbm>> -> memref<16xf32, #tpu.memory_space<hbm>>
      %dma_start3A_2297 = tpu.memref_slice %arg7[%add3A_2293] : memref<256xf32, #tpu.memory_space<hbm>> -> memref<16xf32, #tpu.memory_space<hbm>>
      %dma_start3A_2298 = arith.constant 32 : i32
      %dma_start3A_2299 = tpu.memref_slice %arg21[%dma_start3A_2298] : memref<64xf32, #tpu.memory_space<vmem>> -> memref<16xf32, #tpu.memory_space<vmem>>
      tpu.enqueue_dma source(%dma_start3A_2299 : memref<16xf32, #tpu.memory_space<vmem>>) target(%dma_start3A_2297 : memref<16xf32, #tpu.memory_space<hbm>>) target_semaphore(%arg24 : memref<!tpu.dma_semaphore, #tpu.memory_space<semaphore_mem>>)
      %mul3A_2300 = arith.constant 16 : i32
      %mul3A_2301 = arith.muli %arg1, %mul3A_2300 : i32
      %add3A_2302 = arith.constant 192 : i32
      %add3A_2303 = arith.addi %add3A_2302, %mul3A_2301 : i32
      %dma_start3A_2304 = arith.constant 48 : i32
      %dma_start3A_2305 = tpu.memref_slice %arg21[%dma_start3A_2304] : memref<64xf32, #tpu.memory_space<vmem>> -> memref<16xf32, #tpu.memory_space<vmem>>
      %dma_start3A_2306 = tpu.memref_slice %arg7[%add3A_2303] : memref<256xf32, #tpu.memory_space<hbm>> -> memref<16xf32, #tpu.memory_space<hbm>>
      %dma_start3A_2307 = tpu.memref_slice %arg7[%add3A_2303] : memref<256xf32, #tpu.memory_space<hbm>> -> memref<16xf32, #tpu.memory_space<hbm>>
      %dma_start3A_2308 = arith.constant 48 : i32
      %dma_start3A_2309 = tpu.memref_slice %arg21[%dma_start3A_2308] : memref<64xf32, #tpu.memory_space<vmem>> -> memref<16xf32, #tpu.memory_space<vmem>>
      tpu.enqueue_dma source(%dma_start3A_2309 : memref<16xf32, #tpu.memory_space<vmem>>) target(%dma_start3A_2307 : memref<16xf32, #tpu.memory_space<hbm>>) target_semaphore(%arg24 : memref<!tpu.dma_semaphore, #tpu.memory_space<semaphore_mem>>)
      %dma_wait3A_2310 = arith.constant 0 : i32
      %dma_wait3A_2311 = tpu.memref_slice %arg21[%dma_wait3A_2310] : memref<64xf32, #tpu.memory_space<vmem>> -> memref<16xf32, #tpu.memory_space<vmem>>
      %dma_wait3A_2312 = tpu.memref_slice %arg7[%add3A_2273] : memref<256xf32, #tpu.memory_space<hbm>> -> memref<16xf32, #tpu.memory_space<hbm>>
      %dma_wait3A_2313 = tpu.memref_slice %arg7[%add3A_2273] : memref<256xf32, #tpu.memory_space<hbm>> -> memref<16xf32, #tpu.memory_space<hbm>>
      %dma_wait3A_2314 = arith.constant 0 : i32
      %dma_wait3A_2315 = tpu.memref_slice %arg21[%dma_wait3A_2314] : memref<64xf32, #tpu.memory_space<vmem>> -> memref<16xf32, #tpu.memory_space<vmem>>
      tpu.wait_dma2 semaphore(%arg24 : memref<!tpu.dma_semaphore, #tpu.memory_space<semaphore_mem>>) src(%dma_wait3A_2315 : memref<16xf32, #tpu.memory_space<vmem>>) dst(%dma_wait3A_2313 : memref<16xf32, #tpu.memory_space<hbm>>)
      %dma_wait3A_2316 = arith.constant 16 : i32
      %dma_wait3A_2317 = tpu.memref_slice %arg21[%dma_wait3A_2316] : memref<64xf32, #tpu.memory_space<vmem>> -> memref<16xf32, #tpu.memory_space<vmem>>
      %dma_wait3A_2318 = tpu.memref_slice %arg7[%add3A_2283] : memref<256xf32, #tpu.memory_space<hbm>> -> memref<16xf32, #tpu.memory_space<hbm>>
      %dma_wait3A_2319 = tpu.memref_slice %arg7[%add3A_2283] : memref<256xf32, #tpu.memory_space<hbm>> -> memref<16xf32, #tpu.memory_space<hbm>>
      %dma_wait3A_2320 = arith.constant 16 : i32
      %dma_wait3A_2321 = tpu.memref_slice %arg21[%dma_wait3A_2320] : memref<64xf32, #tpu.memory_space<vmem>> -> memref<16xf32, #tpu.memory_space<vmem>>
      tpu.wait_dma2 semaphore(%arg24 : memref<!tpu.dma_semaphore, #tpu.memory_space<semaphore_mem>>) src(%dma_wait3A_2321 : memref<16xf32, #tpu.memory_space<vmem>>) dst(%dma_wait3A_2319 : memref<16xf32, #tpu.memory_space<hbm>>)
      %dma_wait3A_2322 = arith.constant 32 : i32
      %dma_wait3A_2323 = tpu.memref_slice %arg21[%dma_wait3A_2322] : memref<64xf32, #tpu.memory_space<vmem>> -> memref<16xf32, #tpu.memory_space<vmem>>
      %dma_wait3A_2324 = tpu.memref_slice %arg7[%add3A_2293] : memref<256xf32, #tpu.memory_space<hbm>> -> memref<16xf32, #tpu.memory_space<hbm>>
      %dma_wait3A_2325 = tpu.memref_slice %arg7[%add3A_2293] : memref<256xf32, #tpu.memory_space<hbm>> -> memref<16xf32, #tpu.memory_space<hbm>>
      %dma_wait3A_2326 = arith.constant 32 : i32
      %dma_wait3A_2327 = tpu.memref_slice %arg21[%dma_wait3A_2326] : memref<64xf32, #tpu.memory_space<vmem>> -> memref<16xf32, #tpu.memory_space<vmem>>
      tpu.wait_dma2 semaphore(%arg24 : memref<!tpu.dma_semaphore, #tpu.memory_space<semaphore_mem>>) src(%dma_wait3A_2327 : memref<16xf32, #tpu.memory_space<vmem>>) dst(%dma_wait3A_2325 : memref<16xf32, #tpu.memory_space<hbm>>)
      %dma_wait3A_2328 = arith.constant 48 : i32
      %dma_wait3A_2329 = tpu.memref_slice %arg21[%dma_wait3A_2328] : memref<64xf32, #tpu.memory_space<vmem>> -> memref<16xf32, #tpu.memory_space<vmem>>
      %dma_wait3A_2330 = tpu.memref_slice %arg7[%add3A_2303] : memref<256xf32, #tpu.memory_space<hbm>> -> memref<16xf32, #tpu.memory_space<hbm>>
      %dma_wait3A_2331 = tpu.memref_slice %arg7[%add3A_2303] : memref<256xf32, #tpu.memory_space<hbm>> -> memref<16xf32, #tpu.memory_space<hbm>>
      %dma_wait3A_2332 = arith.constant 48 : i32
      %dma_wait3A_2333 = tpu.memref_slice %arg21[%dma_wait3A_2332] : memref<64xf32, #tpu.memory_space<vmem>> -> memref<16xf32, #tpu.memory_space<vmem>>
      tpu.wait_dma2 semaphore(%arg24 : memref<!tpu.dma_semaphore, #tpu.memory_space<semaphore_mem>>) src(%dma_wait3A_2333 : memref<16xf32, #tpu.memory_space<vmem>>) dst(%dma_wait3A_2331 : memref<16xf32, #tpu.memory_space<hbm>>)
    } else {
    }
    return
  }
}

module attributes {stable_mosaic.version = 14 : i64} {
  func.func @_tc_body(%arg0: memref<2x15x128x128xf32, #tpu.memory_space<vmem>>, %arg1: memref<256xf32, #tpu.memory_space<vmem>>, %arg2: memref<1x1xf32, #tpu.memory_space<vmem>>) attributes {dimension_semantics = [], scalar_prefetch = 0 : i64, scratch_operands = 0 : i64, tpu.core_type = #tpu.core_type<tc>} {
    %get3A = arith.constant 0 : index
    %get3A_0 = arith.constant 0 : index
    %get3A_1 = arith.constant 0 : index
    %get3A_2 = arith.constant 0 : index
    %get3A_3 = vector.load %arg0[%get3A, %get3A_0, %get3A_1, %get3A_2] : memref<2x15x128x128xf32, #tpu.memory_space<vmem>>, vector<2x15x128x128xf32>
    %logistic3A = arith.negf %get3A_3 : vector<2x15x128x128xf32>
    %logistic3A_4 = math.exp %logistic3A : vector<2x15x128x128xf32>
    %logistic3A_5 = arith.constant 1.000000e+00 : f32
    %logistic3A_6 = vector.broadcast %logistic3A_5 : f32 to vector<2x15x128x128xf32>
    %logistic3A_7 = arith.addf %logistic3A_6, %logistic3A_4 : vector<2x15x128x128xf32>
    %logistic3A_8 = arith.divf %logistic3A_6, %logistic3A_7 : vector<2x15x128x128xf32>
    %mul3A = arith.mulf %logistic3A_8, %logistic3A_8 : vector<2x15x128x128xf32>
    %mul3A_9 = arith.constant -7.500000e-01 : f32
    %mul3A_10 = vector.broadcast %mul3A_9 : f32 to vector<2x15x128x128xf32>
    %mul3A_11 = arith.mulf %mul3A_10, %mul3A : vector<2x15x128x128xf32>
    %sub3A = arith.constant 1.000000e+00 : f32
    %sub3A_12 = vector.broadcast %sub3A : f32 to vector<2x15x128x128xf32>
    %sub3A_13 = arith.subf %sub3A_12, %logistic3A_8 : vector<2x15x128x128xf32>
    %add3A = arith.constant 9.99999993E-9 : f32
    %add3A_14 = vector.broadcast %add3A : f32 to vector<2x15x128x128xf32>
    %add3A_15 = arith.addf %sub3A_13, %add3A_14 : vector<2x15x128x128xf32>
    %log3A = math.log %add3A_15 : vector<2x15x128x128xf32>
    %mul3A_16 = arith.mulf %mul3A_11, %log3A : vector<2x15x128x128xf32>
    %reduce_sum3A = vector.shape_cast %mul3A_16 : vector<2x15x128x128xf32> to vector<1x2x15x128x128xf32>
    %reduce_sum3A_17 = arith.constant dense<0.000000e+00> : vector<1xf32>
    %reduce_sum3A_18 = vector.multi_reduction <add>, %reduce_sum3A, %reduce_sum3A_17 [1, 2, 3, 4] : vector<1x2x15x128x128xf32> to vector<1xf32>
    %reduce_sum3A_19 = vector.shape_cast %reduce_sum3A_18 : vector<1xf32> to vector<1x1x1x1x1xf32>
    %reduce_sum3A_20 = vector.extract %reduce_sum3A_19[0, 0, 0, 0, 0] : f32 from vector<1x1x1x1x1xf32>
    %get3A_21 = arith.constant 0 : index
    %get3A_22 = vector.load %arg1[%get3A_21] : memref<256xf32, #tpu.memory_space<vmem>>, vector<256xf32>
    %slice3A = vector.extract_strided_slice %get3A_22 {offsets = [0], sizes = [64], strides = [1]} : vector<256xf32> to vector<64xf32>
    %slice3A_23 = vector.extract_strided_slice %get3A_22 {offsets = [64], sizes = [64], strides = [1]} : vector<256xf32> to vector<64xf32>
    %slice3A_24 = vector.extract_strided_slice %get3A_22 {offsets = [128], sizes = [16], strides = [1]} : vector<256xf32> to vector<16xf32>
    %slice3A_25 = vector.extract_strided_slice %get3A_22 {offsets = [144], sizes = [16], strides = [1]} : vector<256xf32> to vector<16xf32>
    %add3A_26 = arith.addf %slice3A_24, %slice3A_25 : vector<16xf32>
    %slice3A_27 = vector.extract_strided_slice %get3A_22 {offsets = [160], sizes = [16], strides = [1]} : vector<256xf32> to vector<16xf32>
    %add3A_28 = arith.addf %add3A_26, %slice3A_27 : vector<16xf32>
    %slice3A_29 = vector.extract_strided_slice %get3A_22 {offsets = [176], sizes = [16], strides = [1]} : vector<256xf32> to vector<16xf32>
    %add3A_30 = arith.addf %add3A_28, %slice3A_29 : vector<16xf32>
    %logistic3A_31 = arith.negf %slice3A : vector<64xf32>
    %logistic3A_32 = math.exp %logistic3A_31 : vector<64xf32>
    %logistic3A_33 = arith.constant 1.000000e+00 : f32
    %logistic3A_34 = vector.broadcast %logistic3A_33 : f32 to vector<64xf32>
    %logistic3A_35 = arith.addf %logistic3A_34, %logistic3A_32 : vector<64xf32>
    %logistic3A_36 = arith.divf %logistic3A_34, %logistic3A_35 : vector<64xf32>
    %sub3A_37 = arith.constant 1.000000e+00 : f32
    %sub3A_38 = vector.broadcast %sub3A_37 : f32 to vector<64xf32>
    %sub3A_39 = arith.subf %sub3A_38, %logistic3A_36 : vector<64xf32>
    %mul3A_40 = arith.constant -2.500000e-01 : f32
    %mul3A_41 = vector.broadcast %mul3A_40 : f32 to vector<64xf32>
    %mul3A_42 = arith.mulf %mul3A_41, %sub3A_39 : vector<64xf32>
    %sub3A_43 = arith.constant 1.000000e+00 : f32
    %sub3A_44 = vector.broadcast %sub3A_43 : f32 to vector<64xf32>
    %sub3A_45 = arith.subf %sub3A_44, %logistic3A_36 : vector<64xf32>
    %mul3A_46 = arith.mulf %mul3A_42, %sub3A_45 : vector<64xf32>
    %add3A_47 = arith.constant 9.99999993E-9 : f32
    %add3A_48 = vector.broadcast %add3A_47 : f32 to vector<64xf32>
    %add3A_49 = arith.addf %logistic3A_36, %add3A_48 : vector<64xf32>
    %log3A_50 = math.log %add3A_49 : vector<64xf32>
    %mul3A_51 = arith.mulf %mul3A_46, %log3A_50 : vector<64xf32>
    %mul3A_52 = arith.constant 7.500000e-01 : f32
    %mul3A_53 = vector.broadcast %mul3A_52 : f32 to vector<64xf32>
    %mul3A_54 = arith.mulf %mul3A_53, %logistic3A_36 : vector<64xf32>
    %mul3A_55 = arith.mulf %mul3A_54, %logistic3A_36 : vector<64xf32>
    %sub3A_56 = arith.constant 1.000000e+00 : f32
    %sub3A_57 = vector.broadcast %sub3A_56 : f32 to vector<64xf32>
    %sub3A_58 = arith.subf %sub3A_57, %logistic3A_36 : vector<64xf32>
    %add3A_59 = arith.constant 9.99999993E-9 : f32
    %add3A_60 = vector.broadcast %add3A_59 : f32 to vector<64xf32>
    %add3A_61 = arith.addf %sub3A_58, %add3A_60 : vector<64xf32>
    %log3A_62 = math.log %add3A_61 : vector<64xf32>
    %mul3A_63 = arith.mulf %mul3A_55, %log3A_62 : vector<64xf32>
    %add3A_64 = arith.addf %mul3A_51, %mul3A_63 : vector<64xf32>
    %mul3A_65 = arith.mulf %slice3A_23, %add3A_64 : vector<64xf32>
    %slice3A_66 = vector.extract_strided_slice %add3A_30 {offsets = [4], sizes = [1], strides = [1]} : vector<16xf32> to vector<1xf32>
    %squeeze3A = vector.extract %slice3A_66[0] : f32 from vector<1xf32>
    %max3A = arith.constant 1.000000e+00 : f32
    %max3A_67 = arith.maximumf %squeeze3A, %max3A : f32
    %reduce_sum3A_68 = vector.shape_cast %mul3A_65 : vector<64xf32> to vector<1x64xf32>
    %reduce_sum3A_69 = arith.constant dense<0.000000e+00> : vector<1xf32>
    %reduce_sum3A_70 = vector.multi_reduction <add>, %reduce_sum3A_68, %reduce_sum3A_69 [1] : vector<1x64xf32> to vector<1xf32>
    %reduce_sum3A_71 = vector.shape_cast %reduce_sum3A_70 : vector<1xf32> to vector<1x1xf32>
    %reduce_sum3A_72 = vector.extract %reduce_sum3A_71[0, 0] : f32 from vector<1x1xf32>
    %add3A_73 = arith.addf %reduce_sum3A_20, %reduce_sum3A_72 : f32
    %div3A = arith.divf %add3A_73, %max3A_67 : f32
    %slice3A_74 = vector.extract_strided_slice %add3A_30 {offsets = [0], sizes = [1], strides = [1]} : vector<16xf32> to vector<1xf32>
    %squeeze3A_75 = vector.extract %slice3A_74[0] : f32 from vector<1xf32>
    %div3A_76 = arith.divf %squeeze3A_75, %max3A_67 : f32
    %mul3A_77 = arith.constant 3.000000e-01 : f32
    %mul3A_78 = arith.mulf %mul3A_77, %div3A_76 : f32
    %add3A_79 = arith.addf %div3A, %mul3A_78 : f32
    %slice3A_80 = vector.extract_strided_slice %add3A_30 {offsets = [1], sizes = [1], strides = [1]} : vector<16xf32> to vector<1xf32>
    %squeeze3A_81 = vector.extract %slice3A_80[0] : f32 from vector<1xf32>
    %div3A_82 = arith.divf %squeeze3A_81, %max3A_67 : f32
    %mul3A_83 = arith.constant 5.000000e-02 : f32
    %mul3A_84 = arith.mulf %mul3A_83, %div3A_82 : f32
    %add3A_85 = arith.addf %add3A_79, %mul3A_84 : f32
    %slice3A_86 = vector.extract_strided_slice %add3A_30 {offsets = [2], sizes = [1], strides = [1]} : vector<16xf32> to vector<1xf32>
    %squeeze3A_87 = vector.extract %slice3A_86[0] : f32 from vector<1xf32>
    %div3A_88 = arith.divf %squeeze3A_87, %max3A_67 : f32
    %mul3A_89 = arith.constant 1.000000e+00 : f32
    %mul3A_90 = arith.mulf %mul3A_89, %div3A_88 : f32
    %add3A_91 = arith.addf %add3A_85, %mul3A_90 : f32
    %slice3A_92 = vector.extract_strided_slice %add3A_30 {offsets = [3], sizes = [1], strides = [1]} : vector<16xf32> to vector<1xf32>
    %squeeze3A_93 = vector.extract %slice3A_92[0] : f32 from vector<1xf32>
    %div3A_94 = arith.divf %squeeze3A_93, %max3A_67 : f32
    %mul3A_95 = arith.constant 1.000000e-01 : f32
    %mul3A_96 = arith.mulf %mul3A_95, %div3A_94 : f32
    %add3A_97 = arith.addf %add3A_91, %mul3A_96 : f32
    %reshape3A = vector.broadcast %add3A_97 : f32 to vector<1x1xf32>
    %swap3A = arith.constant 0 : index
    %swap3A_98 = arith.constant 0 : index
    %swap3A_99 = vector.load %arg2[%swap3A, %swap3A_98] : memref<1x1xf32, #tpu.memory_space<vmem>>, vector<1x1xf32>
    tpu.vector_store %arg2[%swap3A, %swap3A_98], %reshape3A {strides = array<i32>} : memref<1x1xf32, #tpu.memory_space<vmem>>, vector<1x1xf32>,
    return
  }
}

</mosaic_0001>

<sc_bundles>
// kernel: kernel.4.cloned.1.call-start
scs
__scs_entry_jumppad:
0x0: {  	(pc) =	sbr.rel $0x88, $3  }
0x1: {  	(tag) =	ssettag $0x0;
	lr =	simm.s32 $0x1  }
0x2: {  	[smem:$0x3F9C] =	sst lr;
	_ =	strace $0xD0000000  }
0x3: {  	_ = 	snop  }
0x4: {  	_ = 	snop  }
0x5: {  	_ = 	snop  }
0x6: {  	_ = 	snop  }
0x7: {  	_ = 	snop  }
__scs_overlays_trampoline_lowered:
0x8: {  	[smem:$0x3FAB] =	sst s0  }
0x9: {  	[smem:$0x3FAC] =	sst s1  }
0xa: {  	[smem:$0x3FAD] =	sst s2  }
0xb: {  	[smem:$0x3FAE] =	sst s3  }
0xc: {  	[smem:$0x3FAF] =	sst s4  }
0xd: {  	[smem:$0x3FB0] =	sst s5  }
0xe: {  	[smem:$0x3FB1] =	sst s6  }
0xf: {  	[smem:$0x3FB2] =	sst s7  }
0x10: {  	[smem:$0x3FB3] =	sst s8  }
0x11: {  	[smem:$0x3FB4] =	sst s9;
	s0 =	simm.s32 @!p0 $0x0  }
0x12: {  	s1 =	sld [smem:$0x3F9A];
	s0 =	simm.s32 @p0 $0x1  }
0x13: {  	[smem:$0x3FB5] =	sst s0;
	s0 =	simm.s32 @!p1 $0x0  }
0x14: {  	s2 =	sld [smem:$0x3F99];
	s0 =	simm.s32 @p1 $0x1  }
0x15: {  	[smem:$0x3FB6] =	sst s0;
	s0 =	simm.s32 @!p2 $0x0  }
0x16: {  	s3 =	sld [smem:$0x3FDB];
	s0 =	simm.s32 @p2 $0x1  }
0x17: {  	s4 =	simm.s32 $0x1BF5;
	[smem:$0x3FB8] =	sst s0  }
0x18: {  	s0 =	sld [smem:$0x3F9B];
	_ =	swait.ge [sflag:s4], $0x0  }
0x19: {  	s7 =	sld [smem:$0x3F9C]  }
0x1a: {  	s8 =	sadd.s32 $0xFFFFE003, lr  }
0x1b: {  	s9 =	sadd.s32 $0xFFFFFEF7, lr;
	s5 =	simm.s32 $0xFFFFFFFF;
	p2 =	slt.u32 s8, $0xFFFFF086  }
0x1c: {  	p1 =	slt.u32 s9, $0xF7A;
	s5 =	simm.s32 @!p2 $0x0  }
0x1d: {  	s5 =	simm.s32 @p1 $0x1;
	p0 =	seq.s32 s7, s2  }
0x1e: {  	s7 =	smul.u32 @!p0 $0xF7A, s2;
	p2 =	seq.s32 @!p0 s5, $0x0  }
0x1f: {  	s9 =	smul.u32 $0xF7A, s1;
	s8 =	simm.s32 @!p0 $0x1BF5;
	p2 =	por !p2, p0  }
0x20: {  	[sflag:s8] =	ssyncset.s32 @!p0 $0xFFFFF086;
	s6 =	sadd.s32 @!p0 s3, s7;
	s7 =	simm.s32 @!p0 $0x108  }
0x21: {  	s3 =	sadd.s32 s3, s9;
	s6 =	sadd.s32 @!p0 $0x88, s6;
	s7 =	simm.s32 @p2 $0x1082  }
0x22: {  	[simem:s7], [sflag:s8] =	dma.local @!p0 [hbm:s6], $0xF7A  }
0x23: {  	s9 =	sor.u32 $0xD0000000, s2;
	s6 =	simm.s32 $0x108;
	_ =	swait.ge @!p0 [sflag:s8], $0x0  }
0x24: {  	s3 =	sadd.s32 $0x88, s3;
	s6 =	simm.s32 @!p1 $0x1082;
	[sflag:s4] =	ssyncset.s32 $0xFFFFF086  }
0x25: {  	[simem:s6], [sflag:s4] =	dma.local [hbm:s3], $0xF7A  }
0x26: {  	[smem:$0x3F9C] =	sst s1;
	(tag) =	ssettag s2;
	_ =	strace s9  }
0x27: {  	s1 =	sld [smem:$0x3FAC]  }
0x28: {  	s2 =	sld [smem:$0x3FAD]  }
0x29: {  	s4 =	sld [smem:$0x3FAF]  }
0x2a: {  	p0 =	seq.s32 s5, $0x0;
	s5 =	sld [smem:$0x3FB0]  }
0x2b: {  	s6 =	sld [smem:$0x3FB1]  }
0x2c: {  	s7 =	sld [smem:$0x3FB2]  }
0x2d: {  	s3 =	simm.s32 $0x108;
	s8 =	sld [smem:$0x3FB3]  }
0x2e: {  	s3 =	simm.s32 @!p0 $0x1082;
	s9 =	sld [smem:$0x3FB4]  }
0x2f: {  	lr =	sadd.s32 s0, s3;
	s0 =	sld [smem:$0x3FAB]  }
0x30: {  	s3 =	sld [smem:$0x3FAE]  }
0x31: {  	[smem:$0x3FB7] =	sst s10  }
0x32: {  	s10 =	sld [smem:$0x3FB5];
	_ =	sdelay $0x3  }
0x33: {  	p0 =	seq.s32 s10, $0x1;
	s10 =	sld [smem:$0x3FB7];
	_ =	sdelay $0x3  }
0x34: {  	[smem:$0x3FB7] =	sst s10  }
0x35: {  	s10 =	sld [smem:$0x3FB6];
	_ =	sdelay $0x3  }
0x36: {  	p1 =	seq.s32 s10, $0x1;
	s10 =	sld [smem:$0x3FB7];
	_ =	sdelay $0x3  }
0x37: {  	[smem:$0x3FB7] =	sst s10  }
0x38: {  	s10 =	sld [smem:$0x3FB8]  }
0x39: {  	_ = 	snop;
	(pc) =	sbr.ind lr, $3  }
0x3a: {  	_ = 	snop  }
0x3b: {  	_ = 	snop  }
0x3c: {  	p2 =	seq.s32 s10, $0x1;
	s10 =	sld [smem:$0x3FB7]  }
0x3d: {  	_ =	shalt  }
0x3e: {  	_ =	shalt  }
0x3f: {  	_ =	shalt  }
0x40: {  	_ =	shalt  }
0x41: {  	_ =	shalt  }
0x42: {  	_ =	shalt  }
0x43: {  	_ =	shalt  }
0x44: {  	_ =	shalt  }
0x45: {  	_ =	shalt  }
0x46: {  	_ =	shalt  }
0x47: {  	_ =	shalt  }
0x48: {  	_ =	shalt  }
0x49: {  	_ =	shalt  }
0x4a: {  	_ =	shalt  }
0x4b: {  	_ =	shalt  }
0x4c: {  	_ =	shalt  }
0x4d: {  	_ =	shalt  }
0x4e: {  	_ =	shalt  }
0x4f: {  	_ =	shalt  }
0x50: {  	_ =	shalt  }
0x51: {  	_ =	shalt  }
0x52: {  	_ =	shalt  }
0x53: {  	_ =	shalt  }
0x54: {  	_ =	shalt  }
0x55: {  	_ =	shalt  }
0x56: {  	_ =	shalt  }
0x57: {  	_ =	shalt  }
0x58: {  	_ =	shalt  }
0x59: {  	_ =	shalt  }
0x5a: {  	_ =	shalt  }
0x5b: {  	_ =	shalt  }
0x5c: {  	_ =	shalt  }
0x5d: {  	_ =	shalt  }
0x5e: {  	_ =	shalt  }
0x5f: {  	_ =	shalt  }
0x60: {  	_ =	shalt  }
0x61: {  	_ =	shalt  }
0x62: {  	_ =	shalt  }
0x63: {  	_ =	shalt  }
0x64: {  	_ =	shalt  }
0x65: {  	_ =	shalt  }
0x66: {  	_ =	shalt  }
0x67: {  	_ =	shalt  }
0x68: {  	_ =	shalt  }
0x69: {  	_ =	shalt  }
0x6a: {  	_ =	shalt  }
0x6b: {  	_ =	shalt  }
0x6c: {  	_ =	shalt  }
0x6d: {  	_ =	shalt  }
0x6e: {  	_ =	shalt  }
0x6f: {  	_ =	shalt  }
0x70: {  	_ =	shalt  }
0x71: {  	_ =	shalt  }
0x72: {  	_ =	shalt  }
0x73: {  	_ =	shalt  }
0x74: {  	_ =	shalt  }
0x75: {  	_ =	shalt  }
0x76: {  	_ =	shalt  }
0x77: {  	_ =	shalt  }
0x78: {  	_ =	shalt  }
0x79: {  	_ =	shalt  }
0x7a: {  	_ =	shalt  }
0x7b: {  	_ =	shalt  }
0x7c: {  	_ =	shalt  }
0x7d: {  	_ =	shalt  }
0x7e: {  	_ =	shalt  }
0x7f: {  	_ =	shalt  }
0x80: {  	_ =	shalt  }
0x81: {  	_ =	shalt  }
0x82: {  	_ =	shalt  }
0x83: {  	_ =	shalt  }
0x84: {  	_ =	shalt  }
0x85: {  	_ =	shalt  }
0x86: {  	_ =	shalt  }
0x87: {  	_ =	shalt  }
.Lfunc_end0:
.L_simem_size_0:
called_computation_lowered:
.L_overlay_start_0:
0x88: {  	s0 =	sld [smem:$0x3FD9]  }
0x89: {  	s1 =	sld [smem:$0x3FFE];
	_ =	sdelay $0x3  }
0x8a: {  	s0 =	sadd.s32 s1, s0  }
0x8b: {  	[smem:$0x3FC3] =	sst s0  }
0x8c: {  	_ = 	snop  }
0x8d: {  	s0 =	sld [smem:$0x3FC9]  }
0x8e: {  	s16 =	sld [smem:$0x3FC8]  }
0x8f: {  	s2 =	sld [smem:$0x3FC7]  }
0x90: {  	s3 =	sld [smem:$0x3FC5];
	(tm) =	ssettm $0x1  }
0x91: {  	s4 =	sld [smem:$0x3FFB];
	_ =	sdelay $0x3  }
0x92: {  	_ =	strace s4  }
0x93: {  	s4 =	sld [smem:$0x3FFC];
	_ =	sdelay $0x3  }
0x94: {  	_ =	strace s4  }
0x95: {  	s4 =	sld [smem:$0x3FFD];
	_ =	sdelay $0x3  }
0x96: {  	_ =	strace s4  }
0x97: {  	_ =	strace $0x8FFFFFFF  }
0x98: {  	s17 =	sld [smem:$0x3FDB];
	_ =	sdelay $0x1  }
0x99: {  	s5 =	simm.s32 $_scs_section_size  }
0x9a: {  	s6 =	simm.s32 $_size__tile_overlayer_lowered;
	s7 =	simm.s32 $_tile_overlayer_lowered  }
0x9b: {  	s20 =	simm.s32 $0x1BFF;
	s19 =	sshll.u32 s7, $0x1;
	s4 =	sadd.s32 s5, s17  }
0x9c: {  	s8 =	simm.s32 $0x0;
	s18 =	sshll.u32 s6, $0x1;
	s6 =	sadd.s32 s19, s4  }
0x9d: {  	[timem:s8], [sflag:s20] =	dma.local [hbm:s6], s18  }
0x9e: {  	_ =	swait.ge [sflag:s20], s18  }
0x9f: {  	s5 =	ssub.s32 $0x0, s18;
	[sflag:s20] =	ssyncset.done $0x0  }
0xa0: {  	[sflag:s20] =	ssyncadd.s32 s5;
	_ =	sdelay $0x1  }
0xa1: {  	s21 =	simm.s32 $0x1B8B  }
0xa2: {  	_ =	swait.ge [sflag:s21], $0x1  }
0xa3: {  	[sflag:s21] =	ssyncset.done $0x0  }
0xa4: {  	s23 =	simm.s32 $0x1B8E;
	s22 =	sld [smem:$0x3FFE];
	[sflag:s21] =	ssyncadd.s32 $0xFFFFFFFF  }
0xa5: {  	s24 =	simm.s32 $execute0_lowered;
	[smem:$0x3FD2] =	sst s23  }
0xa6: {  	s6 =	sshll.u32 s24, $0x1;
	_ =	strace $0x80000046;
	[dreg:$0x1] =	wrdreg $0xFFFFFFFF  }
0xa7: {  	s25 =	simm.s32 $_size_execute0_lowered;
	s4 =	sadd.s32 s4, s6;
	[dreg:$0x0] =	wrdreg $0x0  }
0xa8: {  	s6 =	sshll.u32 s25, $0x1;
	[dreg:$0x2] =	wrdreg s4  }
0xa9: {  	[dreg:$0x3] =	wrdreg s6  }
0xaa: {  	[dreg:$0x4] =	wrdreg $0xC0  }
0xab: {  	_ =	task [dreg:s8], $0x5FFFF  }
0xac: {  	[dreg:$0x1] =	wrdreg $0xFFFFFFFF  }
0xad: {  	[dreg:$0x0] =	wrdreg $0x60  }
0xae: {  	[dreg:$0x2] =	wrdreg s22  }
0xaf: {  	[dreg:$0x3] =	wrdreg s3  }
0xb0: {  	[dreg:$0x4] =	wrdreg s2  }
0xb1: {  	[dreg:$0x5] =	wrdreg s0  }
0xb2: {  	[dreg:$0x6] =	wrdreg s16  }
0xb3: {  	[dreg:$0x7] =	wrdreg $0x5000  }
0xb4: {  	[dreg:$0x8] =	wrdreg $0x9  }
0xb5: {  	_ =	task.clear_ibuf [dreg:s8], $0x9FFFF;
	_ =	strace $0x90000046  }
0xb6: {  	s26 =	simm.s32 $0x9;
	_ =	strace $0x80000048  }
0xb7: {  	_ =	swait.ge [sflag:s26], $0x1  }
0xb8: {  	[sflag:s26] =	ssyncadd.s32 $0xFFFFFFFF  }
0xb9: {  	_ =	strace $0x90000048  }
0xba: {  	_ =	sfence  }
0xbb: {  	s28 =	sld [smem:$0x0];
	_ =	sdelay $0x1  }
0xbc: {  	s29 =	srdreg.scid  }
0xbd: {  	s30 =	sshll.u32 s29, $0xD;
	s31 =	sshrl.u32 s29, $0x2  }
0xbe: {  	s1 =	sand.u32 $0x1, s29;
	s2 =	sand.u32 $0x4000, s30;
	s0 =	sadd.s32 s31, s28  }
0xbf: {  	s1 =	sor.u32 s2, s1;
	s0 =	sshll.u32 s0, $0x11  }
0xc0: {  	s0 =	sor.u32 s0, s1  }
0xc1: {  	s0 =	sadd.s32 $0x8F2B, s0  }
0xc2: {  	[sflag:s0] =	ssyncadd.remote.s32 $0x1  }
0xc3: {  	_ =	sfence.sel $0xFFFF  }
0xc4: {  	[dreg:$0x0] =	wrdreg $0xFFFFFFFF;
	(pc) =	sbr.abs _section_cstart, $3  }
0xc5: {  	[dreg:$0x1] =	wrdreg $0xFFFFFFFF  }
0xc6: {  	_ =	task.clear_ibuf [dreg:s8], $0x2FFFF;
	_ =	strace $0x9FFFFFFF  }
0xc7: {  	(tm) =	ssettm $0x7FFFFFFF  }
tec
execute0_lowered:
.L_overlay_start_1:
0x0: {  	(tag) =	ssettag $0x1  }
0x1: {  	s2 =	rddreg [dreg:$0x0]  }
0x2: {  	s1 =	rddreg [dreg:$0x1]  }
0x3: {  	s3 =	rddreg [dreg:$0x2]  }
0x4: {  	s6 =	rddreg [dreg:$0x3]  }
0x5: {  	s5 =	rddreg [dreg:$0x4]  }
0x6: {  	s7 =	rddreg [dreg:$0x5];
	s4 =	simm.s32 $0x0  }
0x7: {  	[smem:$0x7FF] =	sst s4  }
0x8: {  	s0 =	rddreg [dreg:$0x6];
	v0 =	vimm.f32 $9.000000000e+00;
	_ =	strace $0x80000047  }
0x9: {  	(erf) = vrcp.f32 v0;
	_ =	sdelay $0x5  }
0xa: {  	v1 =	vlaneseq.u32;
	s8 =	sadd.s32 $0x800, s2  }
0xb: {  	v2 =	vmul.u32 $0x8, v1;
	[tilespmem:s4], [sflag:$0x1] =	stream.linear.gather [hbm4b:s8+s4], $0x200, $0x38;
	[tilespmem:$0xE20] =	vst v63  }
0xc: {  	s24 =	simm.s32 $0x200;
	s25 =	simm.s32 $0x1  }
0xd: {  	v3 =	vor.u32 $0x1, v2;
	[tilespmem:s24], [sflag:$0x2] =	stream.linear.gather [hbm4b:s1+s4], $0x80, $0x38;
	v0 =	vpop (erf);
	[tilespmem:$0xE20] =	vst v63  }
0xe: {  	v4 =	vor.u32 $0x2, v2;
	_ =	swait.ge [sflag:s25], $0x200  }
0xf: {  	v5 =	vor.u32 $0x3, v2;
	[sflag:s25] =	ssyncset.done $0x0  }
0x10: {  	v6 =	vor.u32 $0x4, v2;
	[sflag:s25] =	ssyncadd.s32 $0xFFFFFE00  }
0x11: {  	v8 =	vor.u32 $0x6, v2;
	v7 =	vld.idx.msk [tilespmem:v2+s4+$0x0], $0xffff  }
0x12: {  	v9 =	vor.u32 $0x5, v2;
	v3 =	vld.idx.msk [tilespmem:v3+s4+$0x0], $0xffff  }
0x13: {  	v10 =	vor.u32 $0x7, v2;
	v4 =	vld.idx.msk [tilespmem:v4+s4+$0x0], $0xffff  }
0x14: {  	v5 =	vld.idx.msk [tilespmem:v5+s4+$0x0], $0xffff  }
0x15: {  	v6 =	vld.idx.msk [tilespmem:v6+s4+$0x0], $0xffff  }
0x16: {  	v8 =	vld.idx.msk [tilespmem:v8+s4+$0x0], $0xffff  }
0x17: {  	v9 =	vld.idx.msk [tilespmem:v9+s4+$0x0], $0xffff  }
0x18: {  	v10 =	vld.idx.msk [tilespmem:v10+s4+$0x0], $0xffff;
	_ =	sdelay $0x2  }
0x19: {  	v11 =	vmin.f32 v7, v4  }
0x1a: {  	v12 =	vmin.f32 v6, v8;
	v4 =	vmax.f32 v7, v4;
	v6 =	vmax.f32 v6, v8  }
0x1b: {  	v18 =	vmin.f32 v3, v5;
	v19 =	vmin.f32 v9, v10;
	v3 =	vmax.f32 v3, v5  }
0x1c: {  	v20 =	vmax.f32 v9, v10;
	v17 =	vmin.f32 v11, v12;
	v4 =	vmax.f32 v4, v6  }
0x1d: {  	v6 =	vmin.f32 v18, v19;
	v3 =	vmax.f32 v3, v20;
	v21 =	vsub.f32 v4, v17  }
0x1e: {  	v8 =	vsub.f32 v3, v6  }
0x1f: {  	v5 =	vmax.f32 v21, $9.999999970e-07  }
0x20: {  	v22 =	vmax.f32 v8, $9.999999970e-07;
	(erf) = vrcp.f32 v5  }
0x21: {  	(erf) = vrcp.f32 v22;
	_ =	sdelay $0x2  }
0x22: {  	v24 =	vadd.f32 v3, v6;
	[tilespmem:$0x380] =	vst v17  }
0x23: {  	v23 =	vadd.f32 v4, v17;
	[tilespmem:$0x3C0] =	vst v6  }
0x24: {  	[tilespmem:$0x400] =	vst v4;
	v8 =	vmul.f32 $5.000000000e-01, v24  }
0x25: {  	v27 =	vor.u32 $0x80, v2;
	[tilespmem:$0x440] =	vst v3;
	v5 =	vmul.f32 $5.000000000e-01, v23  }
0x26: {  	v28 =	vor.u32 $0x81, v2;
	[tilespmem:$0x2C0] =	vst v8  }
0x27: {  	v29 =	vor.u32 $0x82, v2;
	[tilespmem:$0x280] =	vst v5;
	v25 =	vpop (erf)  }
0x28: {  	v30 =	vor.u32 $0x83, v2;
	v26 =	vpop (erf);
	[tilespmem:$0x300] =	vst v25  }
0x29: {  	v3 =	vor.u32 $0x84, v2;
	[tilespmem:$0x340] =	vst v26  }
0x2a: {  	v31 =	vor.u32 $0x86, v2;
	v5 =	vld.idx.msk [tilespmem:v27+s4+$0x0], $0xffff  }
0x2b: {  	v32 =	vor.u32 $0x85, v2;
	v7 =	vld.idx.msk [tilespmem:v28+s4+$0x0], $0xffff  }
0x2c: {  	v33 =	vor.u32 $0x87, v2;
	v6 =	vld.idx.msk [tilespmem:v29+s4+$0x0], $0xffff  }
0x2d: {  	v4 =	vld.idx.msk [tilespmem:v30+s4+$0x0], $0xffff  }
0x2e: {  	v3 =	vld.idx.msk [tilespmem:v3+s4+$0x0], $0xffff  }
0x2f: {  	v8 =	vld.idx.msk [tilespmem:v31+s4+$0x0], $0xffff  }
0x30: {  	v9 =	vld.idx.msk [tilespmem:v32+s4+$0x0], $0xffff  }
0x31: {  	v10 =	vld.idx.msk [tilespmem:v33+s4+$0x0], $0xffff;
	_ =	sdelay $0x2  }
0x32: {  	v34 =	vmin.f32 v5, v6  }
0x33: {  	v35 =	vmin.f32 v3, v8;
	v5 =	vmax.f32 v5, v6;
	v3 =	vmax.f32 v3, v8  }
0x34: {  	v37 =	vmin.f32 v7, v4;
	v38 =	vmin.f32 v9, v10;
	v4 =	vmax.f32 v7, v4  }
0x35: {  	v39 =	vmax.f32 v9, v10;
	v36 =	vmin.f32 v34, v35;
	v3 =	vmax.f32 v5, v3  }
0x36: {  	v5 =	vmin.f32 v37, v38;
	v4 =	vmax.f32 v4, v39;
	v40 =	vsub.f32 v3, v36  }
0x37: {  	v8 =	vsub.f32 v4, v5  }
0x38: {  	v7 =	vmax.f32 v40, $9.999999970e-07  }
0x39: {  	v41 =	vmax.f32 v8, $9.999999970e-07;
	(erf) = vrcp.f32 v7  }
0x3a: {  	(erf) = vrcp.f32 v41;
	_ =	sdelay $0x2  }
0x3b: {  	v43 =	vadd.f32 v4, v5;
	[tilespmem:$0x390] =	vst v36  }
0x3c: {  	v42 =	vadd.f32 v3, v36;
	[tilespmem:$0x3D0] =	vst v5  }
0x3d: {  	[tilespmem:$0x410] =	vst v3;
	v8 =	vmul.f32 $5.000000000e-01, v43  }
0x3e: {  	v46 =	vor.u32 $0x100, v2;
	[tilespmem:$0x450] =	vst v4;
	v7 =	vmul.f32 $5.000000000e-01, v42  }
0x3f: {  	v47 =	vor.u32 $0x101, v2;
	[tilespmem:$0x2D0] =	vst v8  }
0x40: {  	v48 =	vor.u32 $0x102, v2;
	[tilespmem:$0x290] =	vst v7;
	v44 =	vpop (erf)  }
0x41: {  	v3 =	vor.u32 $0x103, v2;
	v45 =	vpop (erf);
	[tilespmem:$0x310] =	vst v44  }
0x42: {  	v49 =	vor.u32 $0x104, v2;
	[tilespmem:$0x350] =	vst v45  }
0x43: {  	v50 =	vor.u32 $0x106, v2;
	v7 =	vld.idx.msk [tilespmem:v46+s4+$0x0], $0xffff  }
0x44: {  	v51 =	vor.u32 $0x105, v2;
	v6 =	vld.idx.msk [tilespmem:v47+s4+$0x0], $0xffff  }
0x45: {  	v52 =	vor.u32 $0x107, v2;
	v5 =	vld.idx.msk [tilespmem:v48+s4+$0x0], $0xffff  }
0x46: {  	v3 =	vld.idx.msk [tilespmem:v3+s4+$0x0], $0xffff  }
0x47: {  	v4 =	vld.idx.msk [tilespmem:v49+s4+$0x0], $0xffff  }
0x48: {  	v8 =	vld.idx.msk [tilespmem:v50+s4+$0x0], $0xffff  }
0x49: {  	v9 =	vld.idx.msk [tilespmem:v51+s4+$0x0], $0xffff  }
0x4a: {  	v10 =	vld.idx.msk [tilespmem:v52+s4+$0x0], $0xffff;
	_ =	sdelay $0x2  }
0x4b: {  	v53 =	vmin.f32 v7, v5  }
0x4c: {  	v54 =	vmin.f32 v4, v8;
	v5 =	vmax.f32 v7, v5;
	v4 =	vmax.f32 v4, v8  }
0x4d: {  	v56 =	vmin.f32 v6, v3;
	v57 =	vmin.f32 v9, v10;
	v3 =	vmax.f32 v6, v3  }
0x4e: {  	v58 =	vmax.f32 v9, v10;
	v55 =	vmin.f32 v53, v54;
	v4 =	vmax.f32 v5, v4  }
0x4f: {  	v5 =	vmin.f32 v56, v57;
	v3 =	vmax.f32 v3, v58;
	v59 =	vsub.f32 v4, v55  }
0x50: {  	v8 =	vsub.f32 v3, v5  }
0x51: {  	v6 =	vmax.f32 v59, $9.999999970e-07  }
0x52: {  	v60 =	vmax.f32 v8, $9.999999970e-07;
	(erf) = vrcp.f32 v6  }
0x53: {  	(erf) = vrcp.f32 v60;
	_ =	sdelay $0x2  }
0x54: {  	v62 =	vadd.f32 v3, v5;
	[tilespmem:$0x3A0] =	vst v55  }
0x55: {  	v61 =	vadd.f32 v4, v55;
	[tilespmem:$0x3E0] =	vst v5  }
0x56: {  	[tilespmem:$0x420] =	vst v4;
	v8 =	vmul.f32 $5.000000000e-01, v62  }
0x57: {  	v13 =	vor.u32 $0x180, v2;
	[tilespmem:$0x460] =	vst v3;
	v6 =	vmul.f32 $5.000000000e-01, v61  }
0x58: {  	v14 =	vor.u32 $0x181, v2;
	[tilespmem:$0x2E0] =	vst v8  }
0x59: {  	v15 =	vor.u32 $0x182, v2;
	[tilespmem:$0x2A0] =	vst v6;
	v63 =	vpop (erf)  }
0x5a: {  	v16 =	vor.u32 $0x183, v2;
	v12 =	vpop (erf);
	[tilespmem:$0x320] =	vst v63  }
0x5b: {  	v3 =	vor.u32 $0x184, v2;
	[tilespmem:$0x360] =	vst v12  }
0x5c: {  	v17 =	vor.u32 $0x186, v2;
	v6 =	vld.idx.msk [tilespmem:v13+s4+$0x0], $0xffff  }
0x5d: {  	v18 =	vor.u32 $0x185, v2;
	v7 =	vld.idx.msk [tilespmem:v14+s4+$0x0], $0xffff  }
0x5e: {  	v2 =	vor.u32 $0x187, v2;
	v5 =	vld.idx.msk [tilespmem:v15+s4+$0x0], $0xffff  }
0x5f: {  	v4 =	vld.idx.msk [tilespmem:v16+s4+$0x0], $0xffff  }
0x60: {  	v3 =	vld.idx.msk [tilespmem:v3+s4+$0x0], $0xffff  }
0x61: {  	v8 =	vld.idx.msk [tilespmem:v17+s4+$0x0], $0xffff  }
0x62: {  	v9 =	vld.idx.msk [tilespmem:v18+s4+$0x0], $0xffff  }
0x63: {  	v2 =	vld.idx.msk [tilespmem:v2+s4+$0x0], $0xffff;
	_ =	sdelay $0x2  }
0x64: {  	v19 =	vmin.f32 v6, v5  }
0x65: {  	v20 =	vmin.f32 v3, v8;
	v5 =	vmax.f32 v6, v5;
	v3 =	vmax.f32 v3, v8  }
0x66: {  	v22 =	vmin.f32 v7, v4;
	v23 =	vmin.f32 v9, v2;
	v4 =	vmax.f32 v7, v4  }
0x67: {  	v2 =	vmax.f32 v9, v2;
	v21 =	vmin.f32 v19, v20;
	v3 =	vmax.f32 v5, v3  }
0x68: {  	v5 =	vmin.f32 v22, v23;
	v2 =	vmax.f32 v4, v2;
	v24 =	vsub.f32 v3, v21  }
0x69: {  	v25 =	vsub.f32 v2, v5  }
0x6a: {  	vm4 =	vcmask $0x300;
	vm1 =	vcmask $0x704;
	v4 =	vmax.f32 v24, $9.999999970e-07  }
0x6b: {  	v27 =	vadd.f32 v3, v21;
	v26 =	vmax.f32 v25, $9.999999970e-07;
	(erf) = vrcp.f32 v4  }
0x6c: {  	vm2 =	vcmask $0xB08;
	vm3 =	vcmask $0xF0C;
	(erf) = vrcp.f32 v26  }
0x6d: {  	vm5 =	vcmask $0x1310;
	vm6 =	vcmask $0x1714;
	v4 =	vmul.f32 $5.000000000e-01, v27  }
0x6e: {  	vm7 =	vcmask $0x1B18;
	vm8 =	vcmask $0x1F1C;
	v29 =	vimm.f32 $1.200000000e+02  }
0x6f: {  	vm9 =	vcmask $0x2320;
	vm10 =	vcmask $0x2724;
	[tilespmem:$0x2B0] =	vst v4;
	v4 =	vsel vm4, $0x0, v29  }
0x70: {  	vm11 =	vcmask $0x2B28;
	v28 =	vadd.f32 v2, v5;
	[tilespmem:$0x3B0] =	vst v21;
	v4 =	vsel vm1, $0x41000000, v4  }
0x71: {  	vm0 =	vcmask $0x2F2C;
	vm12 =	vcmask $0x3330;
	s1 =	stileid.u32;
	[tilespmem:$0x3F0] =	vst v5;
	v4 =	vsel vm2, $0x41800000, v4  }
0x72: {  	vm13 =	vcmask $0x3734;
	s9 =	sshll.u32 s1, $0x2;
	[tilespmem:$0x430] =	vst v3;
	v7 =	vmul.f32 $5.000000000e-01, v28;
	v4 =	vsel vm3, $0x41C00000, v4  }
0x73: {  	vm14 =	vcmask $0x3B38;
	v32 =	vmov s9;
	[tilespmem:$0x470] =	vst v2;
	v4 =	vsel vm5, $0x42000000, v4  }
0x74: {  	v34 =	vimm.f32 $2.480000000e+02;
	v35 =	vimm.f32 $3.760000000e+02;
	[tilespmem:$0x2F0] =	vst v7;
	v3 =	vsel vm6, $0x42200000, v4;
	v30 =	vpop (erf)  }
0x75: {  	v39 =	vimm.f32 $5.040000000e+02;
	v2 =	vsel vm7, $0x42400000, v3;
	v3 =	vor.u32 $0x80, v32;
	v31 =	vpop (erf);
	[tilespmem:$0x330] =	vst v30  }
0x76: {  	s26 =	simm.s32 $0x2;
	v37 =	vor.u32 $0x40, v32;
	v44 =	vimm.f32 $6.320000000e+02;
	v6 =	vsel vm4, $0x43C00000, v39;
	[tilespmem:$0x370] =	vst v31  }
0x77: {  	v50 =	vimm.f32 $7.600000000e+02;
	v51 =	vimm.f32 $8.880000000e+02;
	v6 =	vsel vm1, $0x43C40000, v6;
	_ =	swait.ge [sflag:s26], $0x80  }
0x78: {  	v17 =	vor.u32 $0xC0, v32;
	v20 =	vimm.f32 $1.016000000e+03;
	v6 =	vsel vm2, $0x43C80000, v6;
	[sflag:s26] =	ssyncset.done $0x0  }
0x79: {  	s28 =	simm.s32 $0x280;
	v5 =	vor.u32 $0x80000020, v1;
	v4 =	vsel vm4, $0x43000000, v34;
	v2 =	vsel vm8, $0x42600000, v2;
	[sflag:s26] =	ssyncadd.s32 $0xFFFFFF80  }
0x7a: {  	v6 =	vsel vm3, $0x43CC0000, v6;
	v2 =	vsel vm9, $0x42800000, v2;
	v14 =	vld.idx.msk [tilespmem:v3+s28+$0x0], $0xffff;
	v3 =	vsel vm1, $0x43080000, v4  }
0x7b: {  	v6 =	vsel vm5, $0x43D00000, v6;
	v2 =	vsel vm10, $0x42900000, v2;
	v3 =	vsel vm2, $0x43100000, v3  }
0x7c: {  	v40 =	vsel vm6, $0x43D40000, v6;
	v2 =	vsel vm11, $0x42A00000, v2;
	v33 =	vld.idx.msk [tilespmem:v32+s28+$0x0], $0xffff;
	v3 =	vsel vm3, $0x43180000, v3  }
0x7d: {  	v2 =	vsel vm0, $0x42B00000, v2;
	v4 =	vsel vm4, $0x43800000, v35;
	v23 =	vld.idx.msk [tilespmem:v37+s28+$0x0], $0xffff;
	v3 =	vsel vm5, $0x43200000, v3  }
0x7e: {  	v2 =	vsel vm12, $0x42C00000, v2;
	v4 =	vsel vm1, $0x43840000, v4;
	v3 =	vsel vm6, $0x43280000, v3  }
0x7f: {  	v2 =	vsel vm13, $0x42D00000, v2;
	v4 =	vsel vm2, $0x43880000, v4;
	v3 =	vsel vm7, $0x43300000, v3  }
0x80: {  	v2 =	vsel vm14, $0x42E00000, v2;
	v4 =	vsel vm3, $0x438C0000, v4;
	v3 =	vsel vm8, $0x43380000, v3  }
0x81: {  	v17 =	vld.idx.msk [tilespmem:v17+s28+$0x0], $0xffff;
	v4 =	vsel vm5, $0x43900000, v4;
	v36 =	vsub.f32 v2, v33;
	v3 =	vsel vm9, $0x43400000, v3  }
0x82: {  	v4 =	vsel vm6, $0x43940000, v4;
	v58 =	vsub.f32 v2, v23;
	v3 =	vsel vm10, $0x43480000, v3  }
0x83: {  	s10 =	sor.u32 $0x1, s9;
	v4 =	vsel vm7, $0x43980000, v4;
	v38 =	vmul.f32 v14, v36;
	v3 =	vsel vm11, $0x43500000, v3  }
0x84: {  	v4 =	vsel vm8, $0x439C0000, v4;
	v36 =	vmov s10;
	v3 =	vsel vm0, $0x43580000, v3  }
0x85: {  	v41 =	vsel vm7, $0x43D80000, v40;
	v4 =	vsel vm9, $0x43A00000, v4;
	v3 =	vsel vm12, $0x43600000, v3  }
0x86: {  	v60 =	vmul.f32 v17, v58;
	v4 =	vsel vm10, $0x43A40000, v4;
	v3 =	vsel vm13, $0x43680000, v3  }
0x87: {  	v27 =	vor.u32 $0x80, v36;
	v6 =	vsel vm14, $0x43700000, v3;
	v3 =	vsel vm11, $0x43A80000, v4  }
0x88: {  	v43 =	vmul.f32 v38, v38;
	v4 =	vsel vm8, $0x43DC0000, v41;
	v3 =	vsel vm0, $0x43AC0000, v3  }
0x89: {  	v41 =	vld.idx.msk [tilespmem:v36+s28+$0x0], $0xffff;
	v42 =	vsub.f32 v6, v33;
	v4 =	vsel vm9, $0x43E00000, v4;
	v3 =	vsel vm12, $0x43B00000, v3  }
0x8a: {  	v59 =	vsub.f32 v6, v23;
	v4 =	vsel vm10, $0x43E40000, v4;
	v3 =	vsel vm13, $0x43B40000, v3  }
0x8b: {  	v8 =	vmul.f32 v14, v42;
	v7 =	vsel vm14, $0x43B80000, v3;
	v3 =	vsel vm11, $0x43E80000, v4  }
0x8c: {  	v4 =	vsel vm4, $0x44000000, v44;
	v45 =	vsub.f32 v7, v33;
	v3 =	vsel vm0, $0x43EC0000, v3  }
0x8d: {  	v13 =	vmul.f32 v8, v8;
	v4 =	vsel vm1, $0x44020000, v4;
	v61 =	vsub.f32 v7, v23  }
0x8e: {  	v44 =	vsub.f32 v2, v41;
	v3 =	vsel vm12, $0x43F00000, v3;
	v4 =	vsel vm2, $0x44040000, v4  }
0x8f: {  	v12 =	vmul.f32 v14, v45;
	v3 =	vsel vm13, $0x43F40000, v3;
	vm4 =	vlt.f32 v13, v43  }
0x90: {  	v45 =	vsub.f32 v6, v41;
	v8 =	vsel vm14, $0x43F80000, v3;
	v3 =	vsel vm3, $0x44060000, v4  }
0x91: {  	v4 =	vor.u32 $0x80000010, v1;
	v9 =	vsel vm4, v13, v43;
	v3 =	vsel vm5, $0x44080000, v3  }
0x92: {  	v12 =	vmul.f32 v12, v12;
	v15 =	vsub.f32 v8, v33;
	v16 =	vsel vm6, $0x440A0000, v3  }
0x93: {  	v28 =	vsub.f32 v8, v23;
	v3 =	vor.u32 $0x80000000, v1;
	v46 =	vsel vm7, $0x440C0000, v16  }
0x94: {  	v47 =	vsel vm4, v4, v3;
	vm4 =	vlt.f32 v12, v9;
	v15 =	vmul.f32 v14, v15  }
0x95: {  	v30 =	vmul.f32 v17, v28;
	v13 =	vsel vm8, $0x440E0000, v46;
	v18 =	vsel vm4, v12, v9  }
0x96: {  	v16 =	vsel vm4, v5, v47;
	vm4 =	vcmask $0x300;
	v46 =	vsub.f32 v7, v41  }
0x97: {  	v48 =	vsel vm9, $0x44100000, v13;
	v15 =	vmul.f32 v15, v15;
	v12 =	vsel vm4, $0x44200000, v50  }
0x98: {  	v13 =	vsel vm4, $0x44400000, v51;
	v20 =	vsel vm4, $0x44600000, v20;
	v49 =	vsel vm10, $0x44120000, v48  }
0x99: {  	v12 =	vsel vm1, $0x44220000, v12;
	v13 =	vsel vm1, $0x44420000, v13;
	v20 =	vsel vm1, $0x44620000, v20  }
0x9a: {  	v9 =	vsel vm11, $0x44140000, v49;
	vm15 =	vlt.f32 v15, v18;
	v12 =	vsel vm2, $0x44240000, v12  }
0x9b: {  	v13 =	vsel vm2, $0x44440000, v13;
	v20 =	vsel vm2, $0x44640000, v20;
	v9 =	vsel vm0, $0x44160000, v9  }
0x9c: {  	v12 =	vsel vm3, $0x44260000, v12;
	v13 =	vsel vm3, $0x44460000, v13;
	v20 =	vsel vm3, $0x44660000, v20  }
0x9d: {  	v18 =	vsel vm15, v15, v18;
	v9 =	vsel vm12, $0x44180000, v9;
	v12 =	vsel vm5, $0x44280000, v12  }
0x9e: {  	v13 =	vsel vm5, $0x44480000, v13;
	v20 =	vsel vm5, $0x44680000, v20;
	v9 =	vsel vm13, $0x441A0000, v9  }
0x9f: {  	v12 =	vsel vm6, $0x442A0000, v12;
	v13 =	vsel vm6, $0x444A0000, v13;
	v20 =	vsel vm6, $0x446A0000, v20  }
0xa0: {  	v9 =	vsel vm14, $0x441C0000, v9;
	v12 =	vsel vm7, $0x442C0000, v12;
	v13 =	vsel vm7, $0x444C0000, v13  }
0xa1: {  	v20 =	vsel vm7, $0x446C0000, v20;
	v19 =	vsub.f32 v9, v33;
	v12 =	vsel vm8, $0x442E0000, v12  }
0xa2: {  	v13 =	vsel vm8, $0x444E0000, v13;
	v20 =	vsel vm8, $0x446E0000, v20;
	v24 =	vsub.f32 v9, v23  }
0xa3: {  	v12 =	vsel vm9, $0x44300000, v12;
	v13 =	vsel vm9, $0x44500000, v13;
	v20 =	vsel vm9, $0x44700000, v20  }
0xa4: {  	v12 =	vsel vm10, $0x44320000, v12;
	v13 =	vsel vm10, $0x44520000, v13;
	v20 =	vsel vm10, $0x44720000, v20  }
0xa5: {  	v19 =	vmul.f32 v14, v19;
	v24 =	vmul.f32 v17, v24;
	v12 =	vsel vm11, $0x44340000, v12  }
0xa6: {  	v13 =	vsel vm11, $0x44540000, v13;
	v20 =	vsel vm11, $0x44740000, v20;
	v12 =	vsel vm0, $0x44360000, v12  }
0xa7: {  	vm11 =	vmmov vm0;
	v21 =	vsel vm0, $0x44560000, v13;
	v12 =	vsel vm12, $0x44380000, v12  }
0xa8: {  	vm0 =	vmmov vm4;
	v20 =	vsel vm11, $0x44760000, v20;
	v12 =	vsel vm13, $0x443A0000, v12  }
0xa9: {  	v19 =	vmul.f32 v19, v19;
	v52 =	vsel vm12, $0x44580000, v21;
	v13 =	vsel vm14, $0x443C0000, v12  }
0xaa: {  	v54 =	vsel vm12, $0x44780000, v20;
	v12 =	vsel vm13, $0x445A0000, v52;
	v53 =	vsub.f32 v13, v33  }
0xab: {  	v34 =	vmul.f32 v24, v24;
	v10 =	vsel vm13, $0x447A0000, v54;
	v12 =	vsel vm14, $0x445C0000, v12  }
0xac: {  	v15 =	vsel vm14, $0x447C0000, v10;
	v22 =	vsub.f32 v12, v33;
	v21 =	vmul.f32 v14, v53  }
0xad: {  	v20 =	vmul.f32 v60, v60;
	vm5 =	vlt.f32 v19, v18;
	v11 =	vsub.f32 v15, v33  }
0xae: {  	v10 =	vor.u32 $0x80000030, v1;
	v56 =	vmul.f32 v14, v22;
	v55 =	vmul.f32 v21, v21  }
0xaf: {  	v18 =	vsel vm5, v19, v18;
	v16 =	vsel vm15, v10, v16;
	v11 =	vmul.f32 v14, v11  }
0xb0: {  	v14 =	vmul.f32 v17, v59;
	v57 =	vmul.f32 v56, v56;
	vm8 =	vlt.f32 v55, v18  }
0xb1: {  	v62 =	vmul.f32 v11, v11;
	v11 =	vor.u32 $0x80000040, v1;
	v18 =	vsel vm8, v55, v18  }
0xb2: {  	v21 =	vmul.f32 v17, v61;
	v63 =	vmul.f32 v14, v14;
	vm4 =	vlt.f32 v57, v18  }
0xb3: {  	v31 =	vsub.f32 v13, v23;
	v16 =	vsel vm5, v11, v16;
	v18 =	vsel vm4, v57, v18  }
0xb4: {  	v29 =	vmul.f32 v21, v21;
	vm5 =	vlt.f32 v63, v20;
	vm6 =	vlt.f32 v62, v18  }
0xb5: {  	v35 =	vsub.f32 v12, v23;
	v20 =	vsel vm5, v63, v20;
	v19 =	vsel vm6, v62, v18  }
0xb6: {  	v23 =	vsub.f32 v15, v23;
	v21 =	vmul.f32 v30, v30;
	vm7 =	vlt.f32 v29, v20;
	(xrf0) =	vmin.scan.msk.f32 $0xffff, v19  }
0xb7: {  	v52 =	vsub.f32 v12, v41;
	v14 =	vor.u32 $0x80000050, v1;
	v32 =	vsel vm7, v29, v20  }
0xb8: {  	v33 =	vmul.f32 v17, v31;
	v25 =	vsel vm8, v14, v16;
	vm8 =	vlt.f32 v21, v32  }
0xb9: {  	v42 =	vld.idx.msk [tilespmem:v27+s28+$0x0], $0xffff;
	v22 =	vmul.f32 v17, v35;
	v38 =	vmul.f32 v17, v23;
	v21 =	vsel vm8, v21, v32  }
0xba: {  	v26 =	vmul.f32 v33, v33;
	v17 =	vor.u32 $0x80000070, v1;
	vm9 =	vlt.f32 v34, v21  }
0xbb: {  	v37 =	vmul.f32 v22, v22;
	v30 =	vor.u32 $0x40, v36;
	v20 =	vsel vm9, v34, v21  }
0xbc: {  	v22 =	vmul.f32 v38, v38;
	v16 =	vor.u32 $0x80000060, v1;
	vm10 =	vlt.f32 v26, v20;
	v18, _, _ =	vpop (xrf0)  }
0xbd: {  	v43 =	vsel vm5, v4, v3;
	v20 =	vsel vm10, v26, v20;
	v40 =	vbroadcast v18, $0xF  }
0xbe: {  	v39 =	vsel vm4, v16, v25;
	v25 =	vmul.f32 v42, v46;
	vm4 =	vlt.f32 v37, v20  }
0xbf: {  	v23 =	vsel vm6, v17, v39;
	v20 =	vsel vm4, v37, v20;
	vm6 =	veq.f32 v19, v40  }
0xc0: {  	v29 =	vsub.f32 v8, v41;
	v51 =	vld.idx.msk [tilespmem:v30+s28+$0x0], $0xffff;
	v19 =	vnsel vm6, $0xC0000000, v23;
	vm6 =	vlt.f32 v22, v20  }
0xc1: {  	v30 =	vmul.f32 v42, v52;
	(xrf0) =	vmin.scan.msk.u32 $0xffff, v19;
	v22 =	vsel vm6, v22, v20;
	v19 =	vsel vm7, v5, v43  }
0xc2: {  	v25 =	vmul.f32 v25, v25;
	v29 =	vmul.f32 v42, v29;
	(xrf0) =	vmin.scan.msk.f32 $0xffff, v22;
	v19 =	vsel vm8, v10, v19  }
0xc3: {  	v32 =	vsub.f32 v9, v41;
	v55 =	vmul.f32 v30, v30;
	v19 =	vsel vm9, v11, v19  }
0xc4: {  	v23 =	vmul.f32 v42, v45;
	v20 =	vmul.f32 v42, v44;
	v19 =	vsel vm10, v14, v19  }
0xc5: {  	v24 =	vor.u32 $0xC0, v36;
	v48 =	vmul.f32 v29, v29;
	v49 =	vmul.f32 v42, v32  }
0xc6: {  	v50 =	vsub.f32 v13, v41;
	v23 =	vmul.f32 v23, v23;
	v28 =	vmul.f32 v20, v20  }
0xc7: {  	v29 =	vmul.f32 v49, v49;
	v26 =	vsub.f32 v15, v41;
	v47 =	vsel vm4, v16, v19;
	v19, _, _ =	vpop (xrf0)  }
0xc8: {  	v56 =	vsub.f32 v2, v51;
	v57 =	vsub.f32 v6, v51;
	vm4 =	vlt.f32 v23, v28;
	v20, _, _ =	vpop (xrf0)  }
0xc9: {  	v58 =	vsub.f32 v7, v51;
	v23 =	vsel vm4, v23, v28;
	v31 =	vbroadcast v20, $0xF  }
0xca: {  	v24 =	vld.idx.msk [tilespmem:v24+s28+$0x0], $0xffff;
	v61 =	vsub.f32 v8, v51;
	v27 =	vsel vm6, v17, v47;
	vm6 =	vlt.f32 v25, v23  }
0xcb: {  	v63 =	vsub.f32 v9, v51;
	v23 =	vsel vm6, v25, v23;
	vm5 =	veq.f32 v22, v31  }
0xcc: {  	v25 =	vmul.f32 v42, v50;
	v22 =	vnsel vm5, $0xC0000000, v27;
	vm5 =	vlt.f32 v48, v23  }
0xcd: {  	v34 =	vsub.f32 v13, v51;
	v53 =	vsel vm4, v4, v3;
	v23 =	vsel vm5, v48, v23  }
0xce: {  	v54 =	vsel vm6, v5, v53;
	v25 =	vmul.f32 v25, v25;
	vm6 =	vlt.f32 v29, v23  }
0xcf: {  	v21 =	vmul.f32 v42, v26;
	v59 =	vmul.f32 v24, v56;
	v23 =	vsel vm6, v29, v23  }
0xd0: {  	s9 =	sor.u32 $0x2, s9;
	v60 =	vmul.f32 v24, v57;
	v26 =	vmul.f32 v24, v58;
	vm15 =	vlt.f32 v25, v23  }
0xd1: {  	v21 =	vmul.f32 v21, v21;
	v40 =	vmov s9;
	v23 =	vsel vm15, v25, v23  }
0xd2: {  	v30 =	vmul.f32 v60, v60;
	v25 =	vmul.f32 v59, v59;
	vm9 =	vlt.f32 v55, v23  }
0xd3: {  	v38 =	vsub.f32 v12, v51;
	v62 =	vmul.f32 v24, v61;
	v23 =	vsel vm9, v55, v23  }
0xd4: {  	v26 =	vmul.f32 v26, v26;
	vm4 =	vlt.f32 v30, v25;
	vm8 =	vlt.f32 v21, v23  }
0xd5: {  	v36 =	vmul.f32 v24, v63;
	(xrf0) =	vmin.scan.msk.u32 $0xffff, v22;
	v33 =	vsel vm4, v30, v25;
	v23 =	vsel vm8, v21, v23  }
0xd6: {  	v35 =	vmul.f32 v62, v62;
	v45 =	vld.idx.msk [tilespmem:v40+s28+$0x0], $0xffff;
	vm7 =	vlt.f32 v26, v33;
	(xrf0) =	vmin.scan.msk.f32 $0xffff, v23  }
0xd7: {  	v37 =	vmul.f32 v36, v36;
	v44 =	vor.u32 $0x80, v40;
	v21 =	vsel vm7, v26, v33  }
0xd8: {  	v28 =	vsel vm5, v10, v54;
	v22 =	vmul.f32 v24, v34;
	vm5 =	vlt.f32 v35, v21  }
0xd9: {  	v27 =	vsub.f32 v15, v51;
	v28 =	vsel vm6, v11, v28;
	v25 =	vsel vm5, v35, v21  }
0xda: {  	v39 =	vmul.f32 v22, v22;
	v29 =	vmul.f32 v24, v38;
	vm6 =	vlt.f32 v37, v25  }
0xdb: {  	v49 =	vsub.f32 v6, v45;
	v58 =	vsub.f32 v13, v45;
	v21, _, _ =	vpop (xrf0);
	v25 =	vsel vm6, v37, v25  }
0xdc: {  	v24 =	vmul.f32 v24, v27;
	v41 =	vmul.f32 v29, v29;
	vm10 =	vlt.f32 v39, v25;
	v22, _, _ =	vpop (xrf0)  }
0xdd: {  	v28 =	vsel vm15, v14, v28;
	v25 =	vsel vm10, v39, v25;
	v43 =	vbroadcast v22, $0xF  }
0xde: {  	v47 =	vld.idx.msk [tilespmem:v44+s28+$0x0], $0xffff;
	v24 =	vmul.f32 v24, v24;
	v42 =	vsel vm9, v16, v28;
	vm9 =	vlt.f32 v41, v25  }
0xdf: {  	v27 =	vsel vm8, v17, v42;
	v25 =	vsel vm9, v41, v25;
	vm8 =	veq.f32 v23, v43  }
0xe0: {  	v46 =	vsel vm4, v4, v3;
	v23 =	vnsel vm8, $0xC0000000, v27;
	vm8 =	vlt.f32 v24, v25  }
0xe1: {  	v51 =	vsub.f32 v7, v45;
	(xrf0) =	vmin.scan.msk.u32 $0xffff, v23;
	v25 =	vsel vm8, v24, v25;
	v23 =	vsel vm7, v5, v46  }
0xe2: {  	v31 =	vor.u32 $0xC0, v40;
	v54 =	vsub.f32 v9, v45;
	(xrf0) =	vmin.scan.msk.f32 $0xffff, v25;
	v23 =	vsel vm5, v10, v23  }
0xe3: {  	v32 =	vmul.f32 v47, v51;
	v33 =	vor.u32 $0x40, v40;
	v23 =	vsel vm6, v11, v23  }
0xe4: {  	v48 =	vsub.f32 v2, v45;
	v56 =	vmul.f32 v47, v54;
	v23 =	vsel vm10, v14, v23  }
0xe5: {  	v52 =	vmul.f32 v32, v32;
	v29 =	vmul.f32 v47, v49;
	v59 =	vsub.f32 v12, v45  }
0xe6: {  	v32 =	vmul.f32 v56, v56;
	v28 =	vmul.f32 v47, v48;
	v26 =	vsub.f32 v15, v45  }
0xe7: {  	v29 =	vmul.f32 v29, v29;
	v62 =	vmul.f32 v47, v59;
	v50 =	vsel vm9, v16, v23;
	v23, _, _ =	vpop (xrf0)  }
0xe8: {  	s29 =	sshllo.u32 s1, $0x2;
	v28 =	vmul.f32 v28, v28;
	v35 =	vsub.f32 v8, v45;
	v26 =	vmul.f32 v47, v26;
	v33 =	vld.idx.msk [tilespmem:v33+s28+$0x0], $0xffff;
	v24, _, _ =	vpop (xrf0)  }
0xe9: {  	v49 =	vmov s29;
	v63 =	vmul.f32 v62, v62;
	v34 =	vbroadcast v24, $0xF  }
0xea: {  	v53 =	vmul.f32 v47, v35;
	v26 =	vmul.f32 v26, v26;
	vm5 =	vlt.f32 v29, v28  }
0xeb: {  	v28 =	vsel vm5, v29, v28;
	v30 =	vsel vm8, v17, v50;
	vm4 =	veq.f32 v25, v34  }
0xec: {  	v60 =	vld.idx.msk [tilespmem:v31+s28+$0x0], $0xffff;
	v55 =	vmul.f32 v53, v53;
	v30 =	vnsel vm4, $0xC0000000, v30;
	vm4 =	vlt.f32 v52, v28  }
0xed: {  	v36 =	vsub.f32 v2, v33;
	v37 =	vsub.f32 v6, v33;
	v25 =	vsel vm4, v52, v28  }
0xee: {  	v57 =	vsel vm5, v4, v3;
	v28 =	vmul.f32 v47, v58;
	vm5 =	vlt.f32 v55, v25  }
0xef: {  	v38 =	vsub.f32 v7, v33;
	v41 =	vsub.f32 v8, v33;
	v25 =	vsel vm5, v55, v25  }
0xf0: {  	v43 =	vsub.f32 v9, v33;
	v28 =	vmul.f32 v28, v28;
	vm15 =	vlt.f32 v32, v25  }
0xf1: {  	v51 =	vsub.f32 v12, v33;
	v39 =	vmul.f32 v60, v36;
	v25 =	vsel vm15, v32, v25  }
0xf2: {  	v40 =	vmul.f32 v60, v37;
	v34 =	vsel vm4, v5, v57;
	vm4 =	vlt.f32 v28, v25  }
0xf3: {  	v27 =	vmul.f32 v60, v38;
	v61 =	vsel vm5, v10, v34;
	v25 =	vsel vm4, v28, v25  }
0xf4: {  	v34 =	vmul.f32 v40, v40;
	v28 =	vmul.f32 v39, v39;
	vm6 =	vlt.f32 v63, v25  }
0xf5: {  	v46 =	vsub.f32 v13, v33;
	v42 =	vmul.f32 v60, v41;
	v25 =	vsel vm6, v63, v25  }
0xf6: {  	v27 =	vmul.f32 v27, v27;
	vm5 =	vlt.f32 v34, v28;
	vm7 =	vlt.f32 v26, v25  }
0xf7: {  	v33 =	vsub.f32 v15, v33;
	(xrf0) =	vmin.scan.msk.u32 $0xffff, v30;
	v45 =	vsel vm5, v34, v28;
	v44 =	vsel vm7, v26, v25  }
0xf8: {  	v48 =	vmul.f32 v60, v43;
	v47 =	vmul.f32 v42, v42;
	vm8 =	vlt.f32 v27, v45;
	(xrf0) =	vmin.scan.msk.f32 $0xffff, v44  }
0xf9: {  	v62 =	vor.u32 $0x40, v49;
	v55 =	vld.idx.msk [tilespmem:v49+s28+$0x0], $0xffff;
	v26 =	vmul.f32 v60, v46;
	v25 =	vsel vm8, v27, v45  }
0xfa: {  	v29 =	vmul.f32 v60, v33;
	v50 =	vmul.f32 v48, v48;
	vm9 =	vlt.f32 v47, v25  }
0xfb: {  	v52 =	vor.u32 $0x80, v49;
	v32 =	vmul.f32 v60, v51;
	v25 =	vsel vm9, v47, v25  }
0xfc: {  	v29 =	vmul.f32 v29, v29;
	v53 =	vmul.f32 v26, v26;
	vm10 =	vlt.f32 v50, v25  }
0xfd: {  	v31 =	vsel vm15, v11, v61;
	v32 =	vmul.f32 v32, v32;
	v26, _, _ =	vpop (xrf0);
	v27 =	vsel vm10, v50, v25  }
0xfe: {  	v35 =	vld.idx.msk [tilespmem:v62+s28+$0x0], $0xffff;
	v31 =	vsel vm4, v14, v31;
	v59 =	vsub.f32 v2, v55;
	vm15 =	vlt.f32 v53, v27;
	v25, _, _ =	vpop (xrf0)  }
0xff: {  	v61 =	vsub.f32 v7, v55;
	v27 =	vsel vm15, v53, v27;
	v54 =	vbroadcast v25, $0xF  }
0x100: {  	v56 =	vld.idx.msk [tilespmem:v52+s28+$0x0], $0xffff;
	v36 =	vsub.f32 v8, v55;
	v31 =	vsel vm6, v16, v31;
	vm4 =	vlt.f32 v32, v27  }
0x101: {  	v31 =	vsel vm7, v17, v31;
	v27 =	vsel vm4, v32, v27;
	vm6 =	veq.f32 v44, v54  }
0x102: {  	v39 =	vsub.f32 v9, v55;
	v30 =	vnsel vm6, $0xC0000000, v31;
	vm6 =	vlt.f32 v29, v27  }
0x103: {  	v42 =	vsub.f32 v13, v55;
	v2 =	vsub.f32 v2, v35;
	(xrf0) =	vmin.scan.msk.u32 $0xffff, v30;
	v27 =	vsel vm6, v29, v27  }
0x104: {  	v7 =	vsub.f32 v7, v35;
	v60 =	vsub.f32 v6, v55;
	(xrf0) =	vmin.scan.msk.f32 $0xffff, v27  }
0x105: {  	v8 =	vsub.f32 v8, v35;
	v57 =	vsel vm5, v4, v3;
	v33 =	vmul.f32 v56, v61  }
0x106: {  	v34 =	vor.u32 $0xC0, v49;
	v31 =	vmul.f32 v56, v60;
	v30 =	vmul.f32 v56, v59  }
0x107: {  	v28 =	vsub.f32 v15, v55;
	v36 =	vmul.f32 v56, v36;
	v39 =	vmul.f32 v56, v39  }
0x108: {  	v58 =	vsel vm8, v5, v57;
	v31 =	vmul.f32 v31, v31;
	v30 =	vmul.f32 v30, v30  }
0x109: {  	v45 =	vsub.f32 v12, v55;
	v33 =	vmul.f32 v33, v33;
	v29 =	vsel vm9, v10, v58;
	v37, _, _ =	vpop (xrf0)  }
0x10a: {  	v36 =	vmul.f32 v36, v36;
	v29 =	vsel vm10, v11, v29;
	vm5 =	vlt.f32 v31, v30;
	v38, _, _ =	vpop (xrf0)  }
0x10b: {  	v29 =	vsel vm15, v14, v29;
	v30 =	vsel vm5, v31, v30;
	v63 =	vbroadcast v38, $0xF  }
0x10c: {  	v43 =	vmul.f32 v39, v39;
	v34 =	vld.idx.msk [tilespmem:v34+s28+$0x0], $0xffff;
	v29 =	vsel vm4, v16, v29;
	vm15 =	vlt.f32 v33, v30  }
0x10d: {  	v29 =	vsel vm6, v17, v29;
	v30 =	vsel vm15, v33, v30;
	vm4 =	veq.f32 v27, v63  }
0x10e: {  	v44 =	vmul.f32 v56, v42;
	v27 =	vnsel vm4, $0xC0000000, v29;
	vm4 =	vlt.f32 v36, v30  }
0x10f: {  	v6 =	vsub.f32 v6, v35;
	v48 =	vmul.f32 v56, v45;
	v30 =	vsel vm4, v36, v30  }
0x110: {  	v47 =	vmul.f32 v44, v44;
	v46 =	vsel vm5, v4, v3;
	vm5 =	vlt.f32 v43, v30  }
0x111: {  	v28 =	vmul.f32 v56, v28;
	v2 =	vmul.f32 v34, v2;
	v29 =	vsel vm5, v43, v30  }
0x112: {  	v6 =	vmul.f32 v34, v6;
	v31 =	vmul.f32 v48, v48;
	vm6 =	vlt.f32 v47, v29  }
0x113: {  	v28 =	vmul.f32 v28, v28;
	v7 =	vmul.f32 v34, v7;
	v29 =	vsel vm6, v47, v29  }
0x114: {  	v2 =	vmul.f32 v2, v2;
	v6 =	vmul.f32 v6, v6;
	vm8 =	vlt.f32 v31, v29  }
0x115: {  	v9 =	vsub.f32 v9, v35;
	v8 =	vmul.f32 v34, v8;
	v29 =	vsel vm8, v31, v29  }
0x116: {  	v7 =	vmul.f32 v7, v7;
	vm7 =	vlt.f32 v6, v2;
	vm10 =	vlt.f32 v28, v29  }
0x117: {  	v9 =	vmul.f32 v34, v9;
	v2 =	vsel vm7, v6, v2;
	(xrf0) =	vmin.scan.msk.u32 $0xffff, v27;
	v49 =	vsel vm10, v28, v29  }
0x118: {  	v50 =	vsub.f32 v13, v35;
	v8 =	vmul.f32 v8, v8;
	vm9 =	vlt.f32 v7, v2;
	(xrf0) =	vmin.scan.msk.f32 $0xffff, v49  }
0x119: {  	v53 =	vsub.f32 v12, v35;
	v52 =	vmul.f32 v9, v9;
	v2 =	vsel vm9, v7, v2  }
0x11a: {  	v6 =	vmul.f32 v34, v50;
	v51 =	vsel vm15, v5, v46;
	vm15 =	vlt.f32 v8, v2  }
0x11b: {  	v55 =	vmul.f32 v34, v53;
	v56 =	vsub.f32 v15, v35;
	v2 =	vsel vm15, v8, v2  }
0x11c: {  	v6 =	vmul.f32 v6, v6;
	v54 =	vsel vm4, v10, v51;
	vm4 =	vlt.f32 v52, v2  }
0x11d: {  	v9 =	vmul.f32 v34, v56;
	v2 =	vsel vm4, v52, v2;
	v57, _, _ =	vpop (xrf0)  }
0x11e: {  	v8 =	vmul.f32 v55, v55;
	v12 =	vsel vm5, v11, v54;
	vm5 =	vlt.f32 v6, v2;
	v58, _, _ =	vpop (xrf0)  }
0x11f: {  	v2 =	vsel vm5, v6, v2;
	v12 =	vsel vm6, v14, v12;
	v59 =	vbroadcast v58, $0xF  }
0x120: {  	v9 =	vmul.f32 v9, v9;
	vm6 =	vlt.f32 v8, v2;
	v60 =	vsel vm8, v16, v12  }
0x121: {  	v2 =	vsel vm6, v8, v2;
	v6 =	vsel vm10, v17, v60;
	vm8 =	veq.f32 v49, v59  }
0x122: {  	v6 =	vnsel vm8, $0xC0000000, v6;
	vm8 =	vlt.f32 v9, v2  }
0x123: {  	(xrf0) =	vmin.scan.msk.u32 $0xffff, v6;
	v2 =	vsel vm8, v9, v2  }
0x124: {  	(xrf0) =	vmin.scan.msk.f32 $0xffff, v2;
	_ =	sdelay $0x2  }
0x125: {  	(v2sf) =	vpush v18, $0xF;
	v3 =	vsel vm7, v4, v3  }
0x126: {  	(v2sf) =	vpush v19, $0xF;
	v3 =	vsel vm9, v5, v3  }
0x127: {  	(v2sf) =	vpush v20, $0xF;
	v3 =	vsel vm15, v10, v3;
	v61, _, _ =	vpop (xrf0)  }
0x128: {  	(v2sf) =	vpush v21, $0xF;
	v3 =	vsel vm4, v11, v3;
	v62, _, _ =	vpop (xrf0)  }
0x129: {  	(v2sf) =	vpush v22, $0xF;
	v3 =	vsel vm5, v14, v3;
	v63 =	vbroadcast v62, $0xF  }
0x12a: {  	(v2sf) =	vpush v23, $0xF;
	v3 =	vsel vm6, v16, v3  }
0x12b: {  	(v2sf) =	vpush v24, $0xF;
	v3 =	vsel vm8, v17, v3;
	vm4 =	veq.f32 v2, v63  }
0x12c: {  	(v2sf) =	vpush v26, $0xF;
	v2 =	vnsel vm4, $0xC0000000, v3  }
0x12d: {  	(v2sf) =	vpush v25, $0xF;
	(xrf0) =	vmin.scan.msk.u32 $0xffff, v2  }
0x12e: {  	(v2sf) =	vpush v37, $0xF  }
0x12f: {  	(v2sf) =	vpush v38, $0xF  }
0x130: {  	(v2sf) =	vpush v57, $0xF  }
0x131: {  	(v2sf) =	vpush v58, $0xF  }
0x132: {  	(v2sf) =	vpush v61, $0xF  }
0x133: {  	(v2sf) =	vpush v62, $0xF;
	v2, _, _ =	vpop (xrf0)  }
0x134: {  	s30 =	spop (v2sf);
	(v2sf) =	vpush v2, $0xF  }
0x135: {  	s31 =	spop (v2sf)  }
0x136: {  	s19 =	spop (v2sf)  }
0x137: {  	s11 =	spop (v2sf)  }
0x138: {  	s12 =	spop (v2sf)  }
0x139: {  	s13 =	spop (v2sf)  }
0x13a: {  	s14 =	spop (v2sf)  }
0x13b: {  	s15 =	spop (v2sf)  }
0x13c: {  	s16 =	spop (v2sf)  }
0x13d: {  	s9 =	sshll.u32 s31, $0x7;
	s17 =	spop (v2sf)  }
0x13e: {  	s8 =	sadd.f32 s19, s30;
	s9 =	sadd.s32 s11, s9;
	s18 =	spop (v2sf)  }
0x13f: {  	s9 =	sadd.s32 $0x80000000, s9;
	s13 =	sshll.u32 s13, $0x7;
	s20 =	spop (v2sf)  }
0x140: {  	s12 =	sadd.f32 s14, s12;
	s13 =	sadd.s32 s15, s13;
	s21 =	spop (v2sf)  }
0x141: {  	s24 =	sadd.s32 $0x80000000, s13;
	s17 =	sshll.u32 s17, $0x7;
	v2 =	vmov s8;
	s22 =	spop (v2sf)  }
0x142: {  	s25 =	sadd.f32 s18, s16;
	s10 =	sadd.s32 s20, s17;
	v3 =	vmov s9;
	v2 =	vnsel vm0, $0x0, v2;
	s23 =	spop (v2sf)  }
0x143: {  	v3 =	vnsel vm0, $0x0, v3;
	v2 =	vsel vm1, s12, v2;
	s14 =	sshll.u32 s22, $0x7;
	s11 =	sadd.f32 s23, s21;
	s26 =	spop (v2sf)  }
0x144: {  	s10 =	sadd.s32 $0x80000000, s10;
	v3 =	vsel vm1, s24, v3;
	v2 =	vsel vm2, s25, v2;
	s9 =	sadd.s32 s26, s14  }
0x145: {  	v3 =	vsel vm2, s10, v3;
	v2 =	vsel vm3, s11, v2;
	s28 =	sadd.s32 $0x80000000, s9  }
0x146: {  	p0 =	sgt.u32 s1, $0x3;
	s29 =	sshll.u32 s1, $0x5;
	[tilespmem:$0x480] =	vst v2;
	v3 =	vsel vm3, s28, v3  }
0x147: {  	s31 =	simm.s32 $0x480;
	s30 =	sadd.s32 s29, s7;
	s9 =	simm.s32 $0x4;
	[tilespmem:$0x490] =	vst v3  }
0x148: {  	[spmem:s30] =	stream.linear.scatter [tilespmem:s31], [sflag:$0x4], $0x20, $0x38;
	[tilespmem:$0xE20] =	vst v63  }
.Ltmp0:
0x149: {  	_ =	swait.ge [sflag:s9], $0x20;
	(pc) =	sbr.rel @p0 .LBB2_4-.Ltmp0, $3  }
0x14a: {  	[sflag:s9] =	ssyncset.done $0x0  }
0x14b: {  	[sflag:s9] =	ssyncadd.s32 $0xFFFFFFE0  }
0x14c: {  	[bflag:$0x0] =	sbarrier.arrive $0xFFFF;
	_ =	sdelay $0x1  }
0x14d: {  	v2 =	vimm.s32 $0x43424140;
	v3 =	vimm.s32 $0x63626160  }
0x14e: {  	v4 =	vimm.s32 $0x3020100;
	v5 =	vimm.s32 $0x23222120;
	v2 =	vunpack.c.0.s8.s32 v2  }
0x14f: {  	v3 =	vunpack.c.0.s8.s32 v3;
	v4 =	vunpack.c.0.s8.s32 v4;
	v5 =	vunpack.c.0.s8.s32 v5  }
0x150: {  	vm15 =	vcmask $0x1F10  }
0x151: {  	v2 =	vsel vm15, v3, v2;
	v3 =	vsel vm15, v5, v4  }
0x152: {  	v6 =	vimm.s32 $0x33323130;
	v4 =	vimm.s32 $0x53525150;
	v2 =	vcombine.low v3, v2  }
0x153: {  	s8 =	simm.s32 $0x520;
	v5 =	vimm.s32 $0x13121110;
	v3 =	vunpack.c.0.s8.s32 v4;
	v4 =	vimm.s32 $0x73727170  }
0x154: {  	v6 =	vunpack.c.0.s8.s32 v6;
	[tilespmem:s8], [sflag:$0x4] =	stream.linear.gather [spmem:s7], $0x200, $0x38;
	v5 =	vunpack.c.0.s8.s32 v5;
	v4 =	vunpack.c.0.s8.s32 v4;
	[tilespmem:$0xE20] =	vst v63  }
0x155: {  	v7 =	vimm.s32 $0xC3C2C1C0;
	v8 =	vimm.s32 $0xA3A2A1A0;
	_ =	swait.ge [sflag:s9], $0x200  }
0x156: {  	v8 =	vunpack.c.0.s8.s32 v8;
	[sflag:s9] =	ssyncset.done $0x0;
	v3 =	vsel vm15, v4, v3;
	v4 =	vsel vm15, v6, v5  }
0x157: {  	[sflag:s9] =	ssyncadd.s32 $0xFFFFFE00;
	v5 =	vunpack.c.0.s8.s32 v7;
	v6 =	vimm.s32 $0xE3E2E1E0;
	v7 =	vimm.s32 $0x83828180  }
0x158: {  	v6 =	vunpack.c.0.s8.s32 v6;
	v7 =	vunpack.c.0.s8.s32 v7;
	v3 =	vcombine.low v4, v3;
	v2 =	vld.idx.msk [tilespmem:v2+s8+$0x0], $0xffff;
	_ =	sdelay $0x1  }
0x159: {  	vm4 =	vcmask $0x1310;
	v4 =	vsel vm15, v6, v5;
	v5 =	vsel vm15, v8, v7  }
0x15a: {  	vm5 =	vcmask $0x1714;
	v4 =	vcombine.low v5, v4;
	v5 =	vimm.s32 $0x163  }
0x15b: {  	vm6 =	vcmask $0x1B18;
	v6 =	vimm.s32 $0xF3F2F1F0;
	v5 =	vsel vm0, $0x100, v5  }
0x15c: {  	v7 =	vimm.s32 $0x93929190;
	v8 =	vimm.s32 $0xB3B2B1B0;
	v5 =	vsel vm1, $0x101, v5;
	[tilespmem:$0x720] =	vst v2  }
0x15d: {  	v6 =	vunpack.c.0.s8.s32 v6;
	v7 =	vunpack.c.0.s8.s32 v7;
	v5 =	vsel vm2, $0x102, v5;
	v3 =	vld.idx.msk [tilespmem:v3+s8+$0x0], $0xffff  }
0x15e: {  	v4 =	vand.u32 $0xFF, v4;
	v2 =	vimm.s32 $0xD3D2D1D0;
	v5 =	vsel vm3, $0x103, v5  }
0x15f: {  	v8 =	vunpack.c.0.s8.s32 v8;
	v2 =	vunpack.c.0.s8.s32 v2;
	v5 =	vsel vm4, $0x120, v5  }
0x160: {  	vm7 =	vcmask $0x1F1C;
	vm8 =	vcmask $0x2320;
	v5 =	vsel vm5, $0x121, v5  }
0x161: {  	v2 =	vsel vm15, v6, v2;
	v6 =	vsel vm15, v8, v7;
	v7 =	vimm.s32 $0x173  }
0x162: {  	v2 =	vcombine.low v6, v2;
	[tilespmem:$0x7A0] =	vst v3;
	v3 =	vsel vm6, $0x122, v5;
	v5 =	vsel vm0, $0x110, v7  }
0x163: {  	vm9 =	vcmask $0x2724;
	v4 =	vld.idx.msk [tilespmem:v4+s8+$0x0], $0xffff;
	v3 =	vsel vm7, $0x123, v3;
	v5 =	vsel vm1, $0x111, v5  }
0x164: {  	v2 =	vand.u32 $0xFF, v2;
	v3 =	vsel vm8, $0x140, v3;
	v5 =	vsel vm2, $0x112, v5  }
0x165: {  	vm10 =	vcmask $0x2B28;
	v3 =	vsel vm9, $0x141, v3;
	v5 =	vsel vm3, $0x113, v5  }
0x166: {  	v3 =	vsel vm10, $0x142, v3;
	v5 =	vsel vm4, $0x130, v5  }
0x167: {  	v6 =	vimm.s32 $0x1E3;
	v3 =	vsel vm11, $0x143, v3;
	v5 =	vsel vm5, $0x131, v5  }
0x168: {  	[tilespmem:$0x730] =	vst v4;
	v3 =	vsel vm12, $0x160, v3;
	v4 =	vsel vm6, $0x132, v5;
	v5 =	vsel vm0, $0x180, v6  }
0x169: {  	v2 =	vld.idx.msk [tilespmem:v2+s8+$0x0], $0xffff;
	v3 =	vsel vm13, $0x161, v3;
	v4 =	vsel vm7, $0x133, v4;
	v5 =	vsel vm1, $0x181, v5  }
0x16a: {  	v3 =	vsel vm14, $0x162, v3;
	v4 =	vsel vm8, $0x150, v4;
	v5 =	vsel vm2, $0x182, v5  }
0x16b: {  	v4 =	vsel vm9, $0x151, v4;
	v5 =	vsel vm3, $0x183, v5  }
0x16c: {  	v4 =	vsel vm10, $0x152, v4;
	v5 =	vsel vm4, $0x1A0, v5  }
0x16d: {  	v6 =	vimm.s32 $0x1F3;
	v4 =	vsel vm11, $0x153, v4;
	v5 =	vsel vm5, $0x1A1, v5  }
0x16e: {  	[tilespmem:$0x7B0] =	vst v2;
	v2 =	vsel vm12, $0x170, v4;
	v4 =	vsel vm6, $0x1A2, v5;
	v5 =	vsel vm0, $0x190, v6  }
0x16f: {  	v3 =	vld.idx.msk [tilespmem:v3+s8+$0x0], $0xffff;
	v2 =	vsel vm13, $0x171, v2;
	v4 =	vsel vm7, $0x1A3, v4;
	v5 =	vsel vm1, $0x191, v5  }
0x170: {  	v2 =	vsel vm14, $0x172, v2;
	v4 =	vsel vm8, $0x1C0, v4;
	v5 =	vsel vm2, $0x192, v5  }
0x171: {  	v4 =	vsel vm9, $0x1C1, v4;
	v5 =	vsel vm3, $0x193, v5  }
0x172: {  	v4 =	vsel vm10, $0x1C2, v4;
	v5 =	vsel vm4, $0x1B0, v5  }
0x173: {  	v4 =	vsel vm11, $0x1C3, v4;
	v5 =	vsel vm5, $0x1B1, v5  }
0x174: {  	[tilespmem:$0x740] =	vst v3;
	v3 =	vsel vm12, $0x1E0, v4;
	v4 =	vsel vm6, $0x1B2, v5  }
0x175: {  	v2 =	vld.idx.msk [tilespmem:v2+s8+$0x0], $0xffff;
	v3 =	vsel vm13, $0x1E1, v3;
	v4 =	vsel vm7, $0x1B3, v4  }
0x176: {  	v3 =	vsel vm14, $0x1E2, v3;
	v4 =	vsel vm8, $0x1D0, v4  }
0x177: {  	v4 =	vsel vm9, $0x1D1, v4  }
0x178: {  	v4 =	vsel vm10, $0x1D2, v4  }
0x179: {  	v4 =	vsel vm11, $0x1D3, v4  }
0x17a: {  	[tilespmem:$0x7C0] =	vst v2;
	v2 =	vsel vm12, $0x1F0, v4  }
0x17b: {  	v3 =	vld.idx.msk [tilespmem:v3+s8+$0x0], $0xffff;
	v2 =	vsel vm13, $0x1F1, v2  }
0x17c: {  	v2 =	vsel vm14, $0x1F2, v2;
	_ =	sdelay $0x3  }
0x17d: {  	[tilespmem:$0x750] =	vst v3  }
0x17e: {  	v2 =	vld.idx.msk [tilespmem:v2+s8+$0x0], $0xffff;
	_ =	sdelay $0x4  }
0x17f: {  	s7 =	sshll.u32 s1, $0x4;
	[tilespmem:$0x7D0] =	vst v2  }
0x180: {  	v3 =	vld [tilespmem:s7+$0x7A0];
	_ =	sdelay $0x4  }
0x181: {  	v2 =	vld [tilespmem:s7+$0x720];
	[tilespmem:$0x820] =	vst v3;
	v4 =	vadd.s32 $0x4000, v3  }
0x182: {  	[tilespmem:$0x830] =	vst v4;
	v4 =	vadd.s32 $0x8000, v3  }
0x183: {  	[tilespmem:$0x840] =	vst v4;
	v4 =	vadd.s32 $0xC000, v3  }
0x184: {  	[tilespmem:$0x850] =	vst v4;
	v4 =	vadd.s32 $0x10000, v3  }
0x185: {  	[tilespmem:$0x860] =	vst v4;
	v4 =	vadd.s32 $0x14000, v3  }
0x186: {  	[tilespmem:$0x870] =	vst v4;
	v4 =	vadd.s32 $0x18000, v3  }
0x187: {  	[tilespmem:$0x880] =	vst v4;
	v4 =	vadd.s32 $0x1C000, v3  }
0x188: {  	[tilespmem:$0x890] =	vst v4;
	v4 =	vadd.s32 $0x20000, v3  }
0x189: {  	[tilespmem:$0x8A0] =	vst v4;
	v4 =	vadd.s32 $0x24000, v3  }
0x18a: {  	[tilespmem:$0x8B0] =	vst v4;
	v4 =	vadd.s32 $0x28000, v3  }
0x18b: {  	[tilespmem:$0x8C0] =	vst v4;
	v4 =	vadd.s32 $0x2C000, v3  }
0x18c: {  	[tilespmem:$0x8D0] =	vst v4;
	v4 =	vadd.s32 $0x30000, v3  }
0x18d: {  	[tilespmem:$0x8E0] =	vst v4;
	v4 =	vadd.s32 $0x34000, v3  }
0x18e: {  	[tilespmem:$0x8F0] =	vst v4;
	v4 =	vadd.s32 $0x38000, v3  }
0x18f: {  	[tilespmem:$0x900] =	vst v4;
	v4 =	vadd.s32 $0x3C000, v3  }
0x190: {  	[tilespmem:$0x910] =	vst v4;
	v4 =	vadd.s32 $0x40000, v3  }
0x191: {  	[tilespmem:$0x920] =	vst v4;
	v4 =	vadd.s32 $0x44000, v3  }
0x192: {  	[tilespmem:$0x930] =	vst v4  }
0x193: {  	v4 =	vld [tilespmem:s7+$0x200];
	_ =	sdelay $0x4  }
0x194: {  	v4 =	vshll.u32 v4, $0xE  }
0x195: {  	v4 =	vadd.s32 v3, v4  }
0x196: {  	s31 =	simm.s32 $0x60;
	s11 =	simm.s32 $0x820;
	s10 =	simm.s32 $0xA20;
	[tilespmem:$0x9A0] =	vst v4  }
0x197: {  	[tilespmem:s10], [sflag:$0x1] =	stream.indirect.gather [hbm4b:s6+s31], $0x1, s11, s31, $0xb8;
	[tilespmem:$0xE20] =	vst v63  }
0x198: {  	s12 =	simm.s32 $0xBA0  }
0x199: {  	[tilespmem:s12], [sflag:$0x2] =	stream.indirect.gather [hbm4b:s5+s31], $0x1, s11, s31, $0xb8;
	[tilespmem:$0xE20] =	vst v63  }
0x19a: {  	s13 =	simm.s32 $0x880;
	s14 =	simm.s32 $0xA80  }
0x19b: {  	[tilespmem:s14], [sflag:$0x1] =	stream.indirect.gather [hbm4b:s6+s31], $0x1, s13, s31, $0xb8;
	[tilespmem:$0xE20] =	vst v63  }
0x19c: {  	s15 =	simm.s32 $0xC00;
	s16 =	simm.s32 $0x8E0  }
0x19d: {  	[tilespmem:s15], [sflag:$0x2] =	stream.indirect.gather [hbm4b:s5+s31], $0x1, s13, s31, $0xb8;
	[tilespmem:$0xE20] =	vst v63  }
0x19e: {  	s17 =	simm.s32 $0xAE0;
	s18 =	simm.s32 $0xC60;
	s19 =	simm.s32 $0x10  }
0x19f: {  	v6 =	vmov s4;
	[tilespmem:s17], [sflag:$0x1] =	stream.indirect.gather [hbm4b:s6+s31], $0x1, s16, s31, $0xb8;
	[tilespmem:$0xE20] =	vst v63  }
0x1a0: {  	s20 =	simm.s32 $0x9A0;
	s22 =	simm.s32 $0x3;
	s23 =	simm.s32 $0x2  }
0x1a1: {  	v7 =	vmov s22;
	[tilespmem:s18], [sflag:$0x2] =	stream.indirect.gather [hbm4b:s5+s31], $0x1, s16, s31, $0xb8;
	[tilespmem:$0xE20] =	vst v63  }
0x1a2: {  	s21 =	simm.s32 $0xD20;
	s24 =	simm.s32 $0x1;
	v8 =	vmov s23;
	s8 =	simm.s32 $0x7A0  }
0x1a3: {  	v10 =	vmov s24;
	[tilespmem:s21], [sflag:$0x3] =	stream.indirect.gather [hbm4b:s3+s19], $0x1, s20, s19, $0xb8;
	[tilespmem:$0xE20] =	vst v63  }
0x1a4: {  	s6 =	simm.s32 $0x720;
	v12 =	vld.idx.msk [tilespmem:v6+s8+$0x0], $0xffff  }
0x1a5: {  	v13 =	vld.idx.msk [tilespmem:v6+s6+$0x0], $0xffff  }
0x1a6: {  	v14 =	vld.idx.msk [tilespmem:v7+s8+$0x0], $0xffff  }
0x1a7: {  	v15 =	vld.idx.msk [tilespmem:v8+s8+$0x0], $0xffff  }
0x1a8: {  	s29 =	simm.s32 $0x6;
	v16 =	vld.idx.msk [tilespmem:v10+s8+$0x0], $0xffff  }
0x1a9: {  	s25 =	simm.s32 $0x4;
	v11 =	vmov s29;
	v17 =	vld.idx.msk [tilespmem:v7+s6+$0x0], $0xffff  }
0x1aa: {  	v1 =	vor.u32 s7, v1;
	vm0 =	vmxor vm0, vm0;
	v5 =	vmov s25;
	v9 =	vld.idx.msk [tilespmem:v8+s6+$0x0], $0xffff  }
0x1ab: {  	s26 =	simm.s32 $0x7;
	s28 =	simm.s32 $0x5;
	vm2 =	vlt.u32 v8, v1;
	vm6 =	vlt.u32 v10, v1;
	vm7 =	vlt.u32 v7, v1;
	v18 =	vld.idx.msk [tilespmem:v10+s6+$0x0], $0xffff  }
0x1ac: {  	vm12 =	vlt.u32 v6, v1;
	v4 =	vmov s26;
	v6 =	vmov s28  }
0x1ad: {  	s30 =	sshll.u32 s1, $0x1;
	vm4 =	veq.s32 v12, v3;
	vm8 =	vlt.f32 v13, v2;
	vm13 =	veq.f32 v13, v2  }
0x1ae: {  	s31 =	sadd.s32 s30, s2;
	vm3 =	veq.s32 v15, v3;
	vm1 =	veq.s32 v14, v3;
	vm5 =	vlt.f32 v17, v2  }
0x1af: {  	s9 =	simm.s32 $0x8;
	s2 =	sadd.s32 $0xA08, s31;
	v7 =	vld.idx.msk [tilespmem:v5+s8+$0x0], $0xffff;
	vm9 =	veq.s32 v16, v3;
	vm10 =	vlt.f32 v9, v2;
	vm11 =	veq.f32 v17, v2  }
0x1b0: {  	s5 =	sadd.s32 $0xA10, s31;
	s4 =	sadd.s32 $0xA18, s31;
	s3 =	sadd.s32 $0xA00, s31;
	v8 =	vld.idx.msk [tilespmem:v5+s6+$0x0], $0xffff;
	v10 =	vmovc v11;
	vm14 =	veq.f32 v18, v2;
	vm12 =	vmand vm12, vm13;
	vm13 =	vlt.f32 v18, v2  }
.LBB2_2:
0x1b1: {  	p0 =	sne.s32 s9, $0x3C;
	v12 =	vld.idx.msk [tilespmem:v4+s8+$0x0], $0xffff;
	vm6 =	vmand vm6, vm14;
	vm14 =	veq.f32 v9, v2;
	vm7 =	vmand vm7, vm11  }
0x1b2: {  	vm8 =	vmor vm8, vm12;
	v13 =	vld.idx.msk [tilespmem:v11+s8+$0x0], $0xffff;
	vm6 =	vmor vm13, vm6;
	vm2 =	vmand vm2, vm14  }
0x1b3: {  	vm4 =	vmand vm4, vm8;
	v14 =	vld.idx.msk [tilespmem:v6+s8+$0x0], $0xffff;
	vm6 =	vmand vm9, vm6;
	vm2 =	vmor vm10, vm2  }
0x1b4: {  	v15 =	vld.idx.msk [tilespmem:v4+s6+$0x0], $0xffff;
	vm4 =	vmor vm4, vm6;
	vm2 =	vmand vm3, vm2;
	vm3 =	vmor vm5, vm7  }
0x1b5: {  	s10 =	sadd.s32 $0x3, s9;
	v11 =	vmov s9;
	v9 =	vld.idx.msk [tilespmem:v10+s6+$0x0], $0xffff;
	vm2 =	vmor vm4, vm2;
	vm1 =	vmand vm1, vm3  }
0x1b6: {  	s11 =	sadd.s32 $0x1, s9;
	s12 =	sadd.s32 $0x2, s9;
	vm12 =	vlt.u32 v5, v1;
	v16 =	vmov s10;
	v5 =	vmovc v11;
	v17 =	vld.idx.msk [tilespmem:v6+s6+$0x0], $0xffff;
	vm1 =	vmor vm2, vm1  }
0x1b7: {  	v18 =	vmov s11;
	v11 =	vmov s12;
	vm0 =	vmor vm0, vm1  }
.Ltmp1:
0x1b8: {  	vm6 =	vlt.u32 v6, v1;
	vm7 =	vlt.u32 v4, v1;
	v4 =	vmovc v16;
	vm2 =	vlt.u32 v10, v1;
	(pc) =	sbr.rel @p0 .LBB2_2-.Ltmp1, $4  }
0x1b9: {  	vm4 =	veq.s32 v7, v3;
	vm8 =	vlt.f32 v8, v2;
	vm13 =	veq.f32 v8, v2;
	v6 =	vmovc v18  }
0x1ba: {  	v10 =	vmovc v11;
	vm3 =	veq.s32 v13, v3;
	vm1 =	veq.s32 v12, v3;
	vm5 =	vlt.f32 v15, v2  }
0x1bb: {  	vm9 =	veq.s32 v14, v3;
	vm11 =	veq.f32 v15, v2;
	vm10 =	vlt.f32 v9, v2;
	v7 =	vld.idx.msk [tilespmem:v5+s8+$0x0], $0xffff  }
0x1bc: {  	s9 =	sadd.s32 $0x4, s9;
	vm12 =	vmand vm12, vm13;
	vm13 =	vlt.f32 v17, v2;
	vm14 =	veq.f32 v17, v2;
	v8 =	vld.idx.msk [tilespmem:v5+s6+$0x0], $0xffff  }
0x1bd: {  	_ =	sdelay $0x3  }
0x1be: {  	v12 =	vld.idx.msk [tilespmem:v4+s8+$0x0], $0xffff  }
0x1bf: {  	vm6 =	vmand vm6, vm14;
	vm14 =	veq.f32 v9, v2;
	vm7 =	vmand vm7, vm11;
	v39 =	vld.idx.msk [tilespmem:v11+s8+$0x0], $0xffff  }
0x1c0: {  	vm8 =	vmor vm8, vm12;
	v40 =	vld.idx.msk [tilespmem:v6+s8+$0x0], $0xffff;
	vm6 =	vmor vm13, vm6;
	vm2 =	vmand vm2, vm14  }
0x1c1: {  	v13 =	vld.idx.msk [tilespmem:v4+s6+$0x0], $0xffff;
	vm4 =	vmand vm4, vm8;
	vm14 =	vmor vm5, vm7;
	vm5 =	vlt.u32 v10, v1  }
0x1c2: {  	v14 =	vld.idx.msk [tilespmem:v6+s6+$0x0], $0xffff;
	vm6 =	vmand vm9, vm6;
	vm2 =	vmor vm10, vm2;
	vm1 =	vmand vm1, vm14  }
0x1c3: {  	v41 =	vld.idx.msk [tilespmem:v10+s6+$0x0], $0xffff;
	vm4 =	vmor vm4, vm6;
	vm2 =	vmand vm3, vm2;
	vm3 =	vlt.u32 v5, v1  }
0x1c4: {  	vm6 =	vlt.u32 v4, v1;
	vm7 =	veq.s32 v7, v3;
	vm2 =	vmor vm4, vm2  }
0x1c5: {  	vm4 =	vlt.u32 v6, v1;
	vm8 =	vlt.f32 v8, v2;
	vm9 =	veq.f32 v8, v2  }
0x1c6: {  	vm10 =	veq.s32 v39, v3;
	vm11 =	veq.s32 v12, v3;
	vm12 =	vlt.f32 v13, v2  }
0x1c7: {  	vm13 =	veq.s32 v40, v3;
	vm3 =	vmand vm3, vm9;
	vm9 =	veq.f32 v14, v2  }
0x1c8: {  	vm14 =	veq.f32 v13, v2;
	vm15 =	vlt.f32 v41, v2;
	vm4 =	vmand vm4, vm9  }
0x1c9: {  	vm9 =	vlt.f32 v14, v2;
	vm6 =	vmand vm6, vm14;
	vm14 =	veq.f32 v41, v2  }
0x1ca: {  	vm3 =	vmor vm8, vm3;
	vm4 =	vmor vm9, vm4;
	vm5 =	vmand vm5, vm14  }
0x1cb: {  	vm3 =	vmand vm7, vm3;
	vm4 =	vmand vm13, vm4;
	vm5 =	vmor vm15, vm5  }
0x1cc: {  	vm15 =	vmor vm12, vm6;
	vm3 =	vmor vm3, vm4;
	vm14 =	vmand vm10, vm5  }
0x1cd: {  	vm1 =	vmor vm2, vm1;
	vm9 =	vmand vm11, vm15;
	vm8 =	vmor vm3, vm14  }
0x1ce: {  	vm0 =	vmor vm0, vm1;
	vm10 =	vmor vm8, vm9  }
0x1cf: {  	v42 =	vimm.f32 $1.000000000e+00;
	vm0 =	vmor vm0, vm10  }
0x1d0: {  	v1 =	vsel vm0, $0x0, v42  }
0x1d1: {  	(xrf2) =	vadd.scan.msk.f32 $0xffff, v1;
	_ =	sdelay $0x9  }
0x1d2: {  	s23 =	simm.s32 $0x1;
	v2, _, _ =	vpop (xrf2)  }
0x1d3: {  	_ =	swait.ge [sflag:s23], $0x60  }
0x1d4: {  	[sflag:s23] =	ssyncset.done $0x0  }
0x1d5: {  	s24 =	simm.s32 $0x2;
	[sflag:s23] =	ssyncadd.s32 $0xFFFFFFA0  }
0x1d6: {  	_ =	swait.ge [sflag:s24], $0x60  }
0x1d7: {  	[sflag:s24] =	ssyncset.done $0x0  }
0x1d8: {  	[sflag:s24] =	ssyncadd.s32 $0xFFFFFFA0  }
0x1d9: {  	_ =	swait.ge [sflag:s23], $0x60  }
0x1da: {  	[sflag:s23] =	ssyncset.done $0x0  }
0x1db: {  	[sflag:s23] =	ssyncadd.s32 $0xFFFFFFA0  }
0x1dc: {  	_ =	swait.ge [sflag:s24], $0x60  }
0x1dd: {  	[sflag:s24] =	ssyncset.done $0x0  }
0x1de: {  	[sflag:s24] =	ssyncadd.s32 $0xFFFFFFA0  }
0x1df: {  	_ =	swait.ge [sflag:s23], $0x60  }
0x1e0: {  	[sflag:s23] =	ssyncset.done $0x0  }
0x1e1: {  	[sflag:s23] =	ssyncadd.s32 $0xFFFFFFA0  }
0x1e2: {  	_ =	swait.ge [sflag:s24], $0x60  }
0x1e3: {  	[sflag:s24] =	ssyncset.done $0x0  }
0x1e4: {  	s25 =	simm.s32 $0x3;
	[sflag:s24] =	ssyncadd.s32 $0xFFFFFFA0  }
0x1e5: {  	_ =	swait.ge [sflag:s25], $0x10  }
0x1e6: {  	[sflag:s25] =	ssyncset.done $0x0  }
0x1e7: {  	[sflag:s25] =	ssyncadd.s32 $0xFFFFFFF0  }
0x1e8: {  	v43 =	vld [tilespmem:$0xA20];
	_ =	sdelay $0x1  }
0x1e9: {  	v44 =	vshra.s32 v3, $0x7  }
0x1ea: {  	v45 =	vcvt.s32.f32 v44;
	v4 =	vld [tilespmem:s7+$0x380]  }
0x1eb: {  	v46 =	vld [tilespmem:$0xA30]  }
0x1ec: {  	v8 =	vmul.f32 $8.000000000e+00, v45;
	v5 =	vmul.f32 $8.000000000e+00, v43  }
0x1ed: {  	v47 =	vand.u32 $0x7F, v3;
	v3 =	vld [tilespmem:s7+$0x400]  }
0x1ee: {  	v48 =	vcvt.s32.f32 v47;
	v6 =	vld [tilespmem:s7+$0x3C0];
	v49 =	vadd.f32 v5, v8  }
0x1ef: {  	v50 =	vld [tilespmem:$0xA40]  }
0x1f0: {  	v7 =	vmul.f32 $8.000000000e+00, v48;
	v9 =	vmul.f32 $8.000000000e+00, v46;
	v51 =	vsub.f32 v4, v49  }
0x1f1: {  	v5 =	vld [tilespmem:s7+$0x440]  }
0x1f2: {  	v9 =	vadd.f32 v9, v7;
	v52 =	vsub.f32 v49, v3;
	v12 =	vmax.f32 v51, $0.0e+00  }
0x1f3: {  	v53 =	vld [tilespmem:$0xA50];
	v12 =	vadd.f32 $0.0e+00, v12  }
0x1f4: {  	v11 =	vmul.f32 $8.000000000e+00, v50;
	v15 =	vsub.f32 v6, v9;
	v13 =	vmax.f32 v52, $0.0e+00  }
0x1f5: {  	v12 =	vadd.f32 v12, v13  }
0x1f6: {  	v11 =	vadd.f32 v11, v8;
	v54 =	vmax.f32 v15, $0.0e+00;
	v55 =	vsub.f32 v9, v5  }
0x1f7: {  	v56 =	vld [tilespmem:$0xA60];
	v12 =	vadd.f32 v12, v54  }
0x1f8: {  	v14 =	vmul.f32 $8.000000000e+00, v53;
	v16 =	vsub.f32 v4, v11;
	v15 =	vmax.f32 v55, $0.0e+00  }
0x1f9: {  	v12 =	vadd.f32 v12, v15  }
0x1fa: {  	v14 =	vadd.f32 v14, v7;
	v58 =	vsub.f32 v11, v3;
	v57 =	vmax.f32 v16, $0.0e+00  }
0x1fb: {  	v59 =	vld [tilespmem:$0xA70];
	v12 =	vadd.f32 v12, v57  }
0x1fc: {  	v17 =	vsub.f32 v6, v14;
	v16 =	vmax.f32 v58, $0.0e+00;
	v13 =	vmul.f32 $8.000000000e+00, v56  }
0x1fd: {  	v12 =	vadd.f32 v12, v16  }
0x1fe: {  	v60 =	vmax.f32 v17, $0.0e+00;
	v61 =	vsub.f32 v14, v5;
	v13 =	vadd.f32 v13, v8  }
0x1ff: {  	v62 =	vld [tilespmem:$0xA80];
	v12 =	vadd.f32 v12, v60  }
0x200: {  	v47 =	vld [tilespmem:$0xAF0];
	v17 =	vmax.f32 v61, $0.0e+00;
	v15 =	vmul.f32 $8.000000000e+00, v59;
	v18 =	vsub.f32 v4, v13  }
0x201: {  	v12 =	vadd.f32 v12, v17  }
0x202: {  	v21 =	vsub.f32 v13, v3;
	v15 =	vadd.f32 v15, v7;
	v63 =	vmax.f32 v18, $0.0e+00  }
0x203: {  	v22 =	vld [tilespmem:$0xA90];
	v10 =	vmax.f32 v49, v11;
	v12 =	vadd.f32 v12, v63  }
0x204: {  	v18 =	vmax.f32 v21, $0.0e+00;
	v19 =	vsub.f32 v6, v15;
	v16 =	vmul.f32 $8.000000000e+00, v62  }
0x205: {  	v32 =	vmin.f32 v9, v14;
	v52 =	vmul.f32 $8.000000000e+00, v47;
	v12 =	vadd.f32 v12, v18  }
0x206: {  	v24 =	vsub.f32 v15, v5;
	v23 =	vmax.f32 v19, $0.0e+00;
	v16 =	vadd.f32 v16, v8  }
0x207: {  	v25 =	vld [tilespmem:$0xAA0];
	v9 =	vmax.f32 v9, v14;
	v10 =	vmax.f32 v10, v13;
	v12 =	vadd.f32 v12, v23  }
0x208: {  	v41 =	vld [tilespmem:$0xAE0];
	v19 =	vmax.f32 v24, $0.0e+00;
	v17 =	vmul.f32 $8.000000000e+00, v22;
	v20 =	vsub.f32 v4, v16  }
0x209: {  	v9 =	vmax.f32 v9, v15;
	v27 =	vsub.f32 v16, v3;
	v12 =	vadd.f32 v12, v19  }
0x20a: {  	v22 =	vmin.f32 v49, v11;
	v17 =	vadd.f32 v17, v7;
	v26 =	vmax.f32 v20, $0.0e+00  }
0x20b: {  	v28 =	vld [tilespmem:$0xAB0];
	v11 =	vmin.f32 v32, v15;
	v10 =	vmax.f32 v10, v16;
	v12 =	vadd.f32 v12, v26  }
0x20c: {  	v61 =	vld [tilespmem:$0xBB0];
	v20 =	vmax.f32 v27, $0.0e+00;
	v21 =	vsub.f32 v6, v17;
	v18 =	vmul.f32 $8.000000000e+00, v25  }
0x20d: {  	v35 =	vmin.f32 v22, v13;
	v13 =	vmul.f32 $8.000000000e+00, v41;
	v12 =	vadd.f32 v12, v20  }
0x20e: {  	v59 =	vld [tilespmem:$0xB10];
	v30 =	vsub.f32 v17, v5;
	v29 =	vmax.f32 v21, $0.0e+00;
	v18 =	vadd.f32 v18, v8  }
0x20f: {  	v31 =	vld [tilespmem:$0xAC0];
	v14 =	vmin.f32 v35, v16;
	v16 =	vadd.f32 v52, v7;
	v12 =	vadd.f32 v12, v29  }
0x210: {  	v21 =	vmax.f32 v30, $0.0e+00;
	v19 =	vmul.f32 $8.000000000e+00, v28;
	v23 =	vsub.f32 v4, v18  }
0x211: {  	v15 =	vmul.f32 $8.000000000e+00, v61;
	v13 =	vadd.f32 v13, v8;
	v12 =	vadd.f32 v12, v21  }
0x212: {  	v34 =	vsub.f32 v18, v3;
	v19 =	vadd.f32 v19, v7;
	v33 =	vmax.f32 v23, $0.0e+00  }
0x213: {  	v36 =	vld [tilespmem:$0xAD0];
	v27 =	vmul.f32 $8.000000000e+00, v59;
	v57 =	vsub.f32 v6, v16;
	v12 =	vadd.f32 v12, v33  }
0x214: {  	v37 =	vmax.f32 v34, $0.0e+00;
	v38 =	vsub.f32 v6, v19;
	v20 =	vmul.f32 $8.000000000e+00, v31  }
0x215: {  	v11 =	vmin.f32 v11, v17;
	v62 =	vsub.f32 v16, v5;
	v12 =	vadd.f32 v12, v37  }
0x216: {  	v40 =	vsub.f32 v19, v5;
	v39 =	vmax.f32 v38, $0.0e+00;
	v20 =	vadd.f32 v20, v8  }
0x217: {  	v53 =	vld [tilespmem:$0xB00];
	v9 =	vmax.f32 v9, v17;
	v54 =	vsub.f32 v4, v13;
	v12 =	vadd.f32 v12, v39  }
0x218: {  	v42 =	vmax.f32 v40, $0.0e+00;
	v21 =	vmul.f32 $8.000000000e+00, v36;
	v43 =	vsub.f32 v4, v20  }
0x219: {  	v56 =	vsub.f32 v13, v3;
	v60 =	vmax.f32 v57, $0.0e+00;
	v12 =	vadd.f32 v12, v42  }
0x21a: {  	v46 =	vsub.f32 v20, v3;
	v44 =	vadd.f32 v21, v7;
	v45 =	vmax.f32 v43, $0.0e+00  }
0x21b: {  	v14 =	vmin.f32 v14, v18;
	v10 =	vmax.f32 v10, v18;
	v12 =	vadd.f32 v12, v45  }
0x21c: {  	v18 =	vmul.f32 $8.000000000e+00, v53;
	v48 =	vmax.f32 v46, $0.0e+00;
	v49 =	vsub.f32 v6, v44  }
0x21d: {  	v55 =	vld [tilespmem:$0xBA0];
	v25 =	vmax.f32 v62, $0.0e+00;
	v58 =	vmax.f32 v56, $0.0e+00;
	v12 =	vadd.f32 v12, v48  }
0x21e: {  	v18 =	vadd.f32 v18, v8;
	v51 =	vsub.f32 v44, v5;
	v50 =	vmax.f32 v49, $0.0e+00  }
0x21f: {  	v11 =	vmin.f32 v11, v19;
	v9 =	vmax.f32 v9, v19;
	v12 =	vadd.f32 v12, v50  }
0x220: {  	v19 =	vmax.f32 v54, $0.0e+00;
	v26 =	vsub.f32 v4, v18;
	v29 =	vld [tilespmem:$0xBC0];
	v17 =	vmax.f32 v51, $0.0e+00  }
0x221: {  	v28 =	vsub.f32 v18, v3;
	v14 =	vmin.f32 v14, v20;
	v12 =	vadd.f32 v12, v17  }
0x222: {  	v10 =	vmax.f32 v10, v20;
	v14 =	vmin.f32 v14, v13;
	v17 =	vmul.f32 $8.000000000e+00, v55  }
0x223: {  	v36 =	vld [tilespmem:$0xB20];
	v11 =	vmin.f32 v11, v44;
	v9 =	vmax.f32 v9, v44;
	v12 =	vadd.f32 v12, v19  }
0x224: {  	v63 =	vmin.f32 v11, v16;
	v16 =	vmax.f32 v9, v16;
	v9 =	vadd.f32 v17, v8  }
0x225: {  	v10 =	vmax.f32 v10, v13;
	v19 =	vmul.f32 $8.000000000e+00, v29;
	v12 =	vadd.f32 v12, v58  }
0x226: {  	v13 =	vmax.f32 v26, $0.0e+00;
	v14 =	vmin.f32 v14, v18;
	v30 =	vsub.f32 v4, v9  }
0x227: {  	v10 =	vmax.f32 v10, v18;
	v19 =	vadd.f32 v19, v8;
	v24 =	vadd.f32 v12, v60  }
0x228: {  	v42 =	vmul.f32 $8.000000000e+00, v36;
	v32 =	vsub.f32 v9, v3;
	v12 =	vadd.f32 v27, v7  }
0x229: {  	v33 =	vld [tilespmem:$0xBD0];
	v17 =	vmax.f32 v28, $0.0e+00;
	v26 =	vsub.f32 v4, v19;
	v11 =	vadd.f32 v24, v25  }
0x22a: {  	v43 =	vld [tilespmem:$0xBF0];
	v31 =	vmax.f32 v30, $0.0e+00;
	v41 =	vsub.f32 v19, v3;
	v35 =	vsub.f32 v6, v12  }
0x22b: {  	v20 =	vmax.f32 v32, $0.0e+00;
	v25 =	vld [tilespmem:$0xB30];
	v13 =	vadd.f32 v11, v13;
	v11 =	vadd.f32 v15, v7  }
0x22c: {  	v24 =	vsub.f32 v12, v5;
	v40 =	vmax.f32 v26, $0.0e+00;
	v15 =	vadd.f32 $0.0e+00, v31  }
0x22d: {  	v18 =	vmax.f32 v35, $0.0e+00;
	v13 =	vadd.f32 v13, v17;
	v34 =	vsub.f32 v6, v11  }
0x22e: {  	v15 =	vadd.f32 v15, v20;
	v37 =	vsub.f32 v11, v5;
	v17 =	vmul.f32 $8.000000000e+00, v33  }
0x22f: {  	v20 =	vmul.f32 $8.000000000e+00, v43;
	v22 =	vmax.f32 v34, $0.0e+00;
	v13 =	vadd.f32 v13, v18  }
0x230: {  	v38 =	vld [tilespmem:$0xBE0];
	v25 =	vmul.f32 $8.000000000e+00, v25;
	v17 =	vadd.f32 v17, v7;
	v15 =	vadd.f32 v15, v22  }
0x231: {  	v23 =	vmax.f32 v37, $0.0e+00;
	v18 =	vadd.f32 v42, v8;
	v20 =	vadd.f32 v20, v7  }
0x232: {  	v39 =	vmax.f32 v24, $0.0e+00;
	v25 =	vadd.f32 v25, v7;
	v15 =	vadd.f32 v15, v23  }
0x233: {  	v44 =	vmax.f32 v41, $0.0e+00;
	v13 =	vadd.f32 v13, v39;
	v45 =	vsub.f32 v6, v17  }
0x234: {  	v21 =	vmin.f32 v63, v12;
	v47 =	vsub.f32 v17, v5;
	v15 =	vadd.f32 v15, v40  }
0x235: {  	v48 =	vld [tilespmem:$0xC00];
	v22 =	vmul.f32 $8.000000000e+00, v38;
	v50 =	vsub.f32 v4, v18;
	v27 =	vsub.f32 v18, v3  }
0x236: {  	v12 =	vmax.f32 v16, v12;
	v28 =	vsub.f32 v6, v20;
	v15 =	vadd.f32 v15, v44  }
0x237: {  	v56 =	vsub.f32 v20, v5;
	v22 =	vadd.f32 v22, v8;
	v46 =	vmax.f32 v45, $0.0e+00  }
0x238: {  	v14 =	vmin.f32 v14, v18;
	v18 =	vmax.f32 v10, v18;
	v15 =	vadd.f32 v15, v46  }
0x239: {  	v60 =	vsub.f32 v6, v25;
	v24 =	vmax.f32 v47, $0.0e+00;
	v49 =	vsub.f32 v4, v22  }
0x23a: {  	v23 =	vmul.f32 $8.000000000e+00, v48;
	v63 =	vsub.f32 v25, v5;
	v15 =	vadd.f32 v15, v24  }
0x23b: {  	v21 =	vmin.f32 v21, v25;
	v52 =	vsub.f32 v22, v3;
	v51 =	vmax.f32 v49, $0.0e+00  }
0x23c: {  	v53 =	vld [tilespmem:$0xC10];
	v12 =	vmax.f32 v12, v25;
	v14 =	vsub.f32 v14, v4;
	v15 =	vadd.f32 v15, v51  }
0x23d: {  	v18 =	vsub.f32 v18, v3;
	v16 =	vmax.f32 v50, $0.0e+00;
	v26 =	vmax.f32 v52, $0.0e+00  }
0x23e: {  	v54 =	vmax.f32 v27, $0.0e+00;
	v55 =	vmax.f32 v28, $0.0e+00;
	v15 =	vadd.f32 v15, v26  }
0x23f: {  	v57 =	vld [tilespmem:$0xC20];
	v58 =	vmax.f32 v56, $0.0e+00;
	v21 =	vsub.f32 v21, v6;
	v23 =	vadd.f32 v23, v8  }
0x240: {  	v50 =	vmin.f32 v9, v19;
	v9 =	vmax.f32 v9, v19;
	v15 =	vadd.f32 v15, v55  }
0x241: {  	v12 =	vsub.f32 v12, v5;
	v59 =	vsub.f32 v4, v23;
	v24 =	vmul.f32 $8.000000000e+00, v53  }
0x242: {  	v13 =	vadd.f32 v13, v16;
	v10 =	vmax.f32 v60, $0.0e+00;
	v15 =	vadd.f32 v15, v58  }
0x243: {  	v62 =	vsub.f32 v23, v3;
	v61 =	vmax.f32 v59, $0.0e+00;
	v24 =	vadd.f32 v24, v7  }
0x244: {  	v32 =	vld [tilespmem:$0xC30];
	v16 =	vmul.f32 $8.000000000e+00, v57;
	v33 =	vmax.f32 v63, $0.0e+00;
	v15 =	vadd.f32 v15, v61  }
0x245: {  	v14 =	vand.u32 $0x7FFFFFFF, v14;
	v27 =	vmax.f32 v62, $0.0e+00;
	v29 =	vsub.f32 v6, v24  }
0x246: {  	v18 =	vand.u32 $0x7FFFFFFF, v18;
	v56 =	vmin.f32 v50, v22;
	v15 =	vadd.f32 v15, v27  }
0x247: {  	v31 =	vld [tilespmem:$0xC90];
	v16 =	vadd.f32 v16, v8;
	v35 =	vsub.f32 v24, v5;
	v34 =	vmax.f32 v29, $0.0e+00  }
0x248: {  	v37 =	vld [tilespmem:$0xC40];
	v9 =	vmax.f32 v9, v22;
	v13 =	vadd.f32 v13, v54;
	v36 =	vadd.f32 v15, v34  }
0x249: {  	v39 =	vsub.f32 v4, v16;
	v26 =	vmul.f32 $8.000000000e+00, v32;
	v38 =	vmax.f32 v35, $0.0e+00  }
0x24a: {  	v21 =	vand.u32 $0x7FFFFFFF, v21;
	v10 =	vadd.f32 v13, v10;
	v13 =	vadd.f32 v36, v38  }
0x24b: {  	v42 =	vsub.f32 v16, v3;
	v41 =	vmax.f32 v39, $0.0e+00;
	v40 =	vadd.f32 v26, v7  }
0x24c: {  	v43 =	vld [tilespmem:$0xC50];
	v22 =	vmul.f32 $8.000000000e+00, v31;
	v14 =	vadd.f32 v21, v14;
	v13 =	vadd.f32 v13, v41  }
0x24d: {  	v47 =	vld [tilespmem:$0xC60];
	v44 =	vsub.f32 v6, v40;
	v27 =	vmax.f32 v42, $0.0e+00;
	v15 =	vmul.f32 $8.000000000e+00, v37  }
0x24e: {  	v12 =	vand.u32 $0x7FFFFFFF, v12;
	v22 =	vadd.f32 v22, v7;
	v13 =	vadd.f32 v13, v27  }
0x24f: {  	v46 =	vsub.f32 v40, v5;
	v45 =	vmax.f32 v44, $0.0e+00;
	v15 =	vadd.f32 v15, v8  }
0x250: {  	v9 =	vmax.f32 v9, v23;
	v14 =	vadd.f32 v14, v18;
	v13 =	vadd.f32 v13, v45  }
0x251: {  	v26 =	vmul.f32 $8.000000000e+00, v43;
	v48 =	vmax.f32 v46, $0.0e+00;
	v49 =	vsub.f32 v4, v15  }
0x252: {  	v21 =	vmul.f32 $8.000000000e+00, v47;
	v47 =	vsub.f32 v22, v5;
	v13 =	vadd.f32 v13, v48  }
0x253: {  	v26 =	vadd.f32 v26, v7;
	v52 =	vsub.f32 v15, v3;
	v51 =	vmax.f32 v49, $0.0e+00  }
0x254: {  	v54 =	vld [tilespmem:$0xC70];
	v9 =	vmax.f32 v9, v16;
	v10 =	vadd.f32 v10, v33;
	v13 =	vadd.f32 v13, v51  }
0x255: {  	v53 =	vmin.f32 v11, v17;
	v55 =	vsub.f32 v6, v26;
	v28 =	vmax.f32 v52, $0.0e+00  }
0x256: {  	v59 =	vld [tilespmem:$0xC80];
	v11 =	vmax.f32 v11, v17;
	v21 =	vadd.f32 v21, v8;
	v13 =	vadd.f32 v13, v28  }
0x257: {  	v17 =	vmin.f32 v56, v23;
	v58 =	vsub.f32 v26, v5;
	v57 =	vmax.f32 v55, $0.0e+00  }
0x258: {  	v19 =	vmin.f32 v53, v20;
	v11 =	vmax.f32 v11, v20;
	v13 =	vadd.f32 v13, v57  }
0x259: {  	v61 =	vsub.f32 v4, v21;
	v60 =	vmax.f32 v58, $0.0e+00;
	v27 =	vmul.f32 $8.000000000e+00, v54  }
0x25a: {  	v17 =	vmin.f32 v17, v16;
	v30 =	vsub.f32 v21, v3;
	v13 =	vadd.f32 v13, v60  }
0x25b: {  	v18 =	vmul.f32 $8.000000000e+00, v59;
	v63 =	vmax.f32 v61, $0.0e+00;
	v62 =	vadd.f32 v27, v7  }
0x25c: {  	v39 =	vld [tilespmem:$0xCA0];
	v19 =	vmin.f32 v19, v24;
	v32 =	vmax.f32 v30, $0.0e+00;
	v13 =	vadd.f32 v13, v63  }
0x25d: {  	v11 =	vmax.f32 v11, v24;
	v18 =	vadd.f32 v18, v8;
	v33 =	vsub.f32 v6, v62  }
0x25e: {  	v43 =	vsub.f32 v6, v22;
	v11 =	vmax.f32 v11, v40;
	v13 =	vadd.f32 v13, v32  }
0x25f: {  	v11 =	vmax.f32 v11, v26;
	v35 =	vsub.f32 v62, v5;
	v34 =	vmax.f32 v33, $0.0e+00  }
0x260: {  	v36 =	vmin.f32 v19, v40;
	v38 =	vsub.f32 v4, v18;
	v13 =	vadd.f32 v13, v34  }
0x261: {  	v40 =	vsub.f32 v18, v3;
	v19 =	vmul.f32 $8.000000000e+00, v39;
	v37 =	vmax.f32 v35, $0.0e+00  }
0x262: {  	v44 =	vld [tilespmem:$0xCB0];
	v17 =	vmin.f32 v17, v15;
	v23 =	vmax.f32 v38, $0.0e+00;
	v13 =	vadd.f32 v13, v37  }
0x263: {  	v9 =	vmax.f32 v9, v15;
	v41 =	vmin.f32 v36, v26;
	v8 =	vadd.f32 v19, v8  }
0x264: {  	v17 =	vmin.f32 v17, v21;
	v9 =	vmax.f32 v9, v21;
	v13 =	vadd.f32 v13, v23  }
0x265: {  	v42 =	vmax.f32 v40, $0.0e+00;
	v46 =	vmin.f32 v17, v18;
	v9 =	vmax.f32 v9, v18  }
0x266: {  	v17 =	vmax.f32 v47, $0.0e+00;
	v19 =	vsub.f32 v4, v8;
	v13 =	vadd.f32 v13, v42  }
0x267: {  	v50 =	vsub.f32 v8, v3;
	v45 =	vmax.f32 v43, $0.0e+00;
	v48 =	vmul.f32 $8.000000000e+00, v44  }
0x268: {  	v16 =	vmin.f32 v46, v8;
	v8 =	vmax.f32 v9, v8;
	v13 =	vadd.f32 v13, v45  }
0x269: {  	v49 =	vmax.f32 v19, $0.0e+00;
	v15 =	vmin.f32 v41, v62;
	v7 =	vadd.f32 v48, v7  }
0x26a: {  	v52 =	vmax.f32 v50, $0.0e+00;
	v15 =	vmin.f32 v15, v22;
	v13 =	vadd.f32 v13, v17  }
0x26b: {  	v4 =	vsub.f32 v16, v4;
	v3 =	vsub.f32 v8, v3;
	v51 =	vmin.f32 v15, v7  }
0x26c: {  	v11 =	vmax.f32 v11, v62;
	v9 =	vsub.f32 v51, v6;
	v13 =	vadd.f32 v13, v49  }
0x26d: {  	v4 =	vand.u32 $0x7FFFFFFF, v4;
	v11 =	vmax.f32 v11, v22;
	v6 =	vsub.f32 v6, v7  }
0x26e: {  	v11 =	vmax.f32 v11, v7;
	v9 =	vand.u32 $0x7FFFFFFF, v9;
	v13 =	vadd.f32 v13, v52  }
0x26f: {  	v7 =	vsub.f32 v7, v5;
	v6 =	vmax.f32 v6, $0.0e+00;
	v4 =	vadd.f32 v9, v4  }
0x270: {  	v3 =	vand.u32 $0x7FFFFFFF, v3;
	v5 =	vsub.f32 v11, v5;
	v6 =	vadd.f32 v13, v6  }
0x271: {  	v53 =	vadd.f32 v14, v12;
	v7 =	vmax.f32 v7, $0.0e+00;
	v3 =	vadd.f32 v4, v3  }
0x272: {  	v54 =	vmul.f32 v10, v0;
	v5 =	vand.u32 $0x7FFFFFFF, v5;
	v6 =	vadd.f32 v6, v7  }
0x273: {  	v55 =	vsel vm0, $0x0, v53;
	v3 =	vadd.f32 v3, v5  }
0x274: {  	(xrf2) =	vadd.scan.msk.f32 $0xffff, v55;
	v4 =	vsel vm0, $0x0, v54;
	v56 =	vmul.f32 v6, v0  }
0x275: {  	(xrf2) =	vadd.scan.msk.f32 $0xffff, v4;
	v3 =	vsel vm0, $0x0, v3  }
0x276: {  	(xrf2) =	vadd.scan.msk.f32 $0xffff, v3;
	v0 =	vsel vm0, $0x0, v56  }
0x277: {  	(xrf2) =	vadd.scan.msk.f32 $0xffff, v0;
	_ =	sdelay $0x6  }
0x278: {  	v57, _, _ =	vpop (xrf2)  }
0x279: {  	v59 =	vld [tilespmem:$0xD20];
	v58, _, _ =	vpop (xrf2);
	v0 =	vbroadcast v57, $0xF  }
0x27a: {  	vm11 =	vmmov $0x1;
	v3 =	vbroadcast v58, $0xF;
	v60, _, _ =	vpop (xrf2)  }
0x27b: {  	vm12 =	vcmask $0x314;
	v5 =	vbroadcast v60, $0xF;
	v0 =	vnsel vm11, $0x0, v0;
	v61, _, _ =	vpop (xrf2)  }
0x27c: {  	vm13 =	vcmask $0x714;
	v0 =	vsel vm12, v0, v3;
	v62 =	vbroadcast v61, $0xF  }
0x27d: {  	vm14 =	vcmask $0xB14;
	v2 =	vbroadcast v2, $0xF;
	[tilespmem:$0xDB0] =	vst v1;
	v0 =	vsel vm13, v0, v5  }
0x27e: {  	vm15 =	vcmask $0xF14;
	[tilespmem:$0xDA0] =	vst v59;
	v63 =	vimm.f32 $0.0e+00;
	v0 =	vsel vm14, v0, v62  }
0x27f: {  	[tilespmem:$0xDD0] =	vst v63;
	v0 =	vsel vm15, v0, v2  }
0x280: {  	s26 =	simm.s32 $0x0;
	s28 =	simm.s32 $0xDA0;
	[tilespmem:$0xDC0] =	vst v0  }
0x281: {  	[hbm4b:s3+s26] =	stream.linear.scatter [tilespmem:s28], [sflag:$0x3], $0x10, $0x38;
	[tilespmem:$0xE20] =	vst v63  }
0x282: {  	s29 =	simm.s32 $0xDB0  }
0x283: {  	[hbm4b:s2+s26] =	stream.linear.scatter [tilespmem:s29], [sflag:$0x3], $0x10, $0x38;
	[tilespmem:$0xE20] =	vst v63  }
0x284: {  	s30 =	simm.s32 $0xDC0  }
0x285: {  	[hbm4b:s5+s26] =	stream.linear.scatter [tilespmem:s30], [sflag:$0x3], $0x10, $0x38;
	[tilespmem:$0xE20] =	vst v63  }
0x286: {  	s31 =	simm.s32 $0xDD0  }
0x287: {  	[hbm4b:s4+s26] =	stream.linear.scatter [tilespmem:s31], [sflag:$0x3], $0x10, $0x38;
	[tilespmem:$0xE20] =	vst v63  }
0x288: {  	_ =	swait.ge [sflag:s25], $0x10  }
0x289: {  	[sflag:s25] =	ssyncset.done $0x0  }
0x28a: {  	[sflag:s25] =	ssyncadd.s32 $0xFFFFFFF0  }
0x28b: {  	_ =	swait.ge [sflag:s25], $0x10  }
0x28c: {  	[sflag:s25] =	ssyncset.done $0x0  }
0x28d: {  	[sflag:s25] =	ssyncadd.s32 $0xFFFFFFF0  }
0x28e: {  	_ =	swait.ge [sflag:s25], $0x10  }
0x28f: {  	[sflag:s25] =	ssyncset.done $0x0  }
0x290: {  	[sflag:s25] =	ssyncadd.s32 $0xFFFFFFF0  }
0x291: {  	_ =	swait.ge [sflag:s25], $0x10  }
0x292: {  	[sflag:s25] =	ssyncset.done $0x0  }
0x293: {  	[sflag:s25] =	ssyncadd.s32 $0xFFFFFFF0  }
.LBB2_4:
0x294: {  	_ =	sfence.sel $0x180000  }
0x295: {  	[bflag:$0x0] =	sbarrier.arrive $0xFFFF  }
0x296: {  	p0 =	sne.s32 s1, $0x0;
	_ =	strace $0x90000047  }
0x297: {  	s0 =	sadd.s32 @!p0 $0x100000, s0;
	[bflag:$0x2] =	sbarrier.arrive $0xFFFF  }
0x298: {  	[sflag:s0] =	ssyncadd.tile.s32 @!p0 $0x1;
	_ =	shalt  }
.Lfunc_end2:
_tile_overlayer_lowered:
.L_overlay_start_2:
0x299: {  	(tag) =	ssettag $0x2  }
0x29a: {  	s0 =	rddreg [dreg:$0x0];
	s2 =	stileid.u32  }
0x29b: {  	s1 =	rddreg [dreg:$0x1];
	p0 =	sne.s32 s2, $0x0  }
0x29c: {  	s3 =	rddreg [dreg:$0x2];
	[bflag:$0x3] =	sbarrier.arrive $0xFFFF;
	s2 =	simm.s32 @!p0 $0x1C04  }
0x29d: {  	[timem:s3], [sflag:s2] =	dma.local @!p0 [hbm:s0], s1  }
0x29e: {  	s0 =	simm.s32 @!p0 $0x4  }
0x29f: {  	_ =	swait.ge @!p0 [sflag:s0], s1  }
0x2a0: {  	s1 =	ssub.s32 @!p0 $0x0, s1;
	[sflag:s0] =	ssyncset.done @!p0 $0x0  }
0x2a1: {  	[sflag:s0] =	ssyncadd.s32 @!p0 s1  }
0x2a2: {  	[bflag:$0x3] =	sbarrier.arrive $0xFFFF  }
0x2a3: {  	_ =	shalt  }

</sc_bundles>
